<compile_context>
chip_gen: v7x
topology: tpu7x:2x2x1
jax: 0.10.2.dev20260603
libtpu: 0.0.44.dev20260713+nightly
codegen_flags: <defaults>
</compile_context>

<pallas_src>
import functools

import jax
import jax.numpy as jnp
from jax import lax
from jax.experimental import pallas as pl
from jax.experimental.pallas import tpu as pltpu
from jax.experimental.pallas import tpu_sc as plsc

N = 10000
E = 320000
D = 128
H = 64
NP = 10240
L = 4

NCORE = 2
NSUB = 16
RPT = NP // NSUB
EPC = E // NCORE
EPT2 = EPC // NSUB

_MESH = plsc.VectorSubcoreMesh(core_axis_name="c", subcore_axis_name="s")



KD = 128
NFD = EPT2 // KD
RKD = EPT2 - NFD * KD


def _deg_body(src_hbm, dst_hbm, ones_hbm, z_hbm, deg_s_hbm, deg_d_hbm,
              s0, d0, s1, d1, sr_, dr_, ones_v, deg_s_sh, deg_d_sh,
              is0, id0, is1, id1):
    c = lax.axis_index("c")
    s = lax.axis_index("s")
    pltpu.sync_copy(ones_hbm, ones_v)
    pltpu.sync_copy(z_hbm.at[pl.ds(s * RPT, RPT)],
                    deg_s_sh.at[pl.ds(s * RPT, RPT)])
    pltpu.sync_copy(z_hbm.at[pl.ds(s * RPT, RPT)],
                    deg_d_sh.at[pl.ds(s * RPT, RPT)])
    plsc.subcore_barrier()
    base = c * EPC + s * EPT2

    pltpu.async_copy(src_hbm.at[pl.ds(base, KD)], s0, is0)
    pltpu.async_copy(dst_hbm.at[pl.ds(base, KD)], d0, id0)

    @pl.loop(0, NFD // 2 - 1)
    def _(j):
        i0 = 2 * j
        pltpu.async_copy(src_hbm.at[pl.ds(base + (i0 + 1) * KD, KD)], s1,
                         is1)
        pltpu.async_copy(dst_hbm.at[pl.ds(base + (i0 + 1) * KD, KD)], d1,
                         id1)
        pltpu.make_async_copy(src_hbm.at[pl.ds(base, KD)], s0, is0).wait()
        pltpu.make_async_copy(dst_hbm.at[pl.ds(base, KD)], d0, id0).wait()
        a = pltpu.async_copy(ones_v, deg_s_sh.at[s0], is0, add=True)
        b = pltpu.async_copy(ones_v, deg_d_sh.at[d0], id0, add=True)
        a.wait()
        b.wait()
        pltpu.async_copy(src_hbm.at[pl.ds(base + (i0 + 2) * KD, KD)], s0,
                         is0)
        pltpu.async_copy(dst_hbm.at[pl.ds(base + (i0 + 2) * KD, KD)], d0,
                         id0)
        pltpu.make_async_copy(src_hbm.at[pl.ds(base, KD)], s1, is1).wait()
        pltpu.make_async_copy(dst_hbm.at[pl.ds(base, KD)], d1, id1).wait()
        a2 = pltpu.async_copy(ones_v, deg_s_sh.at[s1], is1, add=True)
        b2 = pltpu.async_copy(ones_v, deg_d_sh.at[d1], id1, add=True)
        a2.wait()
        b2.wait()

    pltpu.async_copy(src_hbm.at[pl.ds(base + (NFD - 1) * KD, KD)], s1, is1)
    pltpu.async_copy(dst_hbm.at[pl.ds(base + (NFD - 1) * KD, KD)], d1, id1)
    pltpu.make_async_copy(src_hbm.at[pl.ds(base, KD)], s0, is0).wait()
    pltpu.make_async_copy(dst_hbm.at[pl.ds(base, KD)], d0, id0).wait()
    a = pltpu.async_copy(ones_v, deg_s_sh.at[s0], is0, add=True)
    b = pltpu.async_copy(ones_v, deg_d_sh.at[d0], id0, add=True)
    a.wait()
    b.wait()
    pltpu.async_copy(src_hbm.at[pl.ds(base + NFD * KD, RKD)], sr_, is0)
    pltpu.async_copy(dst_hbm.at[pl.ds(base + NFD * KD, RKD)], dr_, id0)
    pltpu.make_async_copy(src_hbm.at[pl.ds(base, KD)], s1, is1).wait()
    pltpu.make_async_copy(dst_hbm.at[pl.ds(base, KD)], d1, id1).wait()
    a2 = pltpu.async_copy(ones_v, deg_s_sh.at[s1], is1, add=True)
    b2 = pltpu.async_copy(ones_v, deg_d_sh.at[d1], id1, add=True)
    a2.wait()
    b2.wait()
    pltpu.make_async_copy(src_hbm.at[pl.ds(base, RKD)], sr_, is0).wait()
    pltpu.make_async_copy(dst_hbm.at[pl.ds(base, RKD)], dr_, id0).wait()
    a3 = pltpu.async_copy(ones_v.at[pl.ds(0, RKD)], deg_s_sh.at[sr_], is0,
                          add=True)
    b3 = pltpu.async_copy(ones_v.at[pl.ds(0, RKD)], deg_d_sh.at[dr_], id0,
                          add=True)
    a3.wait()
    b3.wait()

    plsc.subcore_barrier()
    pltpu.sync_copy(deg_s_sh.at[pl.ds(s * RPT, RPT)],
                    deg_s_hbm.at[pl.ds(c * NP + s * RPT, RPT)])
    pltpu.sync_copy(deg_d_sh.at[pl.ds(s * RPT, RPT)],
                    deg_d_hbm.at[pl.ds(c * NP + s * RPT, RPT)])


_deg_call = pl.kernel(
    _deg_body,
    out_type=(jax.ShapeDtypeStruct((NCORE * NP,), jnp.float32),
              jax.ShapeDtypeStruct((NCORE * NP,), jnp.float32)),
    mesh=_MESH,
    scratch_types=[
        pltpu.VMEM((KD,), jnp.int32),
        pltpu.VMEM((KD,), jnp.int32),
        pltpu.VMEM((KD,), jnp.int32),
        pltpu.VMEM((KD,), jnp.int32),
        pltpu.VMEM((RKD,), jnp.int32),
        pltpu.VMEM((RKD,), jnp.int32),
        pltpu.VMEM((KD,), jnp.float32),
        pltpu.VMEM_SHARED((NP,), jnp.float32),
        pltpu.VMEM_SHARED((NP,), jnp.float32),
        pltpu.SemaphoreType.DMA,
        pltpu.SemaphoreType.DMA,
        pltpu.SemaphoreType.DMA,
        pltpu.SemaphoreType.DMA,
    ],
)




KA = 128
NFULL = EPT2 // KA
RK = EPT2 - NFULL * KA


def _agg_body(m_hbm, src_hbm, dst_hbm, z_hbm, agg_hbm,
              sidx, d0, d1, dr, r0, r1, rr, agg_sh,
              sg0, sg1, si0, si1, sr):
    c = lax.axis_index("c")
    s = lax.axis_index("s")
    base = c * EPC + s * EPT2
    pltpu.sync_copy(src_hbm.at[pl.ds(base, EPT2)], sidx)

    def fetch(t, d, r, si, sg):
        pltpu.async_copy(dst_hbm.at[pl.ds(base + t * KA, KA)], d, si)
        pltpu.async_copy(m_hbm.at[sidx.at[pl.ds(t * KA, KA)]], r, sg)

    def drain_scatter(d, r, si, sg):
        pltpu.make_async_copy(m_hbm.at[pl.ds(0, KA)], r, sg).wait()
        pltpu.make_async_copy(dst_hbm.at[pl.ds(base, KA)], d, si).wait()
        pltpu.sync_copy(r, agg_sh.at[d], add=True)

    fetch(0, d0, r0, si0, sg0)
    pltpu.sync_copy(z_hbm.at[pl.ds(s * RPT, RPT)],
                    agg_sh.at[pl.ds(s * RPT, RPT)])
    plsc.subcore_barrier()

    @pl.loop(0, NFULL // 2 - 1)
    def _(j):
        i0 = 2 * j
        fetch(i0 + 1, d1, r1, si1, sg1)
        drain_scatter(d0, r0, si0, sg0)
        fetch(i0 + 2, d0, r0, si0, sg0)
        drain_scatter(d1, r1, si1, sg1)

    fetch(NFULL - 1, d1, r1, si1, sg1)
    drain_scatter(d0, r0, si0, sg0)
    pltpu.async_copy(dst_hbm.at[pl.ds(base + NFULL * KA, RK)], dr, sr)
    pltpu.async_copy(m_hbm.at[sidx.at[pl.ds(NFULL * KA, RK)]], rr, sr)
    drain_scatter(d1, r1, si1, sg1)
    pltpu.make_async_copy(dst_hbm.at[pl.ds(base, RK)], dr, sr).wait()
    pltpu.make_async_copy(m_hbm.at[pl.ds(0, RK)], rr, sr).wait()
    pltpu.sync_copy(rr, agg_sh.at[dr], add=True)

    plsc.subcore_barrier()
    pltpu.sync_copy(agg_sh.at[pl.ds(s * RPT, RPT)],
                    agg_hbm.at[c, pl.ds(s * RPT, RPT)])


_agg_call = pl.kernel(
    _agg_body,
    out_type=jax.ShapeDtypeStruct((NCORE, NP, D), jnp.float32),
    mesh=_MESH,
    scratch_types=[
        pltpu.VMEM((EPT2,), jnp.int32),
        pltpu.VMEM((KA,), jnp.int32),
        pltpu.VMEM((KA,), jnp.int32),
        pltpu.VMEM((RK,), jnp.int32),
        pltpu.VMEM((KA, D), jnp.float32),
        pltpu.VMEM((KA, D), jnp.float32),
        pltpu.VMEM((RK, D), jnp.float32),
        pltpu.VMEM_SHARED((NP, D), jnp.float32),
        pltpu.SemaphoreType.DMA,
        pltpu.SemaphoreType.DMA,
        pltpu.SemaphoreType.DMA,
        pltpu.SemaphoreType.DMA,
        pltpu.SemaphoreType.DMA,
    ],
)



R = 2000
G = N // R


def _norm(d):
    return jnp.where(d > 0, lax.rsqrt(jnp.maximum(d, 1.0)), 0.0)


def _prologue_body(h_ref, w_ref, b_ref, dsrc_ref, h0_ref, m_ref):
    h0 = jnp.dot(h_ref[...], w_ref[...],
                 preferred_element_type=jnp.float32) + b_ref[...]
    h0_ref[...] = h0
    ns = _norm(dsrc_ref[0, :, 0] + dsrc_ref[1, :, 0])
    m_ref[...] = h0 * ns[:, None]


_prologue_call = pl.pallas_call(
    _prologue_body,
    grid=(G,),
    in_specs=[
        pl.BlockSpec((R, D), lambda i: (i, 0)),
        pl.BlockSpec((D, D), lambda i: (0, 0)),
        pl.BlockSpec((1, D), lambda i: (0, 0)),
        pl.BlockSpec((NCORE, R, 1), lambda i: (0, i, 0)),
    ],
    out_specs=[
        pl.BlockSpec((R, D), lambda i: (i, 0)),
        pl.BlockSpec((R, D), lambda i: (i, 0)),
    ],
    out_shape=[
        jax.ShapeDtypeStruct((N, D), jnp.float32),
        jax.ShapeDtypeStruct((N, D), jnp.float32),
    ],
)


def _layer_body(is_last, agg_ref, h_ref, w_ref, b_ref, g_ref, bt_ref,
                dsrc_ref, ddst_ref, *outs):
    nd = _norm(ddst_ref[0, :, 0] + ddst_ref[1, :, 0])
    a = (agg_ref[0] + agg_ref[1]) * nd[:, None]
    hl = (jnp.dot(a, w_ref[...], preferred_element_type=jnp.float32)
          + b_ref[...])
    hl = jnp.maximum(g_ref[...] * hl + bt_ref[...], 0.0)
    hout = h_ref[...] + hl
    if is_last:
        hg_ref, = outs

        @pl.when(pl.program_id(0) == 0)
        def _():
            hg_ref[...] = jnp.zeros_like(hg_ref)

        hg_ref[...] += jnp.sum(hout, axis=0, keepdims=True) * (1.0 / N)
    else:
        hout_ref, m_ref = outs
        hout_ref[...] = hout
        ns = _norm(dsrc_ref[0, :, 0] + dsrc_ref[1, :, 0])
        m_ref[...] = hout * ns[:, None]


def _make_layer(is_last):
    if is_last:
        out_shape = [jax.ShapeDtypeStruct((1, D), jnp.float32)]
        out_specs = [pl.BlockSpec((1, D), lambda i: (0, 0))]
    else:
        out_shape = [
            jax.ShapeDtypeStruct((N, D), jnp.float32),
            jax.ShapeDtypeStruct((N, D), jnp.float32),
        ]
        out_specs = [
            pl.BlockSpec((R, D), lambda i: (i, 0)),
            pl.BlockSpec((R, D), lambda i: (i, 0)),
        ]
    return pl.pallas_call(
        functools.partial(_layer_body, is_last),
        grid=(G,),
        in_specs=[
            pl.BlockSpec((NCORE, R, D), lambda i: (0, i, 0)),
            pl.BlockSpec((R, D), lambda i: (i, 0)),
            pl.BlockSpec((D, D), lambda i: (0, 0)),
            pl.BlockSpec((1, D), lambda i: (0, 0)),
            pl.BlockSpec((1, D), lambda i: (0, 0)),
            pl.BlockSpec((1, D), lambda i: (0, 0)),
            pl.BlockSpec((NCORE, R, 1), lambda i: (0, i, 0)),
            pl.BlockSpec((NCORE, R, 1), lambda i: (0, i, 0)),
        ],
        out_specs=out_specs,
        out_shape=out_shape,
    )


_layer_mid = _make_layer(False)
_layer_last = _make_layer(True)


def kernel(h, edge_index, e, W_embed, b_embed, Ws, bs, gammas, betas):
    del e
    ei = edge_index.astype(jnp.int32)
    src = ei[0]
    dst = ei[1]
    ones_v = jnp.ones((KD,), jnp.float32)
    zeros = jnp.zeros((NP, D), jnp.float32)
    z1 = jnp.zeros((NP,), jnp.float32)
    deg_s, deg_d = _deg_call(src, dst, ones_v, z1)
    deg_s = deg_s.reshape(NCORE, NP, 1)
    deg_d = deg_d.reshape(NCORE, NP, 1)
    hcur, m = _prologue_call(h, W_embed, b_embed.reshape(1, D), deg_s)
    for l in range(L):
        agg = _agg_call(m, src, dst, zeros)
        b2 = bs[l].reshape(1, D)
        g2 = gammas[l].reshape(1, D)
        bt2 = betas[l].reshape(1, D)
        if l < L - 1:
            hcur, m = _layer_mid(agg, hcur, Ws[l], b2, g2, bt2, deg_s,
                                 deg_d)
        else:
            hg, = _layer_last(agg, hcur, Ws[l], b2, g2, bt2, deg_s, deg_d)
    return hg

# --- scband reference (transcript-rebuilt; emitter-appended) ---
"""Pipeline reference for scband-gcnnet-21912923144343 (READ-ONLY COPY).

The authoritative reference and input builder live on the scoring server;
editing this copy changes nothing except your own understanding.
"""

import jax, jax.numpy as jnp
import numpy as np

N = 10000
E = 320000
D_IN = 128
HID = 128
OUT = 128
L = 4


def setup_inputs(seed: int = 0) -> dict:
    key = jax.random.key(seed)
    ks = jax.random.split(key, 6)
    h = jax.random.normal(ks[0], (N, D_IN), dtype=jnp.float32)
    edge_index = jax.random.randint(ks[1], (2, E), 0, N, dtype=jnp.int32)
    e = jnp.zeros((E, 4), dtype=jnp.float32)
    W_embed = jax.random.normal(ks[2], (D_IN, HID), dtype=jnp.float32) * 0.05
    b_embed = jnp.zeros((HID,), dtype=jnp.float32)
    Ws = jax.random.normal(ks[3], (L, HID, HID), dtype=jnp.float32) * 0.05
    bs = jnp.zeros((L, HID), dtype=jnp.float32)
    gammas = jnp.ones((L, HID), dtype=jnp.float32)
    betas = jnp.zeros((L, HID), dtype=jnp.float32)
    return {"h": h, "edge_index": edge_index, "e": e, "W_embed": W_embed,
            "b_embed": b_embed, "Ws": Ws, "bs": bs, "gammas": gammas, "betas": betas}


def reference(h, edge_index, e, W_embed, b_embed, Ws, bs, gammas, betas):
    # e is accepted per the original signature but unused (forward ignores edge feats)
    src = edge_index[0]
    dst = edge_index[1]
    deg_out = jnp.bincount(src, length=N).astype(jnp.float32)
    deg_in = jnp.bincount(dst, length=N).astype(jnp.float32)
    norm_src = jnp.where(deg_out > 0, jax.lax.rsqrt(jnp.maximum(deg_out, 1.0)), 0.0)
    norm_dst = jnp.where(deg_in > 0, jax.lax.rsqrt(jnp.maximum(deg_in, 1.0)), 0.0)
    # embedding_h: Linear(in_dim -> hidden_dim); in_feat_dropout is no-op in eval
    h = h @ W_embed + b_embed
    for l in range(L):
        h_in = h
        # DGL GraphConv with symmetric ('both') normalization
        m = h * norm_src[:, None]
        msgs = jnp.take(m, src, axis=0)
        agg = jax.ops.segment_sum(msgs, dst, num_segments=N)
        hl = agg * norm_dst[:, None]
        hl = hl @ Ws[l] + bs[l]
        # BatchNorm in eval mode with running_mean=0, running_var=1
        hl = gammas[l] * hl + betas[l]
        hl = jax.nn.relu(hl)
        # residual connection (hidden_dim == out_dim so always applied)
        h = h_in + hl
        # dropout p=0.0 -> no-op
    # readout == 'mean' over the single batched graph -> [1, out_dim]
    hg = jnp.mean(h, axis=0, keepdims=True)
    return hg

if __name__ == "__main__":
    import jax
    _d = setup_inputs()
    print(jax.jit(kernel)(*tuple(_d.values())))

</pallas_src>

<mosaic_0001>
#map = affine_map<(d0, d1) -> (0, 0)>
#map1 = affine_map<(d0, d1) -> (0)>
#map2 = affine_map<(d0, d1) -> (0, 0, 0)>
module attributes {stable_mosaic.version = 14 : i64} {
  func.func @_agg_body(%arg0: i32, %arg1: i32, %arg2: memref<10000x128xf32, #tpu.memory_space<hbm>>, %arg3: memref<320000xi32, #tpu.memory_space<hbm>>, %arg4: memref<320000xi32, #tpu.memory_space<hbm>>, %arg5: memref<10240x128xf32, #tpu.memory_space<hbm>>, %arg6: memref<2x10240x128xf32, #tpu.memory_space<hbm>>, %arg7: memref<10000xi32, #tpu.memory_space<vmem>>, %arg8: memref<128xi32, #tpu.memory_space<vmem>>, %arg9: memref<128xi32, #tpu.memory_space<vmem>>, %arg10: memref<16xi32, #tpu.memory_space<vmem>>, %arg11: memref<128x128xf32, #tpu.memory_space<vmem>>, %arg12: memref<128x128xf32, #tpu.memory_space<vmem>>, %arg13: memref<16x128xf32, #tpu.memory_space<vmem>>, %arg14: memref<10240x128xf32, #tpu.memory_space<vmem_shared>>, %arg15: memref<!tpu.dma_semaphore, #tpu.memory_space<semaphore_mem>>, %arg16: memref<!tpu.dma_semaphore, #tpu.memory_space<semaphore_mem>>, %arg17: memref<!tpu.dma_semaphore, #tpu.memory_space<semaphore_mem>>, %arg18: memref<!tpu.dma_semaphore, #tpu.memory_space<semaphore_mem>>, %arg19: memref<!tpu.dma_semaphore, #tpu.memory_space<semaphore_mem>>) attributes {dimension_semantics = [#tpu.dimension_semantics<core_parallel>, #tpu.dimension_semantics<subcore_parallel>], iteration_bounds = array<i64: 2, 16>, scalar_prefetch = 0 : i64, scratch_operands = 13 : i64, tpu.core_type = #tpu.core_type<sc_vector_subcore>, window_params = [{transform_indices = #map}, {transform_indices = #map1}, {transform_indices = #map1}, {transform_indices = #map}, {transform_indices = #map2}]} {
    %mul3A = arith.constant 160000 : i32
    %mul3A_0 = arith.muli %arg0, %mul3A : i32
    %mul3A_1 = arith.constant 10000 : i32
    %mul3A_2 = arith.muli %arg1, %mul3A_1 : i32
    %add3A = arith.addi %mul3A_0, %mul3A_2 : i32
    "tpu.region"() ({
      %run_scoped3A = tpu.sem_alloc : memref<!tpu.dma_semaphore, #tpu.memory_space<semaphore_mem>>
      %dma_start3A_65 = tpu.memref_slice %arg3[%add3A] : memref<320000xi32, #tpu.memory_space<hbm>> -> memref<10000xi32, #tpu.memory_space<hbm>>
      %dma_start3A_66 = tpu.memref_slice %arg3[%add3A] : memref<320000xi32, #tpu.memory_space<hbm>> -> memref<10000xi32, #tpu.memory_space<hbm>>
      tpu.enqueue_dma source(%dma_start3A_66 : memref<10000xi32, #tpu.memory_space<hbm>>) target(%arg7 : memref<10000xi32, #tpu.memory_space<vmem>>) target_semaphore(%run_scoped3A : memref<!tpu.dma_semaphore, #tpu.memory_space<semaphore_mem>>)
      %dma_wait3A_67 = tpu.memref_slice %arg3[%add3A] : memref<320000xi32, #tpu.memory_space<hbm>> -> memref<10000xi32, #tpu.memory_space<hbm>>
      %dma_wait3A_68 = tpu.memref_slice %arg3[%add3A] : memref<320000xi32, #tpu.memory_space<hbm>> -> memref<10000xi32, #tpu.memory_space<hbm>>
      tpu.wait_dma2 semaphore(%run_scoped3A : memref<!tpu.dma_semaphore, #tpu.memory_space<semaphore_mem>>) src(%dma_wait3A_68 : memref<10000xi32, #tpu.memory_space<hbm>>) dst(%arg7 : memref<10000xi32, #tpu.memory_space<vmem>>)
      tpu.yield
    }) : () -> ()
    %add3A_3 = arith.constant 0 : i32
    %add3A_4 = arith.addi %add3A, %add3A_3 : i32
    %dma_start3A = tpu.memref_slice %arg4[%add3A_4] : memref<320000xi32, #tpu.memory_space<hbm>> -> memref<128xi32, #tpu.memory_space<hbm>>
    %dma_start3A_5 = tpu.memref_slice %arg4[%add3A_4] : memref<320000xi32, #tpu.memory_space<hbm>> -> memref<128xi32, #tpu.memory_space<hbm>>
    tpu.enqueue_dma source(%dma_start3A_5 : memref<128xi32, #tpu.memory_space<hbm>>) target(%arg8 : memref<128xi32, #tpu.memory_space<vmem>>) target_semaphore(%arg17 : memref<!tpu.dma_semaphore, #tpu.memory_space<semaphore_mem>>)
    %dma_start3A_6 = arith.constant 0 : i32
    %dma_start3A_7 = tpu.memref_slice %arg7[%dma_start3A_6] : memref<10000xi32, #tpu.memory_space<vmem>> -> memref<128xi32, #tpu.memory_space<vmem>>
    %dma_start3A_8 = arith.constant 0 : i32
    %dma_start3A_9 = arith.constant 0 : i32
    %dma_start3A_10 = tpu.memref_slice %arg2[%dma_start3A_8, %dma_start3A_9] : memref<10000x128xf32, #tpu.memory_space<hbm>> -> memref<10000x128xf32, #tpu.memory_space<hbm>>
    tpu.enqueue_indirect_dma source(%dma_start3A_10 : memref<10000x128xf32, #tpu.memory_space<hbm>>) target(%arg11 : memref<128x128xf32, #tpu.memory_space<vmem>>) offsets(%dma_start3A_7 : memref<128xi32, #tpu.memory_space<vmem>>) semaphore(%arg15 : memref<!tpu.dma_semaphore, #tpu.memory_space<semaphore_mem>>)
    %mul3A_11 = arith.constant 640 : i32
    %mul3A_12 = arith.muli %arg1, %mul3A_11 : i32
    %mul3A_13 = arith.constant 640 : i32
    %mul3A_14 = arith.muli %arg1, %mul3A_13 : i32
    "tpu.region"() ({
      %run_scoped3A = tpu.sem_alloc : memref<!tpu.dma_semaphore, #tpu.memory_space<semaphore_mem>>
      %dma_start3A_65 = arith.constant 0 : i32
      %dma_start3A_66 = tpu.memref_slice %arg14[%mul3A_14, %dma_start3A_65] : memref<10240x128xf32, #tpu.memory_space<vmem_shared>> -> memref<640x128xf32, #tpu.memory_space<vmem_shared>>
      %dma_start3A_67 = arith.constant 0 : i32
      %dma_start3A_68 = tpu.memref_slice %arg5[%mul3A_12, %dma_start3A_67] : memref<10240x128xf32, #tpu.memory_space<hbm>> -> memref<640x128xf32, #tpu.memory_space<hbm>>
      tpu.enqueue_dma source(%dma_start3A_68 : memref<640x128xf32, #tpu.memory_space<hbm>>) target(%dma_start3A_66 : memref<640x128xf32, #tpu.memory_space<vmem_shared>>) target_semaphore(%run_scoped3A : memref<!tpu.dma_semaphore, #tpu.memory_space<semaphore_mem>>)
      %dma_wait3A_69 = arith.constant 0 : i32
      %dma_wait3A_70 = tpu.memref_slice %arg14[%mul3A_14, %dma_wait3A_69] : memref<10240x128xf32, #tpu.memory_space<vmem_shared>> -> memref<640x128xf32, #tpu.memory_space<vmem_shared>>
      %dma_wait3A_71 = arith.constant 0 : i32
      %dma_wait3A_72 = tpu.memref_slice %arg5[%mul3A_12, %dma_wait3A_71] : memref<10240x128xf32, #tpu.memory_space<hbm>> -> memref<640x128xf32, #tpu.memory_space<hbm>>
      tpu.wait_dma2 semaphore(%run_scoped3A : memref<!tpu.dma_semaphore, #tpu.memory_space<semaphore_mem>>) src(%dma_wait3A_72 : memref<640x128xf32, #tpu.memory_space<hbm>>) dst(%dma_wait3A_70 : memref<640x128xf32, #tpu.memory_space<vmem_shared>>)
      tpu.yield
    }) : () -> ()
    %barrier3A = arith.constant 0 : index
    tpu.barrier barrier_id(%barrier3A)
    %scan3A = arith.constant 0 : i32
    %scan3A_15 = arith.constant 38 : i32
    %scan3A_16 = arith.addi %scan3A, %scan3A_15 : i32
    %scan3A_17 = arith.constant 1 : i32
    scf.for %scan3A_65 = %scan3A to %scan3A_16 step %scan3A_17  : i32 {
      %mul3A_66 = arith.constant 1 : i32
      %mul3A_67 = arith.muli %scan3A_65, %mul3A_66 : i32
      %add3A_68 = arith.constant 0 : i32
      %add3A_69 = arith.addi %add3A_68, %mul3A_67 : i32
      %mul3A_70 = arith.constant 2 : i32
      %mul3A_71 = arith.muli %mul3A_70, %add3A_69 : i32
      %add3A_72 = arith.constant 1 : i32
      %add3A_73 = arith.addi %mul3A_71, %add3A_72 : i32
      %mul3A_74 = arith.constant 128 : i32
      %mul3A_75 = arith.muli %add3A_73, %mul3A_74 : i32
      %add3A_76 = arith.addi %add3A, %mul3A_75 : i32
      %dma_start3A_77 = tpu.memref_slice %arg4[%add3A_76] : memref<320000xi32, #tpu.memory_space<hbm>> -> memref<128xi32, #tpu.memory_space<hbm>>
      %dma_start3A_78 = tpu.memref_slice %arg4[%add3A_76] : memref<320000xi32, #tpu.memory_space<hbm>> -> memref<128xi32, #tpu.memory_space<hbm>>
      tpu.enqueue_dma source(%dma_start3A_78 : memref<128xi32, #tpu.memory_space<hbm>>) target(%arg9 : memref<128xi32, #tpu.memory_space<vmem>>) target_semaphore(%arg18 : memref<!tpu.dma_semaphore, #tpu.memory_space<semaphore_mem>>)
      %mul3A_79 = arith.constant 128 : i32
      %mul3A_80 = arith.muli %add3A_73, %mul3A_79 : i32
      %dma_start3A_81 = tpu.memref_slice %arg7[%mul3A_80] : memref<10000xi32, #tpu.memory_space<vmem>> -> memref<128xi32, #tpu.memory_space<vmem>>
      %dma_start3A_82 = arith.constant 0 : i32
      %dma_start3A_83 = arith.constant 0 : i32
      %dma_start3A_84 = tpu.memref_slice %arg2[%dma_start3A_82, %dma_start3A_83] : memref<10000x128xf32, #tpu.memory_space<hbm>> -> memref<10000x128xf32, #tpu.memory_space<hbm>>
      tpu.enqueue_indirect_dma source(%dma_start3A_84 : memref<10000x128xf32, #tpu.memory_space<hbm>>) target(%arg12 : memref<128x128xf32, #tpu.memory_space<vmem>>) offsets(%dma_start3A_81 : memref<128xi32, #tpu.memory_space<vmem>>) semaphore(%arg16 : memref<!tpu.dma_semaphore, #tpu.memory_space<semaphore_mem>>)
      %dma_wait3A_85 = arith.constant 0 : i32
      %dma_wait3A_86 = arith.constant 0 : i32
      %dma_wait3A_87 = tpu.memref_slice %arg2[%dma_wait3A_85, %dma_wait3A_86] : memref<10000x128xf32, #tpu.memory_space<hbm>> -> memref<128x128xf32, #tpu.memory_space<hbm>>
      %dma_wait3A_88 = arith.constant 0 : i32
      %dma_wait3A_89 = arith.constant 0 : i32
      %dma_wait3A_90 = tpu.memref_slice %arg2[%dma_wait3A_88, %dma_wait3A_89] : memref<10000x128xf32, #tpu.memory_space<hbm>> -> memref<128x128xf32, #tpu.memory_space<hbm>>
      tpu.wait_dma2 semaphore(%arg15 : memref<!tpu.dma_semaphore, #tpu.memory_space<semaphore_mem>>) src(%dma_wait3A_90 : memref<128x128xf32, #tpu.memory_space<hbm>>) dst(%arg11 : memref<128x128xf32, #tpu.memory_space<vmem>>)
      %dma_wait3A_91 = tpu.memref_slice %arg4[%add3A] : memref<320000xi32, #tpu.memory_space<hbm>> -> memref<128xi32, #tpu.memory_space<hbm>>
      %dma_wait3A_92 = tpu.memref_slice %arg4[%add3A] : memref<320000xi32, #tpu.memory_space<hbm>> -> memref<128xi32, #tpu.memory_space<hbm>>
      tpu.wait_dma2 semaphore(%arg17 : memref<!tpu.dma_semaphore, #tpu.memory_space<semaphore_mem>>) src(%dma_wait3A_92 : memref<128xi32, #tpu.memory_space<hbm>>) dst(%arg8 : memref<128xi32, #tpu.memory_space<vmem>>)
      "tpu.region"() ({
        %run_scoped3A = tpu.sem_alloc : memref<!tpu.dma_semaphore, #tpu.memory_space<semaphore_mem>>
        %dma_start3A_114 = arith.constant 0 : i32
        %dma_start3A_115 = arith.constant 0 : i32
        %dma_start3A_116 = tpu.memref_slice %arg14[%dma_start3A_114, %dma_start3A_115] : memref<10240x128xf32, #tpu.memory_space<vmem_shared>> -> memref<10240x128xf32, #tpu.memory_space<vmem_shared>>
        tpu.enqueue_indirect_dma source(%arg11 : memref<128x128xf32, #tpu.memory_space<vmem>>) target(%dma_start3A_116 : memref<10240x128xf32, #tpu.memory_space<vmem_shared>>) offsets(%arg8 : memref<128xi32, #tpu.memory_space<vmem>>) semaphore(%run_scoped3A : memref<!tpu.dma_semaphore, #tpu.memory_space<semaphore_mem>>) {add = true}
        %dma_wait3A_117 = arith.constant 0 : i32
        %dma_wait3A_118 = arith.constant 0 : i32
        %dma_wait3A_119 = tpu.memref_slice %arg14[%dma_wait3A_117, %dma_wait3A_118] : memref<10240x128xf32, #tpu.memory_space<vmem_shared>> -> memref<10240x128xf32, #tpu.memory_space<vmem_shared>>
        tpu.wait_indirect_dma semaphore(%run_scoped3A : memref<!tpu.dma_semaphore, #tpu.memory_space<semaphore_mem>>) src(%arg11 : memref<128x128xf32, #tpu.memory_space<vmem>>) dst(%dma_wait3A_119 : memref<10240x128xf32, #tpu.memory_space<vmem_shared>>)
        tpu.yield
      }) : () -> ()
      %add3A_93 = arith.constant 2 : i32
      %add3A_94 = arith.addi %mul3A_71, %add3A_93 : i32
      %mul3A_95 = arith.constant 128 : i32
      %mul3A_96 = arith.muli %add3A_94, %mul3A_95 : i32
      %add3A_97 = arith.addi %add3A, %mul3A_96 : i32
      %dma_start3A_98 = tpu.memref_slice %arg4[%add3A_97] : memref<320000xi32, #tpu.memory_space<hbm>> -> memref<128xi32, #tpu.memory_space<hbm>>
      %dma_start3A_99 = tpu.memref_slice %arg4[%add3A_97] : memref<320000xi32, #tpu.memory_space<hbm>> -> memref<128xi32, #tpu.memory_space<hbm>>
      tpu.enqueue_dma source(%dma_start3A_99 : memref<128xi32, #tpu.memory_space<hbm>>) target(%arg8 : memref<128xi32, #tpu.memory_space<vmem>>) target_semaphore(%arg17 : memref<!tpu.dma_semaphore, #tpu.memory_space<semaphore_mem>>)
      %mul3A_100 = arith.constant 128 : i32
      %mul3A_101 = arith.muli %add3A_94, %mul3A_100 : i32
      %dma_start3A_102 = tpu.memref_slice %arg7[%mul3A_101] : memref<10000xi32, #tpu.memory_space<vmem>> -> memref<128xi32, #tpu.memory_space<vmem>>
      %dma_start3A_103 = arith.constant 0 : i32
      %dma_start3A_104 = arith.constant 0 : i32
      %dma_start3A_105 = tpu.memref_slice %arg2[%dma_start3A_103, %dma_start3A_104] : memref<10000x128xf32, #tpu.memory_space<hbm>> -> memref<10000x128xf32, #tpu.memory_space<hbm>>
      tpu.enqueue_indirect_dma source(%dma_start3A_105 : memref<10000x128xf32, #tpu.memory_space<hbm>>) target(%arg11 : memref<128x128xf32, #tpu.memory_space<vmem>>) offsets(%dma_start3A_102 : memref<128xi32, #tpu.memory_space<vmem>>) semaphore(%arg15 : memref<!tpu.dma_semaphore, #tpu.memory_space<semaphore_mem>>)
      %dma_wait3A_106 = arith.constant 0 : i32
      %dma_wait3A_107 = arith.constant 0 : i32
      %dma_wait3A_108 = tpu.memref_slice %arg2[%dma_wait3A_106, %dma_wait3A_107] : memref<10000x128xf32, #tpu.memory_space<hbm>> -> memref<128x128xf32, #tpu.memory_space<hbm>>
      %dma_wait3A_109 = arith.constant 0 : i32
      %dma_wait3A_110 = arith.constant 0 : i32
      %dma_wait3A_111 = tpu.memref_slice %arg2[%dma_wait3A_109, %dma_wait3A_110] : memref<10000x128xf32, #tpu.memory_space<hbm>> -> memref<128x128xf32, #tpu.memory_space<hbm>>
      tpu.wait_dma2 semaphore(%arg16 : memref<!tpu.dma_semaphore, #tpu.memory_space<semaphore_mem>>) src(%dma_wait3A_111 : memref<128x128xf32, #tpu.memory_space<hbm>>) dst(%arg12 : memref<128x128xf32, #tpu.memory_space<vmem>>)
      %dma_wait3A_112 = tpu.memref_slice %arg4[%add3A] : memref<320000xi32, #tpu.memory_space<hbm>> -> memref<128xi32, #tpu.memory_space<hbm>>
      %dma_wait3A_113 = tpu.memref_slice %arg4[%add3A] : memref<320000xi32, #tpu.memory_space<hbm>> -> memref<128xi32, #tpu.memory_space<hbm>>
      tpu.wait_dma2 semaphore(%arg18 : memref<!tpu.dma_semaphore, #tpu.memory_space<semaphore_mem>>) src(%dma_wait3A_113 : memref<128xi32, #tpu.memory_space<hbm>>) dst(%arg9 : memref<128xi32, #tpu.memory_space<vmem>>)
      "tpu.region"() ({
        %run_scoped3A = tpu.sem_alloc : memref<!tpu.dma_semaphore, #tpu.memory_space<semaphore_mem>>
        %dma_start3A_114 = arith.constant 0 : i32
        %dma_start3A_115 = arith.constant 0 : i32
        %dma_start3A_116 = tpu.memref_slice %arg14[%dma_start3A_114, %dma_start3A_115] : memref<10240x128xf32, #tpu.memory_space<vmem_shared>> -> memref<10240x128xf32, #tpu.memory_space<vmem_shared>>
        tpu.enqueue_indirect_dma source(%arg12 : memref<128x128xf32, #tpu.memory_space<vmem>>) target(%dma_start3A_116 : memref<10240x128xf32, #tpu.memory_space<vmem_shared>>) offsets(%arg9 : memref<128xi32, #tpu.memory_space<vmem>>) semaphore(%run_scoped3A : memref<!tpu.dma_semaphore, #tpu.memory_space<semaphore_mem>>) {add = true}
        %dma_wait3A_117 = arith.constant 0 : i32
        %dma_wait3A_118 = arith.constant 0 : i32
        %dma_wait3A_119 = tpu.memref_slice %arg14[%dma_wait3A_117, %dma_wait3A_118] : memref<10240x128xf32, #tpu.memory_space<vmem_shared>> -> memref<10240x128xf32, #tpu.memory_space<vmem_shared>>
        tpu.wait_indirect_dma semaphore(%run_scoped3A : memref<!tpu.dma_semaphore, #tpu.memory_space<semaphore_mem>>) src(%arg12 : memref<128x128xf32, #tpu.memory_space<vmem>>) dst(%dma_wait3A_119 : memref<10240x128xf32, #tpu.memory_space<vmem_shared>>)
        tpu.yield
      }) : () -> ()
    }
    %scan3A_18 = arith.constant 38 : i32
    %add3A_19 = arith.constant 9856 : i32
    %add3A_20 = arith.addi %add3A, %add3A_19 : i32
    %dma_start3A_21 = tpu.memref_slice %arg4[%add3A_20] : memref<320000xi32, #tpu.memory_space<hbm>> -> memref<128xi32, #tpu.memory_space<hbm>>
    %dma_start3A_22 = tpu.memref_slice %arg4[%add3A_20] : memref<320000xi32, #tpu.memory_space<hbm>> -> memref<128xi32, #tpu.memory_space<hbm>>
    tpu.enqueue_dma source(%dma_start3A_22 : memref<128xi32, #tpu.memory_space<hbm>>) target(%arg9 : memref<128xi32, #tpu.memory_space<vmem>>) target_semaphore(%arg18 : memref<!tpu.dma_semaphore, #tpu.memory_space<semaphore_mem>>)
    %dma_start3A_23 = arith.constant 9856 : i32
    %dma_start3A_24 = tpu.memref_slice %arg7[%dma_start3A_23] : memref<10000xi32, #tpu.memory_space<vmem>> -> memref<128xi32, #tpu.memory_space<vmem>>
    %dma_start3A_25 = arith.constant 0 : i32
    %dma_start3A_26 = arith.constant 0 : i32
    %dma_start3A_27 = tpu.memref_slice %arg2[%dma_start3A_25, %dma_start3A_26] : memref<10000x128xf32, #tpu.memory_space<hbm>> -> memref<10000x128xf32, #tpu.memory_space<hbm>>
    tpu.enqueue_indirect_dma source(%dma_start3A_27 : memref<10000x128xf32, #tpu.memory_space<hbm>>) target(%arg12 : memref<128x128xf32, #tpu.memory_space<vmem>>) offsets(%dma_start3A_24 : memref<128xi32, #tpu.memory_space<vmem>>) semaphore(%arg16 : memref<!tpu.dma_semaphore, #tpu.memory_space<semaphore_mem>>)
    %dma_wait3A = arith.constant 0 : i32
    %dma_wait3A_28 = arith.constant 0 : i32
    %dma_wait3A_29 = tpu.memref_slice %arg2[%dma_wait3A, %dma_wait3A_28] : memref<10000x128xf32, #tpu.memory_space<hbm>> -> memref<128x128xf32, #tpu.memory_space<hbm>>
    %dma_wait3A_30 = arith.constant 0 : i32
    %dma_wait3A_31 = arith.constant 0 : i32
    %dma_wait3A_32 = tpu.memref_slice %arg2[%dma_wait3A_30, %dma_wait3A_31] : memref<10000x128xf32, #tpu.memory_space<hbm>> -> memref<128x128xf32, #tpu.memory_space<hbm>>
    tpu.wait_dma2 semaphore(%arg15 : memref<!tpu.dma_semaphore, #tpu.memory_space<semaphore_mem>>) src(%dma_wait3A_32 : memref<128x128xf32, #tpu.memory_space<hbm>>) dst(%arg11 : memref<128x128xf32, #tpu.memory_space<vmem>>)
    %dma_wait3A_33 = tpu.memref_slice %arg4[%add3A] : memref<320000xi32, #tpu.memory_space<hbm>> -> memref<128xi32, #tpu.memory_space<hbm>>
    %dma_wait3A_34 = tpu.memref_slice %arg4[%add3A] : memref<320000xi32, #tpu.memory_space<hbm>> -> memref<128xi32, #tpu.memory_space<hbm>>
    tpu.wait_dma2 semaphore(%arg17 : memref<!tpu.dma_semaphore, #tpu.memory_space<semaphore_mem>>) src(%dma_wait3A_34 : memref<128xi32, #tpu.memory_space<hbm>>) dst(%arg8 : memref<128xi32, #tpu.memory_space<vmem>>)
    "tpu.region"() ({
      %run_scoped3A = tpu.sem_alloc : memref<!tpu.dma_semaphore, #tpu.memory_space<semaphore_mem>>
      %dma_start3A_65 = arith.constant 0 : i32
      %dma_start3A_66 = arith.constant 0 : i32
      %dma_start3A_67 = tpu.memref_slice %arg14[%dma_start3A_65, %dma_start3A_66] : memref<10240x128xf32, #tpu.memory_space<vmem_shared>> -> memref<10240x128xf32, #tpu.memory_space<vmem_shared>>
      tpu.enqueue_indirect_dma source(%arg11 : memref<128x128xf32, #tpu.memory_space<vmem>>) target(%dma_start3A_67 : memref<10240x128xf32, #tpu.memory_space<vmem_shared>>) offsets(%arg8 : memref<128xi32, #tpu.memory_space<vmem>>) semaphore(%run_scoped3A : memref<!tpu.dma_semaphore, #tpu.memory_space<semaphore_mem>>) {add = true}
      %dma_wait3A_68 = arith.constant 0 : i32
      %dma_wait3A_69 = arith.constant 0 : i32
      %dma_wait3A_70 = tpu.memref_slice %arg14[%dma_wait3A_68, %dma_wait3A_69] : memref<10240x128xf32, #tpu.memory_space<vmem_shared>> -> memref<10240x128xf32, #tpu.memory_space<vmem_shared>>
      tpu.wait_indirect_dma semaphore(%run_scoped3A : memref<!tpu.dma_semaphore, #tpu.memory_space<semaphore_mem>>) src(%arg11 : memref<128x128xf32, #tpu.memory_space<vmem>>) dst(%dma_wait3A_70 : memref<10240x128xf32, #tpu.memory_space<vmem_shared>>)
      tpu.yield
    }) : () -> ()
    %add3A_35 = arith.constant 9984 : i32
    %add3A_36 = arith.addi %add3A, %add3A_35 : i32
    %dma_start3A_37 = tpu.memref_slice %arg4[%add3A_36] : memref<320000xi32, #tpu.memory_space<hbm>> -> memref<16xi32, #tpu.memory_space<hbm>>
    %dma_start3A_38 = tpu.memref_slice %arg4[%add3A_36] : memref<320000xi32, #tpu.memory_space<hbm>> -> memref<16xi32, #tpu.memory_space<hbm>>
    tpu.enqueue_dma source(%dma_start3A_38 : memref<16xi32, #tpu.memory_space<hbm>>) target(%arg10 : memref<16xi32, #tpu.memory_space<vmem>>) target_semaphore(%arg19 : memref<!tpu.dma_semaphore, #tpu.memory_space<semaphore_mem>>)
    %dma_start3A_39 = arith.constant 9984 : i32
    %dma_start3A_40 = tpu.memref_slice %arg7[%dma_start3A_39] : memref<10000xi32, #tpu.memory_space<vmem>> -> memref<16xi32, #tpu.memory_space<vmem>>
    %dma_start3A_41 = arith.constant 0 : i32
    %dma_start3A_42 = arith.constant 0 : i32
    %dma_start3A_43 = tpu.memref_slice %arg2[%dma_start3A_41, %dma_start3A_42] : memref<10000x128xf32, #tpu.memory_space<hbm>> -> memref<10000x128xf32, #tpu.memory_space<hbm>>
    tpu.enqueue_indirect_dma source(%dma_start3A_43 : memref<10000x128xf32, #tpu.memory_space<hbm>>) target(%arg13 : memref<16x128xf32, #tpu.memory_space<vmem>>) offsets(%dma_start3A_40 : memref<16xi32, #tpu.memory_space<vmem>>) semaphore(%arg19 : memref<!tpu.dma_semaphore, #tpu.memory_space<semaphore_mem>>)
    %dma_wait3A_44 = arith.constant 0 : i32
    %dma_wait3A_45 = arith.constant 0 : i32
    %dma_wait3A_46 = tpu.memref_slice %arg2[%dma_wait3A_44, %dma_wait3A_45] : memref<10000x128xf32, #tpu.memory_space<hbm>> -> memref<128x128xf32, #tpu.memory_space<hbm>>
    %dma_wait3A_47 = arith.constant 0 : i32
    %dma_wait3A_48 = arith.constant 0 : i32
    %dma_wait3A_49 = tpu.memref_slice %arg2[%dma_wait3A_47, %dma_wait3A_48] : memref<10000x128xf32, #tpu.memory_space<hbm>> -> memref<128x128xf32, #tpu.memory_space<hbm>>
    tpu.wait_dma2 semaphore(%arg16 : memref<!tpu.dma_semaphore, #tpu.memory_space<semaphore_mem>>) src(%dma_wait3A_49 : memref<128x128xf32, #tpu.memory_space<hbm>>) dst(%arg12 : memref<128x128xf32, #tpu.memory_space<vmem>>)
    %dma_wait3A_50 = tpu.memref_slice %arg4[%add3A] : memref<320000xi32, #tpu.memory_space<hbm>> -> memref<128xi32, #tpu.memory_space<hbm>>
    %dma_wait3A_51 = tpu.memref_slice %arg4[%add3A] : memref<320000xi32, #tpu.memory_space<hbm>> -> memref<128xi32, #tpu.memory_space<hbm>>
    tpu.wait_dma2 semaphore(%arg18 : memref<!tpu.dma_semaphore, #tpu.memory_space<semaphore_mem>>) src(%dma_wait3A_51 : memref<128xi32, #tpu.memory_space<hbm>>) dst(%arg9 : memref<128xi32, #tpu.memory_space<vmem>>)
    "tpu.region"() ({
      %run_scoped3A = tpu.sem_alloc : memref<!tpu.dma_semaphore, #tpu.memory_space<semaphore_mem>>
      %dma_start3A_65 = arith.constant 0 : i32
      %dma_start3A_66 = arith.constant 0 : i32
      %dma_start3A_67 = tpu.memref_slice %arg14[%dma_start3A_65, %dma_start3A_66] : memref<10240x128xf32, #tpu.memory_space<vmem_shared>> -> memref<10240x128xf32, #tpu.memory_space<vmem_shared>>
      tpu.enqueue_indirect_dma source(%arg12 : memref<128x128xf32, #tpu.memory_space<vmem>>) target(%dma_start3A_67 : memref<10240x128xf32, #tpu.memory_space<vmem_shared>>) offsets(%arg9 : memref<128xi32, #tpu.memory_space<vmem>>) semaphore(%run_scoped3A : memref<!tpu.dma_semaphore, #tpu.memory_space<semaphore_mem>>) {add = true}
      %dma_wait3A_68 = arith.constant 0 : i32
      %dma_wait3A_69 = arith.constant 0 : i32
      %dma_wait3A_70 = tpu.memref_slice %arg14[%dma_wait3A_68, %dma_wait3A_69] : memref<10240x128xf32, #tpu.memory_space<vmem_shared>> -> memref<10240x128xf32, #tpu.memory_space<vmem_shared>>
      tpu.wait_indirect_dma semaphore(%run_scoped3A : memref<!tpu.dma_semaphore, #tpu.memory_space<semaphore_mem>>) src(%arg12 : memref<128x128xf32, #tpu.memory_space<vmem>>) dst(%dma_wait3A_70 : memref<10240x128xf32, #tpu.memory_space<vmem_shared>>)
      tpu.yield
    }) : () -> ()
    %dma_wait3A_52 = tpu.memref_slice %arg4[%add3A] : memref<320000xi32, #tpu.memory_space<hbm>> -> memref<16xi32, #tpu.memory_space<hbm>>
    %dma_wait3A_53 = tpu.memref_slice %arg4[%add3A] : memref<320000xi32, #tpu.memory_space<hbm>> -> memref<16xi32, #tpu.memory_space<hbm>>
    tpu.wait_dma2 semaphore(%arg19 : memref<!tpu.dma_semaphore, #tpu.memory_space<semaphore_mem>>) src(%dma_wait3A_53 : memref<16xi32, #tpu.memory_space<hbm>>) dst(%arg10 : memref<16xi32, #tpu.memory_space<vmem>>)
    %dma_wait3A_54 = arith.constant 0 : i32
    %dma_wait3A_55 = arith.constant 0 : i32
    %dma_wait3A_56 = tpu.memref_slice %arg2[%dma_wait3A_54, %dma_wait3A_55] : memref<10000x128xf32, #tpu.memory_space<hbm>> -> memref<16x128xf32, #tpu.memory_space<hbm>>
    %dma_wait3A_57 = arith.constant 0 : i32
    %dma_wait3A_58 = arith.constant 0 : i32
    %dma_wait3A_59 = tpu.memref_slice %arg2[%dma_wait3A_57, %dma_wait3A_58] : memref<10000x128xf32, #tpu.memory_space<hbm>> -> memref<16x128xf32, #tpu.memory_space<hbm>>
    tpu.wait_dma2 semaphore(%arg19 : memref<!tpu.dma_semaphore, #tpu.memory_space<semaphore_mem>>) src(%dma_wait3A_59 : memref<16x128xf32, #tpu.memory_space<hbm>>) dst(%arg13 : memref<16x128xf32, #tpu.memory_space<vmem>>)
    "tpu.region"() ({
      %run_scoped3A = tpu.sem_alloc : memref<!tpu.dma_semaphore, #tpu.memory_space<semaphore_mem>>
      %dma_start3A_65 = arith.constant 0 : i32
      %dma_start3A_66 = arith.constant 0 : i32
      %dma_start3A_67 = tpu.memref_slice %arg14[%dma_start3A_65, %dma_start3A_66] : memref<10240x128xf32, #tpu.memory_space<vmem_shared>> -> memref<10240x128xf32, #tpu.memory_space<vmem_shared>>
      tpu.enqueue_indirect_dma source(%arg13 : memref<16x128xf32, #tpu.memory_space<vmem>>) target(%dma_start3A_67 : memref<10240x128xf32, #tpu.memory_space<vmem_shared>>) offsets(%arg10 : memref<16xi32, #tpu.memory_space<vmem>>) semaphore(%run_scoped3A : memref<!tpu.dma_semaphore, #tpu.memory_space<semaphore_mem>>) {add = true}
      %dma_wait3A_68 = arith.constant 0 : i32
      %dma_wait3A_69 = arith.constant 0 : i32
      %dma_wait3A_70 = tpu.memref_slice %arg14[%dma_wait3A_68, %dma_wait3A_69] : memref<10240x128xf32, #tpu.memory_space<vmem_shared>> -> memref<10240x128xf32, #tpu.memory_space<vmem_shared>>
      tpu.wait_indirect_dma semaphore(%run_scoped3A : memref<!tpu.dma_semaphore, #tpu.memory_space<semaphore_mem>>) src(%arg13 : memref<16x128xf32, #tpu.memory_space<vmem>>) dst(%dma_wait3A_70 : memref<10240x128xf32, #tpu.memory_space<vmem_shared>>)
      tpu.yield
    }) : () -> ()
    %barrier3A_60 = arith.constant 0 : index
    tpu.barrier barrier_id(%barrier3A_60)
    %mul3A_61 = arith.constant 640 : i32
    %mul3A_62 = arith.muli %arg1, %mul3A_61 : i32
    %mul3A_63 = arith.constant 640 : i32
    %mul3A_64 = arith.muli %arg1, %mul3A_63 : i32
    "tpu.region"() ({
      %run_scoped3A = tpu.sem_alloc : memref<!tpu.dma_semaphore, #tpu.memory_space<semaphore_mem>>
      %dma_start3A_65 = arith.constant 0 : i32
      %dma_start3A_66 = tpu.memref_slice %arg6[%arg0, %mul3A_64, %dma_start3A_65] : memref<2x10240x128xf32, #tpu.memory_space<hbm>> -> memref<1x640x128xf32, #tpu.memory_space<hbm>>
      %dma_start3A_67 = tpu.memref_squeeze %dma_start3A_66 : memref<1x640x128xf32, #tpu.memory_space<hbm>> -> memref<640x128xf32, #tpu.memory_space<hbm>>
      %dma_start3A_68 = arith.constant 0 : i32
      %dma_start3A_69 = tpu.memref_slice %arg14[%mul3A_62, %dma_start3A_68] : memref<10240x128xf32, #tpu.memory_space<vmem_shared>> -> memref<640x128xf32, #tpu.memory_space<vmem_shared>>
      tpu.enqueue_dma source(%dma_start3A_69 : memref<640x128xf32, #tpu.memory_space<vmem_shared>>) target(%dma_start3A_67 : memref<640x128xf32, #tpu.memory_space<hbm>>) target_semaphore(%run_scoped3A : memref<!tpu.dma_semaphore, #tpu.memory_space<semaphore_mem>>)
      %dma_wait3A_70 = arith.constant 0 : i32
      %dma_wait3A_71 = tpu.memref_slice %arg6[%arg0, %mul3A_64, %dma_wait3A_70] : memref<2x10240x128xf32, #tpu.memory_space<hbm>> -> memref<1x640x128xf32, #tpu.memory_space<hbm>>
      %dma_wait3A_72 = tpu.memref_squeeze %dma_wait3A_71 : memref<1x640x128xf32, #tpu.memory_space<hbm>> -> memref<640x128xf32, #tpu.memory_space<hbm>>
      %dma_wait3A_73 = arith.constant 0 : i32
      %dma_wait3A_74 = tpu.memref_slice %arg14[%mul3A_62, %dma_wait3A_73] : memref<10240x128xf32, #tpu.memory_space<vmem_shared>> -> memref<640x128xf32, #tpu.memory_space<vmem_shared>>
      tpu.wait_dma2 semaphore(%run_scoped3A : memref<!tpu.dma_semaphore, #tpu.memory_space<semaphore_mem>>) src(%dma_wait3A_74 : memref<640x128xf32, #tpu.memory_space<vmem_shared>>) dst(%dma_wait3A_72 : memref<640x128xf32, #tpu.memory_space<hbm>>)
      tpu.yield
    }) : () -> ()
    return
  }
}

#map = affine_map<(d0, d1) -> (0)>
module attributes {stable_mosaic.version = 14 : i64} {
  func.func @_deg_body(%arg0: i32, %arg1: i32, %arg2: memref<320000xi32, #tpu.memory_space<hbm>>, %arg3: memref<320000xi32, #tpu.memory_space<hbm>>, %arg4: memref<128xf32, #tpu.memory_space<hbm>>, %arg5: memref<10240xf32, #tpu.memory_space<hbm>>, %arg6: memref<20480xf32, #tpu.memory_space<hbm>>, %arg7: memref<20480xf32, #tpu.memory_space<hbm>>, %arg8: memref<128xi32, #tpu.memory_space<vmem>>, %arg9: memref<128xi32, #tpu.memory_space<vmem>>, %arg10: memref<128xi32, #tpu.memory_space<vmem>>, %arg11: memref<128xi32, #tpu.memory_space<vmem>>, %arg12: memref<16xi32, #tpu.memory_space<vmem>>, %arg13: memref<16xi32, #tpu.memory_space<vmem>>, %arg14: memref<128xf32, #tpu.memory_space<vmem>>, %arg15: memref<10240xf32, #tpu.memory_space<vmem_shared>>, %arg16: memref<10240xf32, #tpu.memory_space<vmem_shared>>, %arg17: memref<!tpu.dma_semaphore, #tpu.memory_space<semaphore_mem>>, %arg18: memref<!tpu.dma_semaphore, #tpu.memory_space<semaphore_mem>>, %arg19: memref<!tpu.dma_semaphore, #tpu.memory_space<semaphore_mem>>, %arg20: memref<!tpu.dma_semaphore, #tpu.memory_space<semaphore_mem>>) attributes {dimension_semantics = [#tpu.dimension_semantics<core_parallel>, #tpu.dimension_semantics<subcore_parallel>], iteration_bounds = array<i64: 2, 16>, scalar_prefetch = 0 : i64, scratch_operands = 13 : i64, tpu.core_type = #tpu.core_type<sc_vector_subcore>, window_params = [{transform_indices = #map}, {transform_indices = #map}, {transform_indices = #map}, {transform_indices = #map}, {transform_indices = #map}, {transform_indices = #map}]} {
    "tpu.region"() ({
      %run_scoped3A = tpu.sem_alloc : memref<!tpu.dma_semaphore, #tpu.memory_space<semaphore_mem>>
      tpu.enqueue_dma source(%arg4 : memref<128xf32, #tpu.memory_space<hbm>>) target(%arg14 : memref<128xf32, #tpu.memory_space<vmem>>) target_semaphore(%run_scoped3A : memref<!tpu.dma_semaphore, #tpu.memory_space<semaphore_mem>>)
      tpu.wait_dma2 semaphore(%run_scoped3A : memref<!tpu.dma_semaphore, #tpu.memory_space<semaphore_mem>>) src(%arg4 : memref<128xf32, #tpu.memory_space<hbm>>) dst(%arg14 : memref<128xf32, #tpu.memory_space<vmem>>)
      tpu.yield
    }) : () -> ()
    %mul3A = arith.constant 640 : i32
    %mul3A_0 = arith.muli %arg1, %mul3A : i32
    %mul3A_1 = arith.constant 640 : i32
    %mul3A_2 = arith.muli %arg1, %mul3A_1 : i32
    "tpu.region"() ({
      %run_scoped3A = tpu.sem_alloc : memref<!tpu.dma_semaphore, #tpu.memory_space<semaphore_mem>>
      %dma_start3A_92 = tpu.memref_slice %arg15[%mul3A_2] : memref<10240xf32, #tpu.memory_space<vmem_shared>> -> memref<640xf32, #tpu.memory_space<vmem_shared>>
      %dma_start3A_93 = tpu.memref_slice %arg5[%mul3A_0] : memref<10240xf32, #tpu.memory_space<hbm>> -> memref<640xf32, #tpu.memory_space<hbm>>
      tpu.enqueue_dma source(%dma_start3A_93 : memref<640xf32, #tpu.memory_space<hbm>>) target(%dma_start3A_92 : memref<640xf32, #tpu.memory_space<vmem_shared>>) target_semaphore(%run_scoped3A : memref<!tpu.dma_semaphore, #tpu.memory_space<semaphore_mem>>)
      %dma_wait3A_94 = tpu.memref_slice %arg15[%mul3A_2] : memref<10240xf32, #tpu.memory_space<vmem_shared>> -> memref<640xf32, #tpu.memory_space<vmem_shared>>
      %dma_wait3A_95 = tpu.memref_slice %arg5[%mul3A_0] : memref<10240xf32, #tpu.memory_space<hbm>> -> memref<640xf32, #tpu.memory_space<hbm>>
      tpu.wait_dma2 semaphore(%run_scoped3A : memref<!tpu.dma_semaphore, #tpu.memory_space<semaphore_mem>>) src(%dma_wait3A_95 : memref<640xf32, #tpu.memory_space<hbm>>) dst(%dma_wait3A_94 : memref<640xf32, #tpu.memory_space<vmem_shared>>)
      tpu.yield
    }) : () -> ()
    %mul3A_3 = arith.constant 640 : i32
    %mul3A_4 = arith.muli %arg1, %mul3A_3 : i32
    %mul3A_5 = arith.constant 640 : i32
    %mul3A_6 = arith.muli %arg1, %mul3A_5 : i32
    "tpu.region"() ({
      %run_scoped3A = tpu.sem_alloc : memref<!tpu.dma_semaphore, #tpu.memory_space<semaphore_mem>>
      %dma_start3A_92 = tpu.memref_slice %arg16[%mul3A_6] : memref<10240xf32, #tpu.memory_space<vmem_shared>> -> memref<640xf32, #tpu.memory_space<vmem_shared>>
      %dma_start3A_93 = tpu.memref_slice %arg5[%mul3A_4] : memref<10240xf32, #tpu.memory_space<hbm>> -> memref<640xf32, #tpu.memory_space<hbm>>
      tpu.enqueue_dma source(%dma_start3A_93 : memref<640xf32, #tpu.memory_space<hbm>>) target(%dma_start3A_92 : memref<640xf32, #tpu.memory_space<vmem_shared>>) target_semaphore(%run_scoped3A : memref<!tpu.dma_semaphore, #tpu.memory_space<semaphore_mem>>)
      %dma_wait3A_94 = tpu.memref_slice %arg16[%mul3A_6] : memref<10240xf32, #tpu.memory_space<vmem_shared>> -> memref<640xf32, #tpu.memory_space<vmem_shared>>
      %dma_wait3A_95 = tpu.memref_slice %arg5[%mul3A_4] : memref<10240xf32, #tpu.memory_space<hbm>> -> memref<640xf32, #tpu.memory_space<hbm>>
      tpu.wait_dma2 semaphore(%run_scoped3A : memref<!tpu.dma_semaphore, #tpu.memory_space<semaphore_mem>>) src(%dma_wait3A_95 : memref<640xf32, #tpu.memory_space<hbm>>) dst(%dma_wait3A_94 : memref<640xf32, #tpu.memory_space<vmem_shared>>)
      tpu.yield
    }) : () -> ()
    %barrier3A = arith.constant 0 : index
    tpu.barrier barrier_id(%barrier3A)
    %mul3A_7 = arith.constant 160000 : i32
    %mul3A_8 = arith.muli %arg0, %mul3A_7 : i32
    %mul3A_9 = arith.constant 10000 : i32
    %mul3A_10 = arith.muli %arg1, %mul3A_9 : i32
    %add3A = arith.addi %mul3A_8, %mul3A_10 : i32
    %dma_start3A = tpu.memref_slice %arg2[%add3A] : memref<320000xi32, #tpu.memory_space<hbm>> -> memref<128xi32, #tpu.memory_space<hbm>>
    %dma_start3A_11 = tpu.memref_slice %arg2[%add3A] : memref<320000xi32, #tpu.memory_space<hbm>> -> memref<128xi32, #tpu.memory_space<hbm>>
    tpu.enqueue_dma source(%dma_start3A_11 : memref<128xi32, #tpu.memory_space<hbm>>) target(%arg8 : memref<128xi32, #tpu.memory_space<vmem>>) target_semaphore(%arg17 : memref<!tpu.dma_semaphore, #tpu.memory_space<semaphore_mem>>)
    %dma_start3A_12 = tpu.memref_slice %arg3[%add3A] : memref<320000xi32, #tpu.memory_space<hbm>> -> memref<128xi32, #tpu.memory_space<hbm>>
    %dma_start3A_13 = tpu.memref_slice %arg3[%add3A] : memref<320000xi32, #tpu.memory_space<hbm>> -> memref<128xi32, #tpu.memory_space<hbm>>
    tpu.enqueue_dma source(%dma_start3A_13 : memref<128xi32, #tpu.memory_space<hbm>>) target(%arg9 : memref<128xi32, #tpu.memory_space<vmem>>) target_semaphore(%arg18 : memref<!tpu.dma_semaphore, #tpu.memory_space<semaphore_mem>>)
    %scan3A = arith.constant 0 : i32
    %scan3A_14 = arith.constant 38 : i32
    %scan3A_15 = arith.addi %scan3A, %scan3A_14 : i32
    %scan3A_16 = arith.constant 1 : i32
    scf.for %scan3A_92 = %scan3A to %scan3A_15 step %scan3A_16  : i32 {
      %mul3A_93 = arith.constant 1 : i32
      %mul3A_94 = arith.muli %scan3A_92, %mul3A_93 : i32
      %add3A_95 = arith.constant 0 : i32
      %add3A_96 = arith.addi %add3A_95, %mul3A_94 : i32
      %mul3A_97 = arith.constant 2 : i32
      %mul3A_98 = arith.muli %mul3A_97, %add3A_96 : i32
      %add3A_99 = arith.constant 1 : i32
      %add3A_100 = arith.addi %mul3A_98, %add3A_99 : i32
      %mul3A_101 = arith.constant 128 : i32
      %mul3A_102 = arith.muli %add3A_100, %mul3A_101 : i32
      %add3A_103 = arith.addi %add3A, %mul3A_102 : i32
      %dma_start3A_104 = tpu.memref_slice %arg2[%add3A_103] : memref<320000xi32, #tpu.memory_space<hbm>> -> memref<128xi32, #tpu.memory_space<hbm>>
      %dma_start3A_105 = tpu.memref_slice %arg2[%add3A_103] : memref<320000xi32, #tpu.memory_space<hbm>> -> memref<128xi32, #tpu.memory_space<hbm>>
      tpu.enqueue_dma source(%dma_start3A_105 : memref<128xi32, #tpu.memory_space<hbm>>) target(%arg10 : memref<128xi32, #tpu.memory_space<vmem>>) target_semaphore(%arg19 : memref<!tpu.dma_semaphore, #tpu.memory_space<semaphore_mem>>)
      %add3A_106 = arith.constant 1 : i32
      %add3A_107 = arith.addi %mul3A_98, %add3A_106 : i32
      %mul3A_108 = arith.constant 128 : i32
      %mul3A_109 = arith.muli %add3A_107, %mul3A_108 : i32
      %add3A_110 = arith.addi %add3A, %mul3A_109 : i32
      %dma_start3A_111 = tpu.memref_slice %arg3[%add3A_110] : memref<320000xi32, #tpu.memory_space<hbm>> -> memref<128xi32, #tpu.memory_space<hbm>>
      %dma_start3A_112 = tpu.memref_slice %arg3[%add3A_110] : memref<320000xi32, #tpu.memory_space<hbm>> -> memref<128xi32, #tpu.memory_space<hbm>>
      tpu.enqueue_dma source(%dma_start3A_112 : memref<128xi32, #tpu.memory_space<hbm>>) target(%arg11 : memref<128xi32, #tpu.memory_space<vmem>>) target_semaphore(%arg20 : memref<!tpu.dma_semaphore, #tpu.memory_space<semaphore_mem>>)
      %dma_wait3A_113 = tpu.memref_slice %arg2[%add3A] : memref<320000xi32, #tpu.memory_space<hbm>> -> memref<128xi32, #tpu.memory_space<hbm>>
      %dma_wait3A_114 = tpu.memref_slice %arg2[%add3A] : memref<320000xi32, #tpu.memory_space<hbm>> -> memref<128xi32, #tpu.memory_space<hbm>>
      tpu.wait_dma2 semaphore(%arg17 : memref<!tpu.dma_semaphore, #tpu.memory_space<semaphore_mem>>) src(%dma_wait3A_114 : memref<128xi32, #tpu.memory_space<hbm>>) dst(%arg8 : memref<128xi32, #tpu.memory_space<vmem>>)
      %dma_wait3A_115 = tpu.memref_slice %arg3[%add3A] : memref<320000xi32, #tpu.memory_space<hbm>> -> memref<128xi32, #tpu.memory_space<hbm>>
      %dma_wait3A_116 = tpu.memref_slice %arg3[%add3A] : memref<320000xi32, #tpu.memory_space<hbm>> -> memref<128xi32, #tpu.memory_space<hbm>>
      tpu.wait_dma2 semaphore(%arg18 : memref<!tpu.dma_semaphore, #tpu.memory_space<semaphore_mem>>) src(%dma_wait3A_116 : memref<128xi32, #tpu.memory_space<hbm>>) dst(%arg9 : memref<128xi32, #tpu.memory_space<vmem>>)
      %dma_start3A_117 = arith.constant 0 : i32
      %dma_start3A_118 = tpu.memref_slice %arg15[%dma_start3A_117] : memref<10240xf32, #tpu.memory_space<vmem_shared>> -> memref<10240xf32, #tpu.memory_space<vmem_shared>>
      tpu.enqueue_indirect_dma source(%arg14 : memref<128xf32, #tpu.memory_space<vmem>>) target(%dma_start3A_118 : memref<10240xf32, #tpu.memory_space<vmem_shared>>) offsets(%arg8 : memref<128xi32, #tpu.memory_space<vmem>>) semaphore(%arg17 : memref<!tpu.dma_semaphore, #tpu.memory_space<semaphore_mem>>) {add = true}
      %dma_start3A_119 = arith.constant 0 : i32
      %dma_start3A_120 = tpu.memref_slice %arg16[%dma_start3A_119] : memref<10240xf32, #tpu.memory_space<vmem_shared>> -> memref<10240xf32, #tpu.memory_space<vmem_shared>>
      tpu.enqueue_indirect_dma source(%arg14 : memref<128xf32, #tpu.memory_space<vmem>>) target(%dma_start3A_120 : memref<10240xf32, #tpu.memory_space<vmem_shared>>) offsets(%arg9 : memref<128xi32, #tpu.memory_space<vmem>>) semaphore(%arg18 : memref<!tpu.dma_semaphore, #tpu.memory_space<semaphore_mem>>) {add = true}
      %dma_wait3A_121 = arith.constant 0 : i32
      %dma_wait3A_122 = tpu.memref_slice %arg15[%dma_wait3A_121] : memref<10240xf32, #tpu.memory_space<vmem_shared>> -> memref<10240xf32, #tpu.memory_space<vmem_shared>>
      tpu.wait_indirect_dma semaphore(%arg17 : memref<!tpu.dma_semaphore, #tpu.memory_space<semaphore_mem>>) src(%arg14 : memref<128xf32, #tpu.memory_space<vmem>>) dst(%dma_wait3A_122 : memref<10240xf32, #tpu.memory_space<vmem_shared>>)
      %dma_wait3A_123 = arith.constant 0 : i32
      %dma_wait3A_124 = tpu.memref_slice %arg16[%dma_wait3A_123] : memref<10240xf32, #tpu.memory_space<vmem_shared>> -> memref<10240xf32, #tpu.memory_space<vmem_shared>>
      tpu.wait_indirect_dma semaphore(%arg18 : memref<!tpu.dma_semaphore, #tpu.memory_space<semaphore_mem>>) src(%arg14 : memref<128xf32, #tpu.memory_space<vmem>>) dst(%dma_wait3A_124 : memref<10240xf32, #tpu.memory_space<vmem_shared>>)
      %add3A_125 = arith.constant 2 : i32
      %add3A_126 = arith.addi %mul3A_98, %add3A_125 : i32
      %mul3A_127 = arith.constant 128 : i32
      %mul3A_128 = arith.muli %add3A_126, %mul3A_127 : i32
      %add3A_129 = arith.addi %add3A, %mul3A_128 : i32
      %dma_start3A_130 = tpu.memref_slice %arg2[%add3A_129] : memref<320000xi32, #tpu.memory_space<hbm>> -> memref<128xi32, #tpu.memory_space<hbm>>
      %dma_start3A_131 = tpu.memref_slice %arg2[%add3A_129] : memref<320000xi32, #tpu.memory_space<hbm>> -> memref<128xi32, #tpu.memory_space<hbm>>
      tpu.enqueue_dma source(%dma_start3A_131 : memref<128xi32, #tpu.memory_space<hbm>>) target(%arg8 : memref<128xi32, #tpu.memory_space<vmem>>) target_semaphore(%arg17 : memref<!tpu.dma_semaphore, #tpu.memory_space<semaphore_mem>>)
      %add3A_132 = arith.constant 2 : i32
      %add3A_133 = arith.addi %mul3A_98, %add3A_132 : i32
      %mul3A_134 = arith.constant 128 : i32
      %mul3A_135 = arith.muli %add3A_133, %mul3A_134 : i32
      %add3A_136 = arith.addi %add3A, %mul3A_135 : i32
      %dma_start3A_137 = tpu.memref_slice %arg3[%add3A_136] : memref<320000xi32, #tpu.memory_space<hbm>> -> memref<128xi32, #tpu.memory_space<hbm>>
      %dma_start3A_138 = tpu.memref_slice %arg3[%add3A_136] : memref<320000xi32, #tpu.memory_space<hbm>> -> memref<128xi32, #tpu.memory_space<hbm>>
      tpu.enqueue_dma source(%dma_start3A_138 : memref<128xi32, #tpu.memory_space<hbm>>) target(%arg9 : memref<128xi32, #tpu.memory_space<vmem>>) target_semaphore(%arg18 : memref<!tpu.dma_semaphore, #tpu.memory_space<semaphore_mem>>)
      %dma_wait3A_139 = tpu.memref_slice %arg2[%add3A] : memref<320000xi32, #tpu.memory_space<hbm>> -> memref<128xi32, #tpu.memory_space<hbm>>
      %dma_wait3A_140 = tpu.memref_slice %arg2[%add3A] : memref<320000xi32, #tpu.memory_space<hbm>> -> memref<128xi32, #tpu.memory_space<hbm>>
      tpu.wait_dma2 semaphore(%arg19 : memref<!tpu.dma_semaphore, #tpu.memory_space<semaphore_mem>>) src(%dma_wait3A_140 : memref<128xi32, #tpu.memory_space<hbm>>) dst(%arg10 : memref<128xi32, #tpu.memory_space<vmem>>)
      %dma_wait3A_141 = tpu.memref_slice %arg3[%add3A] : memref<320000xi32, #tpu.memory_space<hbm>> -> memref<128xi32, #tpu.memory_space<hbm>>
      %dma_wait3A_142 = tpu.memref_slice %arg3[%add3A] : memref<320000xi32, #tpu.memory_space<hbm>> -> memref<128xi32, #tpu.memory_space<hbm>>
      tpu.wait_dma2 semaphore(%arg20 : memref<!tpu.dma_semaphore, #tpu.memory_space<semaphore_mem>>) src(%dma_wait3A_142 : memref<128xi32, #tpu.memory_space<hbm>>) dst(%arg11 : memref<128xi32, #tpu.memory_space<vmem>>)
      %dma_start3A_143 = arith.constant 0 : i32
      %dma_start3A_144 = tpu.memref_slice %arg15[%dma_start3A_143] : memref<10240xf32, #tpu.memory_space<vmem_shared>> -> memref<10240xf32, #tpu.memory_space<vmem_shared>>
      tpu.enqueue_indirect_dma source(%arg14 : memref<128xf32, #tpu.memory_space<vmem>>) target(%dma_start3A_144 : memref<10240xf32, #tpu.memory_space<vmem_shared>>) offsets(%arg10 : memref<128xi32, #tpu.memory_space<vmem>>) semaphore(%arg19 : memref<!tpu.dma_semaphore, #tpu.memory_space<semaphore_mem>>) {add = true}
      %dma_start3A_145 = arith.constant 0 : i32
      %dma_start3A_146 = tpu.memref_slice %arg16[%dma_start3A_145] : memref<10240xf32, #tpu.memory_space<vmem_shared>> -> memref<10240xf32, #tpu.memory_space<vmem_shared>>
      tpu.enqueue_indirect_dma source(%arg14 : memref<128xf32, #tpu.memory_space<vmem>>) target(%dma_start3A_146 : memref<10240xf32, #tpu.memory_space<vmem_shared>>) offsets(%arg11 : memref<128xi32, #tpu.memory_space<vmem>>) semaphore(%arg20 : memref<!tpu.dma_semaphore, #tpu.memory_space<semaphore_mem>>) {add = true}
      %dma_wait3A_147 = arith.constant 0 : i32
      %dma_wait3A_148 = tpu.memref_slice %arg15[%dma_wait3A_147] : memref<10240xf32, #tpu.memory_space<vmem_shared>> -> memref<10240xf32, #tpu.memory_space<vmem_shared>>
      tpu.wait_indirect_dma semaphore(%arg19 : memref<!tpu.dma_semaphore, #tpu.memory_space<semaphore_mem>>) src(%arg14 : memref<128xf32, #tpu.memory_space<vmem>>) dst(%dma_wait3A_148 : memref<10240xf32, #tpu.memory_space<vmem_shared>>)
      %dma_wait3A_149 = arith.constant 0 : i32
      %dma_wait3A_150 = tpu.memref_slice %arg16[%dma_wait3A_149] : memref<10240xf32, #tpu.memory_space<vmem_shared>> -> memref<10240xf32, #tpu.memory_space<vmem_shared>>
      tpu.wait_indirect_dma semaphore(%arg20 : memref<!tpu.dma_semaphore, #tpu.memory_space<semaphore_mem>>) src(%arg14 : memref<128xf32, #tpu.memory_space<vmem>>) dst(%dma_wait3A_150 : memref<10240xf32, #tpu.memory_space<vmem_shared>>)
    }
    %scan3A_17 = arith.constant 38 : i32
    %add3A_18 = arith.constant 9856 : i32
    %add3A_19 = arith.addi %add3A, %add3A_18 : i32
    %dma_start3A_20 = tpu.memref_slice %arg2[%add3A_19] : memref<320000xi32, #tpu.memory_space<hbm>> -> memref<128xi32, #tpu.memory_space<hbm>>
    %dma_start3A_21 = tpu.memref_slice %arg2[%add3A_19] : memref<320000xi32, #tpu.memory_space<hbm>> -> memref<128xi32, #tpu.memory_space<hbm>>
    tpu.enqueue_dma source(%dma_start3A_21 : memref<128xi32, #tpu.memory_space<hbm>>) target(%arg10 : memref<128xi32, #tpu.memory_space<vmem>>) target_semaphore(%arg19 : memref<!tpu.dma_semaphore, #tpu.memory_space<semaphore_mem>>)
    %add3A_22 = arith.constant 9856 : i32
    %add3A_23 = arith.addi %add3A, %add3A_22 : i32
    %dma_start3A_24 = tpu.memref_slice %arg3[%add3A_23] : memref<320000xi32, #tpu.memory_space<hbm>> -> memref<128xi32, #tpu.memory_space<hbm>>
    %dma_start3A_25 = tpu.memref_slice %arg3[%add3A_23] : memref<320000xi32, #tpu.memory_space<hbm>> -> memref<128xi32, #tpu.memory_space<hbm>>
    tpu.enqueue_dma source(%dma_start3A_25 : memref<128xi32, #tpu.memory_space<hbm>>) target(%arg11 : memref<128xi32, #tpu.memory_space<vmem>>) target_semaphore(%arg20 : memref<!tpu.dma_semaphore, #tpu.memory_space<semaphore_mem>>)
    %dma_wait3A = tpu.memref_slice %arg2[%add3A] : memref<320000xi32, #tpu.memory_space<hbm>> -> memref<128xi32, #tpu.memory_space<hbm>>
    %dma_wait3A_26 = tpu.memref_slice %arg2[%add3A] : memref<320000xi32, #tpu.memory_space<hbm>> -> memref<128xi32, #tpu.memory_space<hbm>>
    tpu.wait_dma2 semaphore(%arg17 : memref<!tpu.dma_semaphore, #tpu.memory_space<semaphore_mem>>) src(%dma_wait3A_26 : memref<128xi32, #tpu.memory_space<hbm>>) dst(%arg8 : memref<128xi32, #tpu.memory_space<vmem>>)
    %dma_wait3A_27 = tpu.memref_slice %arg3[%add3A] : memref<320000xi32, #tpu.memory_space<hbm>> -> memref<128xi32, #tpu.memory_space<hbm>>
    %dma_wait3A_28 = tpu.memref_slice %arg3[%add3A] : memref<320000xi32, #tpu.memory_space<hbm>> -> memref<128xi32, #tpu.memory_space<hbm>>
    tpu.wait_dma2 semaphore(%arg18 : memref<!tpu.dma_semaphore, #tpu.memory_space<semaphore_mem>>) src(%dma_wait3A_28 : memref<128xi32, #tpu.memory_space<hbm>>) dst(%arg9 : memref<128xi32, #tpu.memory_space<vmem>>)
    %dma_start3A_29 = arith.constant 0 : i32
    %dma_start3A_30 = tpu.memref_slice %arg15[%dma_start3A_29] : memref<10240xf32, #tpu.memory_space<vmem_shared>> -> memref<10240xf32, #tpu.memory_space<vmem_shared>>
    tpu.enqueue_indirect_dma source(%arg14 : memref<128xf32, #tpu.memory_space<vmem>>) target(%dma_start3A_30 : memref<10240xf32, #tpu.memory_space<vmem_shared>>) offsets(%arg8 : memref<128xi32, #tpu.memory_space<vmem>>) semaphore(%arg17 : memref<!tpu.dma_semaphore, #tpu.memory_space<semaphore_mem>>) {add = true}
    %dma_start3A_31 = arith.constant 0 : i32
    %dma_start3A_32 = tpu.memref_slice %arg16[%dma_start3A_31] : memref<10240xf32, #tpu.memory_space<vmem_shared>> -> memref<10240xf32, #tpu.memory_space<vmem_shared>>
    tpu.enqueue_indirect_dma source(%arg14 : memref<128xf32, #tpu.memory_space<vmem>>) target(%dma_start3A_32 : memref<10240xf32, #tpu.memory_space<vmem_shared>>) offsets(%arg9 : memref<128xi32, #tpu.memory_space<vmem>>) semaphore(%arg18 : memref<!tpu.dma_semaphore, #tpu.memory_space<semaphore_mem>>) {add = true}
    %dma_wait3A_33 = arith.constant 0 : i32
    %dma_wait3A_34 = tpu.memref_slice %arg15[%dma_wait3A_33] : memref<10240xf32, #tpu.memory_space<vmem_shared>> -> memref<10240xf32, #tpu.memory_space<vmem_shared>>
    tpu.wait_indirect_dma semaphore(%arg17 : memref<!tpu.dma_semaphore, #tpu.memory_space<semaphore_mem>>) src(%arg14 : memref<128xf32, #tpu.memory_space<vmem>>) dst(%dma_wait3A_34 : memref<10240xf32, #tpu.memory_space<vmem_shared>>)
    %dma_wait3A_35 = arith.constant 0 : i32
    %dma_wait3A_36 = tpu.memref_slice %arg16[%dma_wait3A_35] : memref<10240xf32, #tpu.memory_space<vmem_shared>> -> memref<10240xf32, #tpu.memory_space<vmem_shared>>
    tpu.wait_indirect_dma semaphore(%arg18 : memref<!tpu.dma_semaphore, #tpu.memory_space<semaphore_mem>>) src(%arg14 : memref<128xf32, #tpu.memory_space<vmem>>) dst(%dma_wait3A_36 : memref<10240xf32, #tpu.memory_space<vmem_shared>>)
    %add3A_37 = arith.constant 9984 : i32
    %add3A_38 = arith.addi %add3A, %add3A_37 : i32
    %dma_start3A_39 = tpu.memref_slice %arg2[%add3A_38] : memref<320000xi32, #tpu.memory_space<hbm>> -> memref<16xi32, #tpu.memory_space<hbm>>
    %dma_start3A_40 = tpu.memref_slice %arg2[%add3A_38] : memref<320000xi32, #tpu.memory_space<hbm>> -> memref<16xi32, #tpu.memory_space<hbm>>
    tpu.enqueue_dma source(%dma_start3A_40 : memref<16xi32, #tpu.memory_space<hbm>>) target(%arg12 : memref<16xi32, #tpu.memory_space<vmem>>) target_semaphore(%arg17 : memref<!tpu.dma_semaphore, #tpu.memory_space<semaphore_mem>>)
    %add3A_41 = arith.constant 9984 : i32
    %add3A_42 = arith.addi %add3A, %add3A_41 : i32
    %dma_start3A_43 = tpu.memref_slice %arg3[%add3A_42] : memref<320000xi32, #tpu.memory_space<hbm>> -> memref<16xi32, #tpu.memory_space<hbm>>
    %dma_start3A_44 = tpu.memref_slice %arg3[%add3A_42] : memref<320000xi32, #tpu.memory_space<hbm>> -> memref<16xi32, #tpu.memory_space<hbm>>
    tpu.enqueue_dma source(%dma_start3A_44 : memref<16xi32, #tpu.memory_space<hbm>>) target(%arg13 : memref<16xi32, #tpu.memory_space<vmem>>) target_semaphore(%arg18 : memref<!tpu.dma_semaphore, #tpu.memory_space<semaphore_mem>>)
    %dma_wait3A_45 = tpu.memref_slice %arg2[%add3A] : memref<320000xi32, #tpu.memory_space<hbm>> -> memref<128xi32, #tpu.memory_space<hbm>>
    %dma_wait3A_46 = tpu.memref_slice %arg2[%add3A] : memref<320000xi32, #tpu.memory_space<hbm>> -> memref<128xi32, #tpu.memory_space<hbm>>
    tpu.wait_dma2 semaphore(%arg19 : memref<!tpu.dma_semaphore, #tpu.memory_space<semaphore_mem>>) src(%dma_wait3A_46 : memref<128xi32, #tpu.memory_space<hbm>>) dst(%arg10 : memref<128xi32, #tpu.memory_space<vmem>>)
    %dma_wait3A_47 = tpu.memref_slice %arg3[%add3A] : memref<320000xi32, #tpu.memory_space<hbm>> -> memref<128xi32, #tpu.memory_space<hbm>>
    %dma_wait3A_48 = tpu.memref_slice %arg3[%add3A] : memref<320000xi32, #tpu.memory_space<hbm>> -> memref<128xi32, #tpu.memory_space<hbm>>
    tpu.wait_dma2 semaphore(%arg20 : memref<!tpu.dma_semaphore, #tpu.memory_space<semaphore_mem>>) src(%dma_wait3A_48 : memref<128xi32, #tpu.memory_space<hbm>>) dst(%arg11 : memref<128xi32, #tpu.memory_space<vmem>>)
    %dma_start3A_49 = arith.constant 0 : i32
    %dma_start3A_50 = tpu.memref_slice %arg15[%dma_start3A_49] : memref<10240xf32, #tpu.memory_space<vmem_shared>> -> memref<10240xf32, #tpu.memory_space<vmem_shared>>
    tpu.enqueue_indirect_dma source(%arg14 : memref<128xf32, #tpu.memory_space<vmem>>) target(%dma_start3A_50 : memref<10240xf32, #tpu.memory_space<vmem_shared>>) offsets(%arg10 : memref<128xi32, #tpu.memory_space<vmem>>) semaphore(%arg19 : memref<!tpu.dma_semaphore, #tpu.memory_space<semaphore_mem>>) {add = true}
    %dma_start3A_51 = arith.constant 0 : i32
    %dma_start3A_52 = tpu.memref_slice %arg16[%dma_start3A_51] : memref<10240xf32, #tpu.memory_space<vmem_shared>> -> memref<10240xf32, #tpu.memory_space<vmem_shared>>
    tpu.enqueue_indirect_dma source(%arg14 : memref<128xf32, #tpu.memory_space<vmem>>) target(%dma_start3A_52 : memref<10240xf32, #tpu.memory_space<vmem_shared>>) offsets(%arg11 : memref<128xi32, #tpu.memory_space<vmem>>) semaphore(%arg20 : memref<!tpu.dma_semaphore, #tpu.memory_space<semaphore_mem>>) {add = true}
    %dma_wait3A_53 = arith.constant 0 : i32
    %dma_wait3A_54 = tpu.memref_slice %arg15[%dma_wait3A_53] : memref<10240xf32, #tpu.memory_space<vmem_shared>> -> memref<10240xf32, #tpu.memory_space<vmem_shared>>
    tpu.wait_indirect_dma semaphore(%arg19 : memref<!tpu.dma_semaphore, #tpu.memory_space<semaphore_mem>>) src(%arg14 : memref<128xf32, #tpu.memory_space<vmem>>) dst(%dma_wait3A_54 : memref<10240xf32, #tpu.memory_space<vmem_shared>>)
    %dma_wait3A_55 = arith.constant 0 : i32
    %dma_wait3A_56 = tpu.memref_slice %arg16[%dma_wait3A_55] : memref<10240xf32, #tpu.memory_space<vmem_shared>> -> memref<10240xf32, #tpu.memory_space<vmem_shared>>
    tpu.wait_indirect_dma semaphore(%arg20 : memref<!tpu.dma_semaphore, #tpu.memory_space<semaphore_mem>>) src(%arg14 : memref<128xf32, #tpu.memory_space<vmem>>) dst(%dma_wait3A_56 : memref<10240xf32, #tpu.memory_space<vmem_shared>>)
    %dma_wait3A_57 = tpu.memref_slice %arg2[%add3A] : memref<320000xi32, #tpu.memory_space<hbm>> -> memref<16xi32, #tpu.memory_space<hbm>>
    %dma_wait3A_58 = tpu.memref_slice %arg2[%add3A] : memref<320000xi32, #tpu.memory_space<hbm>> -> memref<16xi32, #tpu.memory_space<hbm>>
    tpu.wait_dma2 semaphore(%arg17 : memref<!tpu.dma_semaphore, #tpu.memory_space<semaphore_mem>>) src(%dma_wait3A_58 : memref<16xi32, #tpu.memory_space<hbm>>) dst(%arg12 : memref<16xi32, #tpu.memory_space<vmem>>)
    %dma_wait3A_59 = tpu.memref_slice %arg3[%add3A] : memref<320000xi32, #tpu.memory_space<hbm>> -> memref<16xi32, #tpu.memory_space<hbm>>
    %dma_wait3A_60 = tpu.memref_slice %arg3[%add3A] : memref<320000xi32, #tpu.memory_space<hbm>> -> memref<16xi32, #tpu.memory_space<hbm>>
    tpu.wait_dma2 semaphore(%arg18 : memref<!tpu.dma_semaphore, #tpu.memory_space<semaphore_mem>>) src(%dma_wait3A_60 : memref<16xi32, #tpu.memory_space<hbm>>) dst(%arg13 : memref<16xi32, #tpu.memory_space<vmem>>)
    %dma_start3A_61 = arith.constant 0 : i32
    %dma_start3A_62 = tpu.memref_slice %arg14[%dma_start3A_61] : memref<128xf32, #tpu.memory_space<vmem>> -> memref<16xf32, #tpu.memory_space<vmem>>
    %dma_start3A_63 = arith.constant 0 : i32
    %dma_start3A_64 = tpu.memref_slice %arg15[%dma_start3A_63] : memref<10240xf32, #tpu.memory_space<vmem_shared>> -> memref<10240xf32, #tpu.memory_space<vmem_shared>>
    tpu.enqueue_indirect_dma source(%dma_start3A_62 : memref<16xf32, #tpu.memory_space<vmem>>) target(%dma_start3A_64 : memref<10240xf32, #tpu.memory_space<vmem_shared>>) offsets(%arg12 : memref<16xi32, #tpu.memory_space<vmem>>) semaphore(%arg17 : memref<!tpu.dma_semaphore, #tpu.memory_space<semaphore_mem>>) {add = true}
    %dma_start3A_65 = arith.constant 0 : i32
    %dma_start3A_66 = tpu.memref_slice %arg14[%dma_start3A_65] : memref<128xf32, #tpu.memory_space<vmem>> -> memref<16xf32, #tpu.memory_space<vmem>>
    %dma_start3A_67 = arith.constant 0 : i32
    %dma_start3A_68 = tpu.memref_slice %arg16[%dma_start3A_67] : memref<10240xf32, #tpu.memory_space<vmem_shared>> -> memref<10240xf32, #tpu.memory_space<vmem_shared>>
    tpu.enqueue_indirect_dma source(%dma_start3A_66 : memref<16xf32, #tpu.memory_space<vmem>>) target(%dma_start3A_68 : memref<10240xf32, #tpu.memory_space<vmem_shared>>) offsets(%arg13 : memref<16xi32, #tpu.memory_space<vmem>>) semaphore(%arg18 : memref<!tpu.dma_semaphore, #tpu.memory_space<semaphore_mem>>) {add = true}
    %dma_wait3A_69 = arith.constant 0 : i32
    %dma_wait3A_70 = tpu.memref_slice %arg14[%dma_wait3A_69] : memref<128xf32, #tpu.memory_space<vmem>> -> memref<16xf32, #tpu.memory_space<vmem>>
    %dma_wait3A_71 = arith.constant 0 : i32
    %dma_wait3A_72 = tpu.memref_slice %arg15[%dma_wait3A_71] : memref<10240xf32, #tpu.memory_space<vmem_shared>> -> memref<10240xf32, #tpu.memory_space<vmem_shared>>
    tpu.wait_indirect_dma semaphore(%arg17 : memref<!tpu.dma_semaphore, #tpu.memory_space<semaphore_mem>>) src(%dma_wait3A_70 : memref<16xf32, #tpu.memory_space<vmem>>) dst(%dma_wait3A_72 : memref<10240xf32, #tpu.memory_space<vmem_shared>>)
    %dma_wait3A_73 = arith.constant 0 : i32
    %dma_wait3A_74 = tpu.memref_slice %arg14[%dma_wait3A_73] : memref<128xf32, #tpu.memory_space<vmem>> -> memref<16xf32, #tpu.memory_space<vmem>>
    %dma_wait3A_75 = arith.constant 0 : i32
    %dma_wait3A_76 = tpu.memref_slice %arg16[%dma_wait3A_75] : memref<10240xf32, #tpu.memory_space<vmem_shared>> -> memref<10240xf32, #tpu.memory_space<vmem_shared>>
    tpu.wait_indirect_dma semaphore(%arg18 : memref<!tpu.dma_semaphore, #tpu.memory_space<semaphore_mem>>) src(%dma_wait3A_74 : memref<16xf32, #tpu.memory_space<vmem>>) dst(%dma_wait3A_76 : memref<10240xf32, #tpu.memory_space<vmem_shared>>)
    %barrier3A_77 = arith.constant 0 : index
    tpu.barrier barrier_id(%barrier3A_77)
    %mul3A_78 = arith.constant 640 : i32
    %mul3A_79 = arith.muli %arg1, %mul3A_78 : i32
    %mul3A_80 = arith.constant 10240 : i32
    %mul3A_81 = arith.muli %arg0, %mul3A_80 : i32
    %mul3A_82 = arith.constant 640 : i32
    %mul3A_83 = arith.muli %arg1, %mul3A_82 : i32
    %add3A_84 = arith.addi %mul3A_81, %mul3A_83 : i32
    "tpu.region"() ({
      %run_scoped3A = tpu.sem_alloc : memref<!tpu.dma_semaphore, #tpu.memory_space<semaphore_mem>>
      %dma_start3A_92 = tpu.memref_slice %arg6[%add3A_84] : memref<20480xf32, #tpu.memory_space<hbm>> -> memref<640xf32, #tpu.memory_space<hbm>>
      %dma_start3A_93 = tpu.memref_slice %arg15[%mul3A_79] : memref<10240xf32, #tpu.memory_space<vmem_shared>> -> memref<640xf32, #tpu.memory_space<vmem_shared>>
      tpu.enqueue_dma source(%dma_start3A_93 : memref<640xf32, #tpu.memory_space<vmem_shared>>) target(%dma_start3A_92 : memref<640xf32, #tpu.memory_space<hbm>>) target_semaphore(%run_scoped3A : memref<!tpu.dma_semaphore, #tpu.memory_space<semaphore_mem>>)
      %dma_wait3A_94 = tpu.memref_slice %arg6[%add3A_84] : memref<20480xf32, #tpu.memory_space<hbm>> -> memref<640xf32, #tpu.memory_space<hbm>>
      %dma_wait3A_95 = tpu.memref_slice %arg15[%mul3A_79] : memref<10240xf32, #tpu.memory_space<vmem_shared>> -> memref<640xf32, #tpu.memory_space<vmem_shared>>
      tpu.wait_dma2 semaphore(%run_scoped3A : memref<!tpu.dma_semaphore, #tpu.memory_space<semaphore_mem>>) src(%dma_wait3A_95 : memref<640xf32, #tpu.memory_space<vmem_shared>>) dst(%dma_wait3A_94 : memref<640xf32, #tpu.memory_space<hbm>>)
      tpu.yield
    }) : () -> ()
    %mul3A_85 = arith.constant 640 : i32
    %mul3A_86 = arith.muli %arg1, %mul3A_85 : i32
    %mul3A_87 = arith.constant 10240 : i32
    %mul3A_88 = arith.muli %arg0, %mul3A_87 : i32
    %mul3A_89 = arith.constant 640 : i32
    %mul3A_90 = arith.muli %arg1, %mul3A_89 : i32
    %add3A_91 = arith.addi %mul3A_88, %mul3A_90 : i32
    "tpu.region"() ({
      %run_scoped3A = tpu.sem_alloc : memref<!tpu.dma_semaphore, #tpu.memory_space<semaphore_mem>>
      %dma_start3A_92 = tpu.memref_slice %arg7[%add3A_91] : memref<20480xf32, #tpu.memory_space<hbm>> -> memref<640xf32, #tpu.memory_space<hbm>>
      %dma_start3A_93 = tpu.memref_slice %arg16[%mul3A_86] : memref<10240xf32, #tpu.memory_space<vmem_shared>> -> memref<640xf32, #tpu.memory_space<vmem_shared>>
      tpu.enqueue_dma source(%dma_start3A_93 : memref<640xf32, #tpu.memory_space<vmem_shared>>) target(%dma_start3A_92 : memref<640xf32, #tpu.memory_space<hbm>>) target_semaphore(%run_scoped3A : memref<!tpu.dma_semaphore, #tpu.memory_space<semaphore_mem>>)
      %dma_wait3A_94 = tpu.memref_slice %arg7[%add3A_91] : memref<20480xf32, #tpu.memory_space<hbm>> -> memref<640xf32, #tpu.memory_space<hbm>>
      %dma_wait3A_95 = tpu.memref_slice %arg16[%mul3A_86] : memref<10240xf32, #tpu.memory_space<vmem_shared>> -> memref<640xf32, #tpu.memory_space<vmem_shared>>
      tpu.wait_dma2 semaphore(%run_scoped3A : memref<!tpu.dma_semaphore, #tpu.memory_space<semaphore_mem>>) src(%dma_wait3A_95 : memref<640xf32, #tpu.memory_space<vmem_shared>>) dst(%dma_wait3A_94 : memref<640xf32, #tpu.memory_space<hbm>>)
      tpu.yield
    }) : () -> ()
    return
  }
}

#map = affine_map<(d0, d1) -> (0, 0)>
#map1 = affine_map<(d0, d1) -> (0)>
#map2 = affine_map<(d0, d1) -> (0, 0, 0)>
module attributes {stable_mosaic.version = 14 : i64} {
  func.func @_agg_body(%arg0: i32, %arg1: i32, %arg2: memref<10000x128xf32, #tpu.memory_space<hbm>>, %arg3: memref<320000xi32, #tpu.memory_space<hbm>>, %arg4: memref<320000xi32, #tpu.memory_space<hbm>>, %arg5: memref<10240x128xf32, #tpu.memory_space<hbm>>, %arg6: memref<2x10240x128xf32, #tpu.memory_space<hbm>>, %arg7: memref<10000xi32, #tpu.memory_space<vmem>>, %arg8: memref<128xi32, #tpu.memory_space<vmem>>, %arg9: memref<128xi32, #tpu.memory_space<vmem>>, %arg10: memref<16xi32, #tpu.memory_space<vmem>>, %arg11: memref<128x128xf32, #tpu.memory_space<vmem>>, %arg12: memref<128x128xf32, #tpu.memory_space<vmem>>, %arg13: memref<16x128xf32, #tpu.memory_space<vmem>>, %arg14: memref<10240x128xf32, #tpu.memory_space<vmem_shared>>, %arg15: memref<!tpu.dma_semaphore, #tpu.memory_space<semaphore_mem>>, %arg16: memref<!tpu.dma_semaphore, #tpu.memory_space<semaphore_mem>>, %arg17: memref<!tpu.dma_semaphore, #tpu.memory_space<semaphore_mem>>, %arg18: memref<!tpu.dma_semaphore, #tpu.memory_space<semaphore_mem>>, %arg19: memref<!tpu.dma_semaphore, #tpu.memory_space<semaphore_mem>>) attributes {dimension_semantics = [#tpu.dimension_semantics<core_parallel>, #tpu.dimension_semantics<subcore_parallel>], iteration_bounds = array<i64: 2, 16>, scalar_prefetch = 0 : i64, scratch_operands = 13 : i64, tpu.core_type = #tpu.core_type<sc_vector_subcore>, window_params = [{transform_indices = #map}, {transform_indices = #map1}, {transform_indices = #map1}, {transform_indices = #map}, {transform_indices = #map2}]} {
    %mul3A = arith.constant 160000 : i32
    %mul3A_0 = arith.muli %arg0, %mul3A : i32
    %mul3A_1 = arith.constant 10000 : i32
    %mul3A_2 = arith.muli %arg1, %mul3A_1 : i32
    %add3A = arith.addi %mul3A_0, %mul3A_2 : i32
    "tpu.region"() ({
      %run_scoped3A = tpu.sem_alloc : memref<!tpu.dma_semaphore, #tpu.memory_space<semaphore_mem>>
      %dma_start3A_65 = tpu.memref_slice %arg3[%add3A] : memref<320000xi32, #tpu.memory_space<hbm>> -> memref<10000xi32, #tpu.memory_space<hbm>>
      %dma_start3A_66 = tpu.memref_slice %arg3[%add3A] : memref<320000xi32, #tpu.memory_space<hbm>> -> memref<10000xi32, #tpu.memory_space<hbm>>
      tpu.enqueue_dma source(%dma_start3A_66 : memref<10000xi32, #tpu.memory_space<hbm>>) target(%arg7 : memref<10000xi32, #tpu.memory_space<vmem>>) target_semaphore(%run_scoped3A : memref<!tpu.dma_semaphore, #tpu.memory_space<semaphore_mem>>)
      %dma_wait3A_67 = tpu.memref_slice %arg3[%add3A] : memref<320000xi32, #tpu.memory_space<hbm>> -> memref<10000xi32, #tpu.memory_space<hbm>>
      %dma_wait3A_68 = tpu.memref_slice %arg3[%add3A] : memref<320000xi32, #tpu.memory_space<hbm>> -> memref<10000xi32, #tpu.memory_space<hbm>>
      tpu.wait_dma2 semaphore(%run_scoped3A : memref<!tpu.dma_semaphore, #tpu.memory_space<semaphore_mem>>) src(%dma_wait3A_68 : memref<10000xi32, #tpu.memory_space<hbm>>) dst(%arg7 : memref<10000xi32, #tpu.memory_space<vmem>>)
      tpu.yield
    }) : () -> ()
    %add3A_3 = arith.constant 0 : i32
    %add3A_4 = arith.addi %add3A, %add3A_3 : i32
    %dma_start3A = tpu.memref_slice %arg4[%add3A_4] : memref<320000xi32, #tpu.memory_space<hbm>> -> memref<128xi32, #tpu.memory_space<hbm>>
    %dma_start3A_5 = tpu.memref_slice %arg4[%add3A_4] : memref<320000xi32, #tpu.memory_space<hbm>> -> memref<128xi32, #tpu.memory_space<hbm>>
    tpu.enqueue_dma source(%dma_start3A_5 : memref<128xi32, #tpu.memory_space<hbm>>) target(%arg8 : memref<128xi32, #tpu.memory_space<vmem>>) target_semaphore(%arg17 : memref<!tpu.dma_semaphore, #tpu.memory_space<semaphore_mem>>)
    %dma_start3A_6 = arith.constant 0 : i32
    %dma_start3A_7 = tpu.memref_slice %arg7[%dma_start3A_6] : memref<10000xi32, #tpu.memory_space<vmem>> -> memref<128xi32, #tpu.memory_space<vmem>>
    %dma_start3A_8 = arith.constant 0 : i32
    %dma_start3A_9 = arith.constant 0 : i32
    %dma_start3A_10 = tpu.memref_slice %arg2[%dma_start3A_8, %dma_start3A_9] : memref<10000x128xf32, #tpu.memory_space<hbm>> -> memref<10000x128xf32, #tpu.memory_space<hbm>>
    tpu.enqueue_indirect_dma source(%dma_start3A_10 : memref<10000x128xf32, #tpu.memory_space<hbm>>) target(%arg11 : memref<128x128xf32, #tpu.memory_space<vmem>>) offsets(%dma_start3A_7 : memref<128xi32, #tpu.memory_space<vmem>>) semaphore(%arg15 : memref<!tpu.dma_semaphore, #tpu.memory_space<semaphore_mem>>)
    %mul3A_11 = arith.constant 640 : i32
    %mul3A_12 = arith.muli %arg1, %mul3A_11 : i32
    %mul3A_13 = arith.constant 640 : i32
    %mul3A_14 = arith.muli %arg1, %mul3A_13 : i32
    "tpu.region"() ({
      %run_scoped3A = tpu.sem_alloc : memref<!tpu.dma_semaphore, #tpu.memory_space<semaphore_mem>>
      %dma_start3A_65 = arith.constant 0 : i32
      %dma_start3A_66 = tpu.memref_slice %arg14[%mul3A_14, %dma_start3A_65] : memref<10240x128xf32, #tpu.memory_space<vmem_shared>> -> memref<640x128xf32, #tpu.memory_space<vmem_shared>>
      %dma_start3A_67 = arith.constant 0 : i32
      %dma_start3A_68 = tpu.memref_slice %arg5[%mul3A_12, %dma_start3A_67] : memref<10240x128xf32, #tpu.memory_space<hbm>> -> memref<640x128xf32, #tpu.memory_space<hbm>>
      tpu.enqueue_dma source(%dma_start3A_68 : memref<640x128xf32, #tpu.memory_space<hbm>>) target(%dma_start3A_66 : memref<640x128xf32, #tpu.memory_space<vmem_shared>>) target_semaphore(%run_scoped3A : memref<!tpu.dma_semaphore, #tpu.memory_space<semaphore_mem>>)
      %dma_wait3A_69 = arith.constant 0 : i32
      %dma_wait3A_70 = tpu.memref_slice %arg14[%mul3A_14, %dma_wait3A_69] : memref<10240x128xf32, #tpu.memory_space<vmem_shared>> -> memref<640x128xf32, #tpu.memory_space<vmem_shared>>
      %dma_wait3A_71 = arith.constant 0 : i32
      %dma_wait3A_72 = tpu.memref_slice %arg5[%mul3A_12, %dma_wait3A_71] : memref<10240x128xf32, #tpu.memory_space<hbm>> -> memref<640x128xf32, #tpu.memory_space<hbm>>
      tpu.wait_dma2 semaphore(%run_scoped3A : memref<!tpu.dma_semaphore, #tpu.memory_space<semaphore_mem>>) src(%dma_wait3A_72 : memref<640x128xf32, #tpu.memory_space<hbm>>) dst(%dma_wait3A_70 : memref<640x128xf32, #tpu.memory_space<vmem_shared>>)
      tpu.yield
    }) : () -> ()
    %barrier3A = arith.constant 0 : index
    tpu.barrier barrier_id(%barrier3A)
    %scan3A = arith.constant 0 : i32
    %scan3A_15 = arith.constant 38 : i32
    %scan3A_16 = arith.addi %scan3A, %scan3A_15 : i32
    %scan3A_17 = arith.constant 1 : i32
    scf.for %scan3A_65 = %scan3A to %scan3A_16 step %scan3A_17  : i32 {
      %mul3A_66 = arith.constant 1 : i32
      %mul3A_67 = arith.muli %scan3A_65, %mul3A_66 : i32
      %add3A_68 = arith.constant 0 : i32
      %add3A_69 = arith.addi %add3A_68, %mul3A_67 : i32
      %mul3A_70 = arith.constant 2 : i32
      %mul3A_71 = arith.muli %mul3A_70, %add3A_69 : i32
      %add3A_72 = arith.constant 1 : i32
      %add3A_73 = arith.addi %mul3A_71, %add3A_72 : i32
      %mul3A_74 = arith.constant 128 : i32
      %mul3A_75 = arith.muli %add3A_73, %mul3A_74 : i32
      %add3A_76 = arith.addi %add3A, %mul3A_75 : i32
      %dma_start3A_77 = tpu.memref_slice %arg4[%add3A_76] : memref<320000xi32, #tpu.memory_space<hbm>> -> memref<128xi32, #tpu.memory_space<hbm>>
      %dma_start3A_78 = tpu.memref_slice %arg4[%add3A_76] : memref<320000xi32, #tpu.memory_space<hbm>> -> memref<128xi32, #tpu.memory_space<hbm>>
      tpu.enqueue_dma source(%dma_start3A_78 : memref<128xi32, #tpu.memory_space<hbm>>) target(%arg9 : memref<128xi32, #tpu.memory_space<vmem>>) target_semaphore(%arg18 : memref<!tpu.dma_semaphore, #tpu.memory_space<semaphore_mem>>)
      %mul3A_79 = arith.constant 128 : i32
      %mul3A_80 = arith.muli %add3A_73, %mul3A_79 : i32
      %dma_start3A_81 = tpu.memref_slice %arg7[%mul3A_80] : memref<10000xi32, #tpu.memory_space<vmem>> -> memref<128xi32, #tpu.memory_space<vmem>>
      %dma_start3A_82 = arith.constant 0 : i32
      %dma_start3A_83 = arith.constant 0 : i32
      %dma_start3A_84 = tpu.memref_slice %arg2[%dma_start3A_82, %dma_start3A_83] : memref<10000x128xf32, #tpu.memory_space<hbm>> -> memref<10000x128xf32, #tpu.memory_space<hbm>>
      tpu.enqueue_indirect_dma source(%dma_start3A_84 : memref<10000x128xf32, #tpu.memory_space<hbm>>) target(%arg12 : memref<128x128xf32, #tpu.memory_space<vmem>>) offsets(%dma_start3A_81 : memref<128xi32, #tpu.memory_space<vmem>>) semaphore(%arg16 : memref<!tpu.dma_semaphore, #tpu.memory_space<semaphore_mem>>)
      %dma_wait3A_85 = arith.constant 0 : i32
      %dma_wait3A_86 = arith.constant 0 : i32
      %dma_wait3A_87 = tpu.memref_slice %arg2[%dma_wait3A_85, %dma_wait3A_86] : memref<10000x128xf32, #tpu.memory_space<hbm>> -> memref<128x128xf32, #tpu.memory_space<hbm>>
      %dma_wait3A_88 = arith.constant 0 : i32
      %dma_wait3A_89 = arith.constant 0 : i32
      %dma_wait3A_90 = tpu.memref_slice %arg2[%dma_wait3A_88, %dma_wait3A_89] : memref<10000x128xf32, #tpu.memory_space<hbm>> -> memref<128x128xf32, #tpu.memory_space<hbm>>
      tpu.wait_dma2 semaphore(%arg15 : memref<!tpu.dma_semaphore, #tpu.memory_space<semaphore_mem>>) src(%dma_wait3A_90 : memref<128x128xf32, #tpu.memory_space<hbm>>) dst(%arg11 : memref<128x128xf32, #tpu.memory_space<vmem>>)
      %dma_wait3A_91 = tpu.memref_slice %arg4[%add3A] : memref<320000xi32, #tpu.memory_space<hbm>> -> memref<128xi32, #tpu.memory_space<hbm>>
      %dma_wait3A_92 = tpu.memref_slice %arg4[%add3A] : memref<320000xi32, #tpu.memory_space<hbm>> -> memref<128xi32, #tpu.memory_space<hbm>>
      tpu.wait_dma2 semaphore(%arg17 : memref<!tpu.dma_semaphore, #tpu.memory_space<semaphore_mem>>) src(%dma_wait3A_92 : memref<128xi32, #tpu.memory_space<hbm>>) dst(%arg8 : memref<128xi32, #tpu.memory_space<vmem>>)
      "tpu.region"() ({
        %run_scoped3A = tpu.sem_alloc : memref<!tpu.dma_semaphore, #tpu.memory_space<semaphore_mem>>
        %dma_start3A_114 = arith.constant 0 : i32
        %dma_start3A_115 = arith.constant 0 : i32
        %dma_start3A_116 = tpu.memref_slice %arg14[%dma_start3A_114, %dma_start3A_115] : memref<10240x128xf32, #tpu.memory_space<vmem_shared>> -> memref<10240x128xf32, #tpu.memory_space<vmem_shared>>
        tpu.enqueue_indirect_dma source(%arg11 : memref<128x128xf32, #tpu.memory_space<vmem>>) target(%dma_start3A_116 : memref<10240x128xf32, #tpu.memory_space<vmem_shared>>) offsets(%arg8 : memref<128xi32, #tpu.memory_space<vmem>>) semaphore(%run_scoped3A : memref<!tpu.dma_semaphore, #tpu.memory_space<semaphore_mem>>) {add = true}
        %dma_wait3A_117 = arith.constant 0 : i32
        %dma_wait3A_118 = arith.constant 0 : i32
        %dma_wait3A_119 = tpu.memref_slice %arg14[%dma_wait3A_117, %dma_wait3A_118] : memref<10240x128xf32, #tpu.memory_space<vmem_shared>> -> memref<10240x128xf32, #tpu.memory_space<vmem_shared>>
        tpu.wait_indirect_dma semaphore(%run_scoped3A : memref<!tpu.dma_semaphore, #tpu.memory_space<semaphore_mem>>) src(%arg11 : memref<128x128xf32, #tpu.memory_space<vmem>>) dst(%dma_wait3A_119 : memref<10240x128xf32, #tpu.memory_space<vmem_shared>>)
        tpu.yield
      }) : () -> ()
      %add3A_93 = arith.constant 2 : i32
      %add3A_94 = arith.addi %mul3A_71, %add3A_93 : i32
      %mul3A_95 = arith.constant 128 : i32
      %mul3A_96 = arith.muli %add3A_94, %mul3A_95 : i32
      %add3A_97 = arith.addi %add3A, %mul3A_96 : i32
      %dma_start3A_98 = tpu.memref_slice %arg4[%add3A_97] : memref<320000xi32, #tpu.memory_space<hbm>> -> memref<128xi32, #tpu.memory_space<hbm>>
      %dma_start3A_99 = tpu.memref_slice %arg4[%add3A_97] : memref<320000xi32, #tpu.memory_space<hbm>> -> memref<128xi32, #tpu.memory_space<hbm>>
      tpu.enqueue_dma source(%dma_start3A_99 : memref<128xi32, #tpu.memory_space<hbm>>) target(%arg8 : memref<128xi32, #tpu.memory_space<vmem>>) target_semaphore(%arg17 : memref<!tpu.dma_semaphore, #tpu.memory_space<semaphore_mem>>)
      %mul3A_100 = arith.constant 128 : i32
      %mul3A_101 = arith.muli %add3A_94, %mul3A_100 : i32
      %dma_start3A_102 = tpu.memref_slice %arg7[%mul3A_101] : memref<10000xi32, #tpu.memory_space<vmem>> -> memref<128xi32, #tpu.memory_space<vmem>>
      %dma_start3A_103 = arith.constant 0 : i32
      %dma_start3A_104 = arith.constant 0 : i32
      %dma_start3A_105 = tpu.memref_slice %arg2[%dma_start3A_103, %dma_start3A_104] : memref<10000x128xf32, #tpu.memory_space<hbm>> -> memref<10000x128xf32, #tpu.memory_space<hbm>>
      tpu.enqueue_indirect_dma source(%dma_start3A_105 : memref<10000x128xf32, #tpu.memory_space<hbm>>) target(%arg11 : memref<128x128xf32, #tpu.memory_space<vmem>>) offsets(%dma_start3A_102 : memref<128xi32, #tpu.memory_space<vmem>>) semaphore(%arg15 : memref<!tpu.dma_semaphore, #tpu.memory_space<semaphore_mem>>)
      %dma_wait3A_106 = arith.constant 0 : i32
      %dma_wait3A_107 = arith.constant 0 : i32
      %dma_wait3A_108 = tpu.memref_slice %arg2[%dma_wait3A_106, %dma_wait3A_107] : memref<10000x128xf32, #tpu.memory_space<hbm>> -> memref<128x128xf32, #tpu.memory_space<hbm>>
      %dma_wait3A_109 = arith.constant 0 : i32
      %dma_wait3A_110 = arith.constant 0 : i32
      %dma_wait3A_111 = tpu.memref_slice %arg2[%dma_wait3A_109, %dma_wait3A_110] : memref<10000x128xf32, #tpu.memory_space<hbm>> -> memref<128x128xf32, #tpu.memory_space<hbm>>
      tpu.wait_dma2 semaphore(%arg16 : memref<!tpu.dma_semaphore, #tpu.memory_space<semaphore_mem>>) src(%dma_wait3A_111 : memref<128x128xf32, #tpu.memory_space<hbm>>) dst(%arg12 : memref<128x128xf32, #tpu.memory_space<vmem>>)
      %dma_wait3A_112 = tpu.memref_slice %arg4[%add3A] : memref<320000xi32, #tpu.memory_space<hbm>> -> memref<128xi32, #tpu.memory_space<hbm>>
      %dma_wait3A_113 = tpu.memref_slice %arg4[%add3A] : memref<320000xi32, #tpu.memory_space<hbm>> -> memref<128xi32, #tpu.memory_space<hbm>>
      tpu.wait_dma2 semaphore(%arg18 : memref<!tpu.dma_semaphore, #tpu.memory_space<semaphore_mem>>) src(%dma_wait3A_113 : memref<128xi32, #tpu.memory_space<hbm>>) dst(%arg9 : memref<128xi32, #tpu.memory_space<vmem>>)
      "tpu.region"() ({
        %run_scoped3A = tpu.sem_alloc : memref<!tpu.dma_semaphore, #tpu.memory_space<semaphore_mem>>
        %dma_start3A_114 = arith.constant 0 : i32
        %dma_start3A_115 = arith.constant 0 : i32
        %dma_start3A_116 = tpu.memref_slice %arg14[%dma_start3A_114, %dma_start3A_115] : memref<10240x128xf32, #tpu.memory_space<vmem_shared>> -> memref<10240x128xf32, #tpu.memory_space<vmem_shared>>
        tpu.enqueue_indirect_dma source(%arg12 : memref<128x128xf32, #tpu.memory_space<vmem>>) target(%dma_start3A_116 : memref<10240x128xf32, #tpu.memory_space<vmem_shared>>) offsets(%arg9 : memref<128xi32, #tpu.memory_space<vmem>>) semaphore(%run_scoped3A : memref<!tpu.dma_semaphore, #tpu.memory_space<semaphore_mem>>) {add = true}
        %dma_wait3A_117 = arith.constant 0 : i32
        %dma_wait3A_118 = arith.constant 0 : i32
        %dma_wait3A_119 = tpu.memref_slice %arg14[%dma_wait3A_117, %dma_wait3A_118] : memref<10240x128xf32, #tpu.memory_space<vmem_shared>> -> memref<10240x128xf32, #tpu.memory_space<vmem_shared>>
        tpu.wait_indirect_dma semaphore(%run_scoped3A : memref<!tpu.dma_semaphore, #tpu.memory_space<semaphore_mem>>) src(%arg12 : memref<128x128xf32, #tpu.memory_space<vmem>>) dst(%dma_wait3A_119 : memref<10240x128xf32, #tpu.memory_space<vmem_shared>>)
        tpu.yield
      }) : () -> ()
    }
    %scan3A_18 = arith.constant 38 : i32
    %add3A_19 = arith.constant 9856 : i32
    %add3A_20 = arith.addi %add3A, %add3A_19 : i32
    %dma_start3A_21 = tpu.memref_slice %arg4[%add3A_20] : memref<320000xi32, #tpu.memory_space<hbm>> -> memref<128xi32, #tpu.memory_space<hbm>>
    %dma_start3A_22 = tpu.memref_slice %arg4[%add3A_20] : memref<320000xi32, #tpu.memory_space<hbm>> -> memref<128xi32, #tpu.memory_space<hbm>>
    tpu.enqueue_dma source(%dma_start3A_22 : memref<128xi32, #tpu.memory_space<hbm>>) target(%arg9 : memref<128xi32, #tpu.memory_space<vmem>>) target_semaphore(%arg18 : memref<!tpu.dma_semaphore, #tpu.memory_space<semaphore_mem>>)
    %dma_start3A_23 = arith.constant 9856 : i32
    %dma_start3A_24 = tpu.memref_slice %arg7[%dma_start3A_23] : memref<10000xi32, #tpu.memory_space<vmem>> -> memref<128xi32, #tpu.memory_space<vmem>>
    %dma_start3A_25 = arith.constant 0 : i32
    %dma_start3A_26 = arith.constant 0 : i32
    %dma_start3A_27 = tpu.memref_slice %arg2[%dma_start3A_25, %dma_start3A_26] : memref<10000x128xf32, #tpu.memory_space<hbm>> -> memref<10000x128xf32, #tpu.memory_space<hbm>>
    tpu.enqueue_indirect_dma source(%dma_start3A_27 : memref<10000x128xf32, #tpu.memory_space<hbm>>) target(%arg12 : memref<128x128xf32, #tpu.memory_space<vmem>>) offsets(%dma_start3A_24 : memref<128xi32, #tpu.memory_space<vmem>>) semaphore(%arg16 : memref<!tpu.dma_semaphore, #tpu.memory_space<semaphore_mem>>)
    %dma_wait3A = arith.constant 0 : i32
    %dma_wait3A_28 = arith.constant 0 : i32
    %dma_wait3A_29 = tpu.memref_slice %arg2[%dma_wait3A, %dma_wait3A_28] : memref<10000x128xf32, #tpu.memory_space<hbm>> -> memref<128x128xf32, #tpu.memory_space<hbm>>
    %dma_wait3A_30 = arith.constant 0 : i32
    %dma_wait3A_31 = arith.constant 0 : i32
    %dma_wait3A_32 = tpu.memref_slice %arg2[%dma_wait3A_30, %dma_wait3A_31] : memref<10000x128xf32, #tpu.memory_space<hbm>> -> memref<128x128xf32, #tpu.memory_space<hbm>>
    tpu.wait_dma2 semaphore(%arg15 : memref<!tpu.dma_semaphore, #tpu.memory_space<semaphore_mem>>) src(%dma_wait3A_32 : memref<128x128xf32, #tpu.memory_space<hbm>>) dst(%arg11 : memref<128x128xf32, #tpu.memory_space<vmem>>)
    %dma_wait3A_33 = tpu.memref_slice %arg4[%add3A] : memref<320000xi32, #tpu.memory_space<hbm>> -> memref<128xi32, #tpu.memory_space<hbm>>
    %dma_wait3A_34 = tpu.memref_slice %arg4[%add3A] : memref<320000xi32, #tpu.memory_space<hbm>> -> memref<128xi32, #tpu.memory_space<hbm>>
    tpu.wait_dma2 semaphore(%arg17 : memref<!tpu.dma_semaphore, #tpu.memory_space<semaphore_mem>>) src(%dma_wait3A_34 : memref<128xi32, #tpu.memory_space<hbm>>) dst(%arg8 : memref<128xi32, #tpu.memory_space<vmem>>)
    "tpu.region"() ({
      %run_scoped3A = tpu.sem_alloc : memref<!tpu.dma_semaphore, #tpu.memory_space<semaphore_mem>>
      %dma_start3A_65 = arith.constant 0 : i32
      %dma_start3A_66 = arith.constant 0 : i32
      %dma_start3A_67 = tpu.memref_slice %arg14[%dma_start3A_65, %dma_start3A_66] : memref<10240x128xf32, #tpu.memory_space<vmem_shared>> -> memref<10240x128xf32, #tpu.memory_space<vmem_shared>>
      tpu.enqueue_indirect_dma source(%arg11 : memref<128x128xf32, #tpu.memory_space<vmem>>) target(%dma_start3A_67 : memref<10240x128xf32, #tpu.memory_space<vmem_shared>>) offsets(%arg8 : memref<128xi32, #tpu.memory_space<vmem>>) semaphore(%run_scoped3A : memref<!tpu.dma_semaphore, #tpu.memory_space<semaphore_mem>>) {add = true}
      %dma_wait3A_68 = arith.constant 0 : i32
      %dma_wait3A_69 = arith.constant 0 : i32
      %dma_wait3A_70 = tpu.memref_slice %arg14[%dma_wait3A_68, %dma_wait3A_69] : memref<10240x128xf32, #tpu.memory_space<vmem_shared>> -> memref<10240x128xf32, #tpu.memory_space<vmem_shared>>
      tpu.wait_indirect_dma semaphore(%run_scoped3A : memref<!tpu.dma_semaphore, #tpu.memory_space<semaphore_mem>>) src(%arg11 : memref<128x128xf32, #tpu.memory_space<vmem>>) dst(%dma_wait3A_70 : memref<10240x128xf32, #tpu.memory_space<vmem_shared>>)
      tpu.yield
    }) : () -> ()
    %add3A_35 = arith.constant 9984 : i32
    %add3A_36 = arith.addi %add3A, %add3A_35 : i32
    %dma_start3A_37 = tpu.memref_slice %arg4[%add3A_36] : memref<320000xi32, #tpu.memory_space<hbm>> -> memref<16xi32, #tpu.memory_space<hbm>>
    %dma_start3A_38 = tpu.memref_slice %arg4[%add3A_36] : memref<320000xi32, #tpu.memory_space<hbm>> -> memref<16xi32, #tpu.memory_space<hbm>>
    tpu.enqueue_dma source(%dma_start3A_38 : memref<16xi32, #tpu.memory_space<hbm>>) target(%arg10 : memref<16xi32, #tpu.memory_space<vmem>>) target_semaphore(%arg19 : memref<!tpu.dma_semaphore, #tpu.memory_space<semaphore_mem>>)
    %dma_start3A_39 = arith.constant 9984 : i32
    %dma_start3A_40 = tpu.memref_slice %arg7[%dma_start3A_39] : memref<10000xi32, #tpu.memory_space<vmem>> -> memref<16xi32, #tpu.memory_space<vmem>>
    %dma_start3A_41 = arith.constant 0 : i32
    %dma_start3A_42 = arith.constant 0 : i32
    %dma_start3A_43 = tpu.memref_slice %arg2[%dma_start3A_41, %dma_start3A_42] : memref<10000x128xf32, #tpu.memory_space<hbm>> -> memref<10000x128xf32, #tpu.memory_space<hbm>>
    tpu.enqueue_indirect_dma source(%dma_start3A_43 : memref<10000x128xf32, #tpu.memory_space<hbm>>) target(%arg13 : memref<16x128xf32, #tpu.memory_space<vmem>>) offsets(%dma_start3A_40 : memref<16xi32, #tpu.memory_space<vmem>>) semaphore(%arg19 : memref<!tpu.dma_semaphore, #tpu.memory_space<semaphore_mem>>)
    %dma_wait3A_44 = arith.constant 0 : i32
    %dma_wait3A_45 = arith.constant 0 : i32
    %dma_wait3A_46 = tpu.memref_slice %arg2[%dma_wait3A_44, %dma_wait3A_45] : memref<10000x128xf32, #tpu.memory_space<hbm>> -> memref<128x128xf32, #tpu.memory_space<hbm>>
    %dma_wait3A_47 = arith.constant 0 : i32
    %dma_wait3A_48 = arith.constant 0 : i32
    %dma_wait3A_49 = tpu.memref_slice %arg2[%dma_wait3A_47, %dma_wait3A_48] : memref<10000x128xf32, #tpu.memory_space<hbm>> -> memref<128x128xf32, #tpu.memory_space<hbm>>
    tpu.wait_dma2 semaphore(%arg16 : memref<!tpu.dma_semaphore, #tpu.memory_space<semaphore_mem>>) src(%dma_wait3A_49 : memref<128x128xf32, #tpu.memory_space<hbm>>) dst(%arg12 : memref<128x128xf32, #tpu.memory_space<vmem>>)
    %dma_wait3A_50 = tpu.memref_slice %arg4[%add3A] : memref<320000xi32, #tpu.memory_space<hbm>> -> memref<128xi32, #tpu.memory_space<hbm>>
    %dma_wait3A_51 = tpu.memref_slice %arg4[%add3A] : memref<320000xi32, #tpu.memory_space<hbm>> -> memref<128xi32, #tpu.memory_space<hbm>>
    tpu.wait_dma2 semaphore(%arg18 : memref<!tpu.dma_semaphore, #tpu.memory_space<semaphore_mem>>) src(%dma_wait3A_51 : memref<128xi32, #tpu.memory_space<hbm>>) dst(%arg9 : memref<128xi32, #tpu.memory_space<vmem>>)
    "tpu.region"() ({
      %run_scoped3A = tpu.sem_alloc : memref<!tpu.dma_semaphore, #tpu.memory_space<semaphore_mem>>
      %dma_start3A_65 = arith.constant 0 : i32
      %dma_start3A_66 = arith.constant 0 : i32
      %dma_start3A_67 = tpu.memref_slice %arg14[%dma_start3A_65, %dma_start3A_66] : memref<10240x128xf32, #tpu.memory_space<vmem_shared>> -> memref<10240x128xf32, #tpu.memory_space<vmem_shared>>
      tpu.enqueue_indirect_dma source(%arg12 : memref<128x128xf32, #tpu.memory_space<vmem>>) target(%dma_start3A_67 : memref<10240x128xf32, #tpu.memory_space<vmem_shared>>) offsets(%arg9 : memref<128xi32, #tpu.memory_space<vmem>>) semaphore(%run_scoped3A : memref<!tpu.dma_semaphore, #tpu.memory_space<semaphore_mem>>) {add = true}
      %dma_wait3A_68 = arith.constant 0 : i32
      %dma_wait3A_69 = arith.constant 0 : i32
      %dma_wait3A_70 = tpu.memref_slice %arg14[%dma_wait3A_68, %dma_wait3A_69] : memref<10240x128xf32, #tpu.memory_space<vmem_shared>> -> memref<10240x128xf32, #tpu.memory_space<vmem_shared>>
      tpu.wait_indirect_dma semaphore(%run_scoped3A : memref<!tpu.dma_semaphore, #tpu.memory_space<semaphore_mem>>) src(%arg12 : memref<128x128xf32, #tpu.memory_space<vmem>>) dst(%dma_wait3A_70 : memref<10240x128xf32, #tpu.memory_space<vmem_shared>>)
      tpu.yield
    }) : () -> ()
    %dma_wait3A_52 = tpu.memref_slice %arg4[%add3A] : memref<320000xi32, #tpu.memory_space<hbm>> -> memref<16xi32, #tpu.memory_space<hbm>>
    %dma_wait3A_53 = tpu.memref_slice %arg4[%add3A] : memref<320000xi32, #tpu.memory_space<hbm>> -> memref<16xi32, #tpu.memory_space<hbm>>
    tpu.wait_dma2 semaphore(%arg19 : memref<!tpu.dma_semaphore, #tpu.memory_space<semaphore_mem>>) src(%dma_wait3A_53 : memref<16xi32, #tpu.memory_space<hbm>>) dst(%arg10 : memref<16xi32, #tpu.memory_space<vmem>>)
    %dma_wait3A_54 = arith.constant 0 : i32
    %dma_wait3A_55 = arith.constant 0 : i32
    %dma_wait3A_56 = tpu.memref_slice %arg2[%dma_wait3A_54, %dma_wait3A_55] : memref<10000x128xf32, #tpu.memory_space<hbm>> -> memref<16x128xf32, #tpu.memory_space<hbm>>
    %dma_wait3A_57 = arith.constant 0 : i32
    %dma_wait3A_58 = arith.constant 0 : i32
    %dma_wait3A_59 = tpu.memref_slice %arg2[%dma_wait3A_57, %dma_wait3A_58] : memref<10000x128xf32, #tpu.memory_space<hbm>> -> memref<16x128xf32, #tpu.memory_space<hbm>>
    tpu.wait_dma2 semaphore(%arg19 : memref<!tpu.dma_semaphore, #tpu.memory_space<semaphore_mem>>) src(%dma_wait3A_59 : memref<16x128xf32, #tpu.memory_space<hbm>>) dst(%arg13 : memref<16x128xf32, #tpu.memory_space<vmem>>)
    "tpu.region"() ({
      %run_scoped3A = tpu.sem_alloc : memref<!tpu.dma_semaphore, #tpu.memory_space<semaphore_mem>>
      %dma_start3A_65 = arith.constant 0 : i32
      %dma_start3A_66 = arith.constant 0 : i32
      %dma_start3A_67 = tpu.memref_slice %arg14[%dma_start3A_65, %dma_start3A_66] : memref<10240x128xf32, #tpu.memory_space<vmem_shared>> -> memref<10240x128xf32, #tpu.memory_space<vmem_shared>>
      tpu.enqueue_indirect_dma source(%arg13 : memref<16x128xf32, #tpu.memory_space<vmem>>) target(%dma_start3A_67 : memref<10240x128xf32, #tpu.memory_space<vmem_shared>>) offsets(%arg10 : memref<16xi32, #tpu.memory_space<vmem>>) semaphore(%run_scoped3A : memref<!tpu.dma_semaphore, #tpu.memory_space<semaphore_mem>>) {add = true}
      %dma_wait3A_68 = arith.constant 0 : i32
      %dma_wait3A_69 = arith.constant 0 : i32
      %dma_wait3A_70 = tpu.memref_slice %arg14[%dma_wait3A_68, %dma_wait3A_69] : memref<10240x128xf32, #tpu.memory_space<vmem_shared>> -> memref<10240x128xf32, #tpu.memory_space<vmem_shared>>
      tpu.wait_indirect_dma semaphore(%run_scoped3A : memref<!tpu.dma_semaphore, #tpu.memory_space<semaphore_mem>>) src(%arg13 : memref<16x128xf32, #tpu.memory_space<vmem>>) dst(%dma_wait3A_70 : memref<10240x128xf32, #tpu.memory_space<vmem_shared>>)
      tpu.yield
    }) : () -> ()
    %barrier3A_60 = arith.constant 0 : index
    tpu.barrier barrier_id(%barrier3A_60)
    %mul3A_61 = arith.constant 640 : i32
    %mul3A_62 = arith.muli %arg1, %mul3A_61 : i32
    %mul3A_63 = arith.constant 640 : i32
    %mul3A_64 = arith.muli %arg1, %mul3A_63 : i32
    "tpu.region"() ({
      %run_scoped3A = tpu.sem_alloc : memref<!tpu.dma_semaphore, #tpu.memory_space<semaphore_mem>>
      %dma_start3A_65 = arith.constant 0 : i32
      %dma_start3A_66 = tpu.memref_slice %arg6[%arg0, %mul3A_64, %dma_start3A_65] : memref<2x10240x128xf32, #tpu.memory_space<hbm>> -> memref<1x640x128xf32, #tpu.memory_space<hbm>>
      %dma_start3A_67 = tpu.memref_squeeze %dma_start3A_66 : memref<1x640x128xf32, #tpu.memory_space<hbm>> -> memref<640x128xf32, #tpu.memory_space<hbm>>
      %dma_start3A_68 = arith.constant 0 : i32
      %dma_start3A_69 = tpu.memref_slice %arg14[%mul3A_62, %dma_start3A_68] : memref<10240x128xf32, #tpu.memory_space<vmem_shared>> -> memref<640x128xf32, #tpu.memory_space<vmem_shared>>
      tpu.enqueue_dma source(%dma_start3A_69 : memref<640x128xf32, #tpu.memory_space<vmem_shared>>) target(%dma_start3A_67 : memref<640x128xf32, #tpu.memory_space<hbm>>) target_semaphore(%run_scoped3A : memref<!tpu.dma_semaphore, #tpu.memory_space<semaphore_mem>>)
      %dma_wait3A_70 = arith.constant 0 : i32
      %dma_wait3A_71 = tpu.memref_slice %arg6[%arg0, %mul3A_64, %dma_wait3A_70] : memref<2x10240x128xf32, #tpu.memory_space<hbm>> -> memref<1x640x128xf32, #tpu.memory_space<hbm>>
      %dma_wait3A_72 = tpu.memref_squeeze %dma_wait3A_71 : memref<1x640x128xf32, #tpu.memory_space<hbm>> -> memref<640x128xf32, #tpu.memory_space<hbm>>
      %dma_wait3A_73 = arith.constant 0 : i32
      %dma_wait3A_74 = tpu.memref_slice %arg14[%mul3A_62, %dma_wait3A_73] : memref<10240x128xf32, #tpu.memory_space<vmem_shared>> -> memref<640x128xf32, #tpu.memory_space<vmem_shared>>
      tpu.wait_dma2 semaphore(%run_scoped3A : memref<!tpu.dma_semaphore, #tpu.memory_space<semaphore_mem>>) src(%dma_wait3A_74 : memref<640x128xf32, #tpu.memory_space<vmem_shared>>) dst(%dma_wait3A_72 : memref<640x128xf32, #tpu.memory_space<hbm>>)
      tpu.yield
    }) : () -> ()
    return
  }
}

#map = affine_map<(d0, d1) -> (0, 0)>
#map1 = affine_map<(d0, d1) -> (0)>
#map2 = affine_map<(d0, d1) -> (0, 0, 0)>
module attributes {stable_mosaic.version = 14 : i64} {
  func.func @_agg_body(%arg0: i32, %arg1: i32, %arg2: memref<10000x128xf32, #tpu.memory_space<hbm>>, %arg3: memref<320000xi32, #tpu.memory_space<hbm>>, %arg4: memref<320000xi32, #tpu.memory_space<hbm>>, %arg5: memref<10240x128xf32, #tpu.memory_space<hbm>>, %arg6: memref<2x10240x128xf32, #tpu.memory_space<hbm>>, %arg7: memref<10000xi32, #tpu.memory_space<vmem>>, %arg8: memref<128xi32, #tpu.memory_space<vmem>>, %arg9: memref<128xi32, #tpu.memory_space<vmem>>, %arg10: memref<16xi32, #tpu.memory_space<vmem>>, %arg11: memref<128x128xf32, #tpu.memory_space<vmem>>, %arg12: memref<128x128xf32, #tpu.memory_space<vmem>>, %arg13: memref<16x128xf32, #tpu.memory_space<vmem>>, %arg14: memref<10240x128xf32, #tpu.memory_space<vmem_shared>>, %arg15: memref<!tpu.dma_semaphore, #tpu.memory_space<semaphore_mem>>, %arg16: memref<!tpu.dma_semaphore, #tpu.memory_space<semaphore_mem>>, %arg17: memref<!tpu.dma_semaphore, #tpu.memory_space<semaphore_mem>>, %arg18: memref<!tpu.dma_semaphore, #tpu.memory_space<semaphore_mem>>, %arg19: memref<!tpu.dma_semaphore, #tpu.memory_space<semaphore_mem>>) attributes {dimension_semantics = [#tpu.dimension_semantics<core_parallel>, #tpu.dimension_semantics<subcore_parallel>], iteration_bounds = array<i64: 2, 16>, scalar_prefetch = 0 : i64, scratch_operands = 13 : i64, tpu.core_type = #tpu.core_type<sc_vector_subcore>, window_params = [{transform_indices = #map}, {transform_indices = #map1}, {transform_indices = #map1}, {transform_indices = #map}, {transform_indices = #map2}]} {
    %mul3A = arith.constant 160000 : i32
    %mul3A_0 = arith.muli %arg0, %mul3A : i32
    %mul3A_1 = arith.constant 10000 : i32
    %mul3A_2 = arith.muli %arg1, %mul3A_1 : i32
    %add3A = arith.addi %mul3A_0, %mul3A_2 : i32
    "tpu.region"() ({
      %run_scoped3A = tpu.sem_alloc : memref<!tpu.dma_semaphore, #tpu.memory_space<semaphore_mem>>
      %dma_start3A_65 = tpu.memref_slice %arg3[%add3A] : memref<320000xi32, #tpu.memory_space<hbm>> -> memref<10000xi32, #tpu.memory_space<hbm>>
      %dma_start3A_66 = tpu.memref_slice %arg3[%add3A] : memref<320000xi32, #tpu.memory_space<hbm>> -> memref<10000xi32, #tpu.memory_space<hbm>>
      tpu.enqueue_dma source(%dma_start3A_66 : memref<10000xi32, #tpu.memory_space<hbm>>) target(%arg7 : memref<10000xi32, #tpu.memory_space<vmem>>) target_semaphore(%run_scoped3A : memref<!tpu.dma_semaphore, #tpu.memory_space<semaphore_mem>>)
      %dma_wait3A_67 = tpu.memref_slice %arg3[%add3A] : memref<320000xi32, #tpu.memory_space<hbm>> -> memref<10000xi32, #tpu.memory_space<hbm>>
      %dma_wait3A_68 = tpu.memref_slice %arg3[%add3A] : memref<320000xi32, #tpu.memory_space<hbm>> -> memref<10000xi32, #tpu.memory_space<hbm>>
      tpu.wait_dma2 semaphore(%run_scoped3A : memref<!tpu.dma_semaphore, #tpu.memory_space<semaphore_mem>>) src(%dma_wait3A_68 : memref<10000xi32, #tpu.memory_space<hbm>>) dst(%arg7 : memref<10000xi32, #tpu.memory_space<vmem>>)
      tpu.yield
    }) : () -> ()
    %add3A_3 = arith.constant 0 : i32
    %add3A_4 = arith.addi %add3A, %add3A_3 : i32
    %dma_start3A = tpu.memref_slice %arg4[%add3A_4] : memref<320000xi32, #tpu.memory_space<hbm>> -> memref<128xi32, #tpu.memory_space<hbm>>
    %dma_start3A_5 = tpu.memref_slice %arg4[%add3A_4] : memref<320000xi32, #tpu.memory_space<hbm>> -> memref<128xi32, #tpu.memory_space<hbm>>
    tpu.enqueue_dma source(%dma_start3A_5 : memref<128xi32, #tpu.memory_space<hbm>>) target(%arg8 : memref<128xi32, #tpu.memory_space<vmem>>) target_semaphore(%arg17 : memref<!tpu.dma_semaphore, #tpu.memory_space<semaphore_mem>>)
    %dma_start3A_6 = arith.constant 0 : i32
    %dma_start3A_7 = tpu.memref_slice %arg7[%dma_start3A_6] : memref<10000xi32, #tpu.memory_space<vmem>> -> memref<128xi32, #tpu.memory_space<vmem>>
    %dma_start3A_8 = arith.constant 0 : i32
    %dma_start3A_9 = arith.constant 0 : i32
    %dma_start3A_10 = tpu.memref_slice %arg2[%dma_start3A_8, %dma_start3A_9] : memref<10000x128xf32, #tpu.memory_space<hbm>> -> memref<10000x128xf32, #tpu.memory_space<hbm>>
    tpu.enqueue_indirect_dma source(%dma_start3A_10 : memref<10000x128xf32, #tpu.memory_space<hbm>>) target(%arg11 : memref<128x128xf32, #tpu.memory_space<vmem>>) offsets(%dma_start3A_7 : memref<128xi32, #tpu.memory_space<vmem>>) semaphore(%arg15 : memref<!tpu.dma_semaphore, #tpu.memory_space<semaphore_mem>>)
    %mul3A_11 = arith.constant 640 : i32
    %mul3A_12 = arith.muli %arg1, %mul3A_11 : i32
    %mul3A_13 = arith.constant 640 : i32
    %mul3A_14 = arith.muli %arg1, %mul3A_13 : i32
    "tpu.region"() ({
      %run_scoped3A = tpu.sem_alloc : memref<!tpu.dma_semaphore, #tpu.memory_space<semaphore_mem>>
      %dma_start3A_65 = arith.constant 0 : i32
      %dma_start3A_66 = tpu.memref_slice %arg14[%mul3A_14, %dma_start3A_65] : memref<10240x128xf32, #tpu.memory_space<vmem_shared>> -> memref<640x128xf32, #tpu.memory_space<vmem_shared>>
      %dma_start3A_67 = arith.constant 0 : i32
      %dma_start3A_68 = tpu.memref_slice %arg5[%mul3A_12, %dma_start3A_67] : memref<10240x128xf32, #tpu.memory_space<hbm>> -> memref<640x128xf32, #tpu.memory_space<hbm>>
      tpu.enqueue_dma source(%dma_start3A_68 : memref<640x128xf32, #tpu.memory_space<hbm>>) target(%dma_start3A_66 : memref<640x128xf32, #tpu.memory_space<vmem_shared>>) target_semaphore(%run_scoped3A : memref<!tpu.dma_semaphore, #tpu.memory_space<semaphore_mem>>)
      %dma_wait3A_69 = arith.constant 0 : i32
      %dma_wait3A_70 = tpu.memref_slice %arg14[%mul3A_14, %dma_wait3A_69] : memref<10240x128xf32, #tpu.memory_space<vmem_shared>> -> memref<640x128xf32, #tpu.memory_space<vmem_shared>>
      %dma_wait3A_71 = arith.constant 0 : i32
      %dma_wait3A_72 = tpu.memref_slice %arg5[%mul3A_12, %dma_wait3A_71] : memref<10240x128xf32, #tpu.memory_space<hbm>> -> memref<640x128xf32, #tpu.memory_space<hbm>>
      tpu.wait_dma2 semaphore(%run_scoped3A : memref<!tpu.dma_semaphore, #tpu.memory_space<semaphore_mem>>) src(%dma_wait3A_72 : memref<640x128xf32, #tpu.memory_space<hbm>>) dst(%dma_wait3A_70 : memref<640x128xf32, #tpu.memory_space<vmem_shared>>)
      tpu.yield
    }) : () -> ()
    %barrier3A = arith.constant 0 : index
    tpu.barrier barrier_id(%barrier3A)
    %scan3A = arith.constant 0 : i32
    %scan3A_15 = arith.constant 38 : i32
    %scan3A_16 = arith.addi %scan3A, %scan3A_15 : i32
    %scan3A_17 = arith.constant 1 : i32
    scf.for %scan3A_65 = %scan3A to %scan3A_16 step %scan3A_17  : i32 {
      %mul3A_66 = arith.constant 1 : i32
      %mul3A_67 = arith.muli %scan3A_65, %mul3A_66 : i32
      %add3A_68 = arith.constant 0 : i32
      %add3A_69 = arith.addi %add3A_68, %mul3A_67 : i32
      %mul3A_70 = arith.constant 2 : i32
      %mul3A_71 = arith.muli %mul3A_70, %add3A_69 : i32
      %add3A_72 = arith.constant 1 : i32
      %add3A_73 = arith.addi %mul3A_71, %add3A_72 : i32
      %mul3A_74 = arith.constant 128 : i32
      %mul3A_75 = arith.muli %add3A_73, %mul3A_74 : i32
      %add3A_76 = arith.addi %add3A, %mul3A_75 : i32
      %dma_start3A_77 = tpu.memref_slice %arg4[%add3A_76] : memref<320000xi32, #tpu.memory_space<hbm>> -> memref<128xi32, #tpu.memory_space<hbm>>
      %dma_start3A_78 = tpu.memref_slice %arg4[%add3A_76] : memref<320000xi32, #tpu.memory_space<hbm>> -> memref<128xi32, #tpu.memory_space<hbm>>
      tpu.enqueue_dma source(%dma_start3A_78 : memref<128xi32, #tpu.memory_space<hbm>>) target(%arg9 : memref<128xi32, #tpu.memory_space<vmem>>) target_semaphore(%arg18 : memref<!tpu.dma_semaphore, #tpu.memory_space<semaphore_mem>>)
      %mul3A_79 = arith.constant 128 : i32
      %mul3A_80 = arith.muli %add3A_73, %mul3A_79 : i32
      %dma_start3A_81 = tpu.memref_slice %arg7[%mul3A_80] : memref<10000xi32, #tpu.memory_space<vmem>> -> memref<128xi32, #tpu.memory_space<vmem>>
      %dma_start3A_82 = arith.constant 0 : i32
      %dma_start3A_83 = arith.constant 0 : i32
      %dma_start3A_84 = tpu.memref_slice %arg2[%dma_start3A_82, %dma_start3A_83] : memref<10000x128xf32, #tpu.memory_space<hbm>> -> memref<10000x128xf32, #tpu.memory_space<hbm>>
      tpu.enqueue_indirect_dma source(%dma_start3A_84 : memref<10000x128xf32, #tpu.memory_space<hbm>>) target(%arg12 : memref<128x128xf32, #tpu.memory_space<vmem>>) offsets(%dma_start3A_81 : memref<128xi32, #tpu.memory_space<vmem>>) semaphore(%arg16 : memref<!tpu.dma_semaphore, #tpu.memory_space<semaphore_mem>>)
      %dma_wait3A_85 = arith.constant 0 : i32
      %dma_wait3A_86 = arith.constant 0 : i32
      %dma_wait3A_87 = tpu.memref_slice %arg2[%dma_wait3A_85, %dma_wait3A_86] : memref<10000x128xf32, #tpu.memory_space<hbm>> -> memref<128x128xf32, #tpu.memory_space<hbm>>
      %dma_wait3A_88 = arith.constant 0 : i32
      %dma_wait3A_89 = arith.constant 0 : i32
      %dma_wait3A_90 = tpu.memref_slice %arg2[%dma_wait3A_88, %dma_wait3A_89] : memref<10000x128xf32, #tpu.memory_space<hbm>> -> memref<128x128xf32, #tpu.memory_space<hbm>>
      tpu.wait_dma2 semaphore(%arg15 : memref<!tpu.dma_semaphore, #tpu.memory_space<semaphore_mem>>) src(%dma_wait3A_90 : memref<128x128xf32, #tpu.memory_space<hbm>>) dst(%arg11 : memref<128x128xf32, #tpu.memory_space<vmem>>)
      %dma_wait3A_91 = tpu.memref_slice %arg4[%add3A] : memref<320000xi32, #tpu.memory_space<hbm>> -> memref<128xi32, #tpu.memory_space<hbm>>
      %dma_wait3A_92 = tpu.memref_slice %arg4[%add3A] : memref<320000xi32, #tpu.memory_space<hbm>> -> memref<128xi32, #tpu.memory_space<hbm>>
      tpu.wait_dma2 semaphore(%arg17 : memref<!tpu.dma_semaphore, #tpu.memory_space<semaphore_mem>>) src(%dma_wait3A_92 : memref<128xi32, #tpu.memory_space<hbm>>) dst(%arg8 : memref<128xi32, #tpu.memory_space<vmem>>)
      "tpu.region"() ({
        %run_scoped3A = tpu.sem_alloc : memref<!tpu.dma_semaphore, #tpu.memory_space<semaphore_mem>>
        %dma_start3A_114 = arith.constant 0 : i32
        %dma_start3A_115 = arith.constant 0 : i32
        %dma_start3A_116 = tpu.memref_slice %arg14[%dma_start3A_114, %dma_start3A_115] : memref<10240x128xf32, #tpu.memory_space<vmem_shared>> -> memref<10240x128xf32, #tpu.memory_space<vmem_shared>>
        tpu.enqueue_indirect_dma source(%arg11 : memref<128x128xf32, #tpu.memory_space<vmem>>) target(%dma_start3A_116 : memref<10240x128xf32, #tpu.memory_space<vmem_shared>>) offsets(%arg8 : memref<128xi32, #tpu.memory_space<vmem>>) semaphore(%run_scoped3A : memref<!tpu.dma_semaphore, #tpu.memory_space<semaphore_mem>>) {add = true}
        %dma_wait3A_117 = arith.constant 0 : i32
        %dma_wait3A_118 = arith.constant 0 : i32
        %dma_wait3A_119 = tpu.memref_slice %arg14[%dma_wait3A_117, %dma_wait3A_118] : memref<10240x128xf32, #tpu.memory_space<vmem_shared>> -> memref<10240x128xf32, #tpu.memory_space<vmem_shared>>
        tpu.wait_indirect_dma semaphore(%run_scoped3A : memref<!tpu.dma_semaphore, #tpu.memory_space<semaphore_mem>>) src(%arg11 : memref<128x128xf32, #tpu.memory_space<vmem>>) dst(%dma_wait3A_119 : memref<10240x128xf32, #tpu.memory_space<vmem_shared>>)
        tpu.yield
      }) : () -> ()
      %add3A_93 = arith.constant 2 : i32
      %add3A_94 = arith.addi %mul3A_71, %add3A_93 : i32
      %mul3A_95 = arith.constant 128 : i32
      %mul3A_96 = arith.muli %add3A_94, %mul3A_95 : i32
      %add3A_97 = arith.addi %add3A, %mul3A_96 : i32
      %dma_start3A_98 = tpu.memref_slice %arg4[%add3A_97] : memref<320000xi32, #tpu.memory_space<hbm>> -> memref<128xi32, #tpu.memory_space<hbm>>
      %dma_start3A_99 = tpu.memref_slice %arg4[%add3A_97] : memref<320000xi32, #tpu.memory_space<hbm>> -> memref<128xi32, #tpu.memory_space<hbm>>
      tpu.enqueue_dma source(%dma_start3A_99 : memref<128xi32, #tpu.memory_space<hbm>>) target(%arg8 : memref<128xi32, #tpu.memory_space<vmem>>) target_semaphore(%arg17 : memref<!tpu.dma_semaphore, #tpu.memory_space<semaphore_mem>>)
      %mul3A_100 = arith.constant 128 : i32
      %mul3A_101 = arith.muli %add3A_94, %mul3A_100 : i32
      %dma_start3A_102 = tpu.memref_slice %arg7[%mul3A_101] : memref<10000xi32, #tpu.memory_space<vmem>> -> memref<128xi32, #tpu.memory_space<vmem>>
      %dma_start3A_103 = arith.constant 0 : i32
      %dma_start3A_104 = arith.constant 0 : i32
      %dma_start3A_105 = tpu.memref_slice %arg2[%dma_start3A_103, %dma_start3A_104] : memref<10000x128xf32, #tpu.memory_space<hbm>> -> memref<10000x128xf32, #tpu.memory_space<hbm>>
      tpu.enqueue_indirect_dma source(%dma_start3A_105 : memref<10000x128xf32, #tpu.memory_space<hbm>>) target(%arg11 : memref<128x128xf32, #tpu.memory_space<vmem>>) offsets(%dma_start3A_102 : memref<128xi32, #tpu.memory_space<vmem>>) semaphore(%arg15 : memref<!tpu.dma_semaphore, #tpu.memory_space<semaphore_mem>>)
      %dma_wait3A_106 = arith.constant 0 : i32
      %dma_wait3A_107 = arith.constant 0 : i32
      %dma_wait3A_108 = tpu.memref_slice %arg2[%dma_wait3A_106, %dma_wait3A_107] : memref<10000x128xf32, #tpu.memory_space<hbm>> -> memref<128x128xf32, #tpu.memory_space<hbm>>
      %dma_wait3A_109 = arith.constant 0 : i32
      %dma_wait3A_110 = arith.constant 0 : i32
      %dma_wait3A_111 = tpu.memref_slice %arg2[%dma_wait3A_109, %dma_wait3A_110] : memref<10000x128xf32, #tpu.memory_space<hbm>> -> memref<128x128xf32, #tpu.memory_space<hbm>>
      tpu.wait_dma2 semaphore(%arg16 : memref<!tpu.dma_semaphore, #tpu.memory_space<semaphore_mem>>) src(%dma_wait3A_111 : memref<128x128xf32, #tpu.memory_space<hbm>>) dst(%arg12 : memref<128x128xf32, #tpu.memory_space<vmem>>)
      %dma_wait3A_112 = tpu.memref_slice %arg4[%add3A] : memref<320000xi32, #tpu.memory_space<hbm>> -> memref<128xi32, #tpu.memory_space<hbm>>
      %dma_wait3A_113 = tpu.memref_slice %arg4[%add3A] : memref<320000xi32, #tpu.memory_space<hbm>> -> memref<128xi32, #tpu.memory_space<hbm>>
      tpu.wait_dma2 semaphore(%arg18 : memref<!tpu.dma_semaphore, #tpu.memory_space<semaphore_mem>>) src(%dma_wait3A_113 : memref<128xi32, #tpu.memory_space<hbm>>) dst(%arg9 : memref<128xi32, #tpu.memory_space<vmem>>)
      "tpu.region"() ({
        %run_scoped3A = tpu.sem_alloc : memref<!tpu.dma_semaphore, #tpu.memory_space<semaphore_mem>>
        %dma_start3A_114 = arith.constant 0 : i32
        %dma_start3A_115 = arith.constant 0 : i32
        %dma_start3A_116 = tpu.memref_slice %arg14[%dma_start3A_114, %dma_start3A_115] : memref<10240x128xf32, #tpu.memory_space<vmem_shared>> -> memref<10240x128xf32, #tpu.memory_space<vmem_shared>>
        tpu.enqueue_indirect_dma source(%arg12 : memref<128x128xf32, #tpu.memory_space<vmem>>) target(%dma_start3A_116 : memref<10240x128xf32, #tpu.memory_space<vmem_shared>>) offsets(%arg9 : memref<128xi32, #tpu.memory_space<vmem>>) semaphore(%run_scoped3A : memref<!tpu.dma_semaphore, #tpu.memory_space<semaphore_mem>>) {add = true}
        %dma_wait3A_117 = arith.constant 0 : i32
        %dma_wait3A_118 = arith.constant 0 : i32
        %dma_wait3A_119 = tpu.memref_slice %arg14[%dma_wait3A_117, %dma_wait3A_118] : memref<10240x128xf32, #tpu.memory_space<vmem_shared>> -> memref<10240x128xf32, #tpu.memory_space<vmem_shared>>
        tpu.wait_indirect_dma semaphore(%run_scoped3A : memref<!tpu.dma_semaphore, #tpu.memory_space<semaphore_mem>>) src(%arg12 : memref<128x128xf32, #tpu.memory_space<vmem>>) dst(%dma_wait3A_119 : memref<10240x128xf32, #tpu.memory_space<vmem_shared>>)
        tpu.yield
      }) : () -> ()
    }
    %scan3A_18 = arith.constant 38 : i32
    %add3A_19 = arith.constant 9856 : i32
    %add3A_20 = arith.addi %add3A, %add3A_19 : i32
    %dma_start3A_21 = tpu.memref_slice %arg4[%add3A_20] : memref<320000xi32, #tpu.memory_space<hbm>> -> memref<128xi32, #tpu.memory_space<hbm>>
    %dma_start3A_22 = tpu.memref_slice %arg4[%add3A_20] : memref<320000xi32, #tpu.memory_space<hbm>> -> memref<128xi32, #tpu.memory_space<hbm>>
    tpu.enqueue_dma source(%dma_start3A_22 : memref<128xi32, #tpu.memory_space<hbm>>) target(%arg9 : memref<128xi32, #tpu.memory_space<vmem>>) target_semaphore(%arg18 : memref<!tpu.dma_semaphore, #tpu.memory_space<semaphore_mem>>)
    %dma_start3A_23 = arith.constant 9856 : i32
    %dma_start3A_24 = tpu.memref_slice %arg7[%dma_start3A_23] : memref<10000xi32, #tpu.memory_space<vmem>> -> memref<128xi32, #tpu.memory_space<vmem>>
    %dma_start3A_25 = arith.constant 0 : i32
    %dma_start3A_26 = arith.constant 0 : i32
    %dma_start3A_27 = tpu.memref_slice %arg2[%dma_start3A_25, %dma_start3A_26] : memref<10000x128xf32, #tpu.memory_space<hbm>> -> memref<10000x128xf32, #tpu.memory_space<hbm>>
    tpu.enqueue_indirect_dma source(%dma_start3A_27 : memref<10000x128xf32, #tpu.memory_space<hbm>>) target(%arg12 : memref<128x128xf32, #tpu.memory_space<vmem>>) offsets(%dma_start3A_24 : memref<128xi32, #tpu.memory_space<vmem>>) semaphore(%arg16 : memref<!tpu.dma_semaphore, #tpu.memory_space<semaphore_mem>>)
    %dma_wait3A = arith.constant 0 : i32
    %dma_wait3A_28 = arith.constant 0 : i32
    %dma_wait3A_29 = tpu.memref_slice %arg2[%dma_wait3A, %dma_wait3A_28] : memref<10000x128xf32, #tpu.memory_space<hbm>> -> memref<128x128xf32, #tpu.memory_space<hbm>>
    %dma_wait3A_30 = arith.constant 0 : i32
    %dma_wait3A_31 = arith.constant 0 : i32
    %dma_wait3A_32 = tpu.memref_slice %arg2[%dma_wait3A_30, %dma_wait3A_31] : memref<10000x128xf32, #tpu.memory_space<hbm>> -> memref<128x128xf32, #tpu.memory_space<hbm>>
    tpu.wait_dma2 semaphore(%arg15 : memref<!tpu.dma_semaphore, #tpu.memory_space<semaphore_mem>>) src(%dma_wait3A_32 : memref<128x128xf32, #tpu.memory_space<hbm>>) dst(%arg11 : memref<128x128xf32, #tpu.memory_space<vmem>>)
    %dma_wait3A_33 = tpu.memref_slice %arg4[%add3A] : memref<320000xi32, #tpu.memory_space<hbm>> -> memref<128xi32, #tpu.memory_space<hbm>>
    %dma_wait3A_34 = tpu.memref_slice %arg4[%add3A] : memref<320000xi32, #tpu.memory_space<hbm>> -> memref<128xi32, #tpu.memory_space<hbm>>
    tpu.wait_dma2 semaphore(%arg17 : memref<!tpu.dma_semaphore, #tpu.memory_space<semaphore_mem>>) src(%dma_wait3A_34 : memref<128xi32, #tpu.memory_space<hbm>>) dst(%arg8 : memref<128xi32, #tpu.memory_space<vmem>>)
    "tpu.region"() ({
      %run_scoped3A = tpu.sem_alloc : memref<!tpu.dma_semaphore, #tpu.memory_space<semaphore_mem>>
      %dma_start3A_65 = arith.constant 0 : i32
      %dma_start3A_66 = arith.constant 0 : i32
      %dma_start3A_67 = tpu.memref_slice %arg14[%dma_start3A_65, %dma_start3A_66] : memref<10240x128xf32, #tpu.memory_space<vmem_shared>> -> memref<10240x128xf32, #tpu.memory_space<vmem_shared>>
      tpu.enqueue_indirect_dma source(%arg11 : memref<128x128xf32, #tpu.memory_space<vmem>>) target(%dma_start3A_67 : memref<10240x128xf32, #tpu.memory_space<vmem_shared>>) offsets(%arg8 : memref<128xi32, #tpu.memory_space<vmem>>) semaphore(%run_scoped3A : memref<!tpu.dma_semaphore, #tpu.memory_space<semaphore_mem>>) {add = true}
      %dma_wait3A_68 = arith.constant 0 : i32
      %dma_wait3A_69 = arith.constant 0 : i32
      %dma_wait3A_70 = tpu.memref_slice %arg14[%dma_wait3A_68, %dma_wait3A_69] : memref<10240x128xf32, #tpu.memory_space<vmem_shared>> -> memref<10240x128xf32, #tpu.memory_space<vmem_shared>>
      tpu.wait_indirect_dma semaphore(%run_scoped3A : memref<!tpu.dma_semaphore, #tpu.memory_space<semaphore_mem>>) src(%arg11 : memref<128x128xf32, #tpu.memory_space<vmem>>) dst(%dma_wait3A_70 : memref<10240x128xf32, #tpu.memory_space<vmem_shared>>)
      tpu.yield
    }) : () -> ()
    %add3A_35 = arith.constant 9984 : i32
    %add3A_36 = arith.addi %add3A, %add3A_35 : i32
    %dma_start3A_37 = tpu.memref_slice %arg4[%add3A_36] : memref<320000xi32, #tpu.memory_space<hbm>> -> memref<16xi32, #tpu.memory_space<hbm>>
    %dma_start3A_38 = tpu.memref_slice %arg4[%add3A_36] : memref<320000xi32, #tpu.memory_space<hbm>> -> memref<16xi32, #tpu.memory_space<hbm>>
    tpu.enqueue_dma source(%dma_start3A_38 : memref<16xi32, #tpu.memory_space<hbm>>) target(%arg10 : memref<16xi32, #tpu.memory_space<vmem>>) target_semaphore(%arg19 : memref<!tpu.dma_semaphore, #tpu.memory_space<semaphore_mem>>)
    %dma_start3A_39 = arith.constant 9984 : i32
    %dma_start3A_40 = tpu.memref_slice %arg7[%dma_start3A_39] : memref<10000xi32, #tpu.memory_space<vmem>> -> memref<16xi32, #tpu.memory_space<vmem>>
    %dma_start3A_41 = arith.constant 0 : i32
    %dma_start3A_42 = arith.constant 0 : i32
    %dma_start3A_43 = tpu.memref_slice %arg2[%dma_start3A_41, %dma_start3A_42] : memref<10000x128xf32, #tpu.memory_space<hbm>> -> memref<10000x128xf32, #tpu.memory_space<hbm>>
    tpu.enqueue_indirect_dma source(%dma_start3A_43 : memref<10000x128xf32, #tpu.memory_space<hbm>>) target(%arg13 : memref<16x128xf32, #tpu.memory_space<vmem>>) offsets(%dma_start3A_40 : memref<16xi32, #tpu.memory_space<vmem>>) semaphore(%arg19 : memref<!tpu.dma_semaphore, #tpu.memory_space<semaphore_mem>>)
    %dma_wait3A_44 = arith.constant 0 : i32
    %dma_wait3A_45 = arith.constant 0 : i32
    %dma_wait3A_46 = tpu.memref_slice %arg2[%dma_wait3A_44, %dma_wait3A_45] : memref<10000x128xf32, #tpu.memory_space<hbm>> -> memref<128x128xf32, #tpu.memory_space<hbm>>
    %dma_wait3A_47 = arith.constant 0 : i32
    %dma_wait3A_48 = arith.constant 0 : i32
    %dma_wait3A_49 = tpu.memref_slice %arg2[%dma_wait3A_47, %dma_wait3A_48] : memref<10000x128xf32, #tpu.memory_space<hbm>> -> memref<128x128xf32, #tpu.memory_space<hbm>>
    tpu.wait_dma2 semaphore(%arg16 : memref<!tpu.dma_semaphore, #tpu.memory_space<semaphore_mem>>) src(%dma_wait3A_49 : memref<128x128xf32, #tpu.memory_space<hbm>>) dst(%arg12 : memref<128x128xf32, #tpu.memory_space<vmem>>)
    %dma_wait3A_50 = tpu.memref_slice %arg4[%add3A] : memref<320000xi32, #tpu.memory_space<hbm>> -> memref<128xi32, #tpu.memory_space<hbm>>
    %dma_wait3A_51 = tpu.memref_slice %arg4[%add3A] : memref<320000xi32, #tpu.memory_space<hbm>> -> memref<128xi32, #tpu.memory_space<hbm>>
    tpu.wait_dma2 semaphore(%arg18 : memref<!tpu.dma_semaphore, #tpu.memory_space<semaphore_mem>>) src(%dma_wait3A_51 : memref<128xi32, #tpu.memory_space<hbm>>) dst(%arg9 : memref<128xi32, #tpu.memory_space<vmem>>)
    "tpu.region"() ({
      %run_scoped3A = tpu.sem_alloc : memref<!tpu.dma_semaphore, #tpu.memory_space<semaphore_mem>>
      %dma_start3A_65 = arith.constant 0 : i32
      %dma_start3A_66 = arith.constant 0 : i32
      %dma_start3A_67 = tpu.memref_slice %arg14[%dma_start3A_65, %dma_start3A_66] : memref<10240x128xf32, #tpu.memory_space<vmem_shared>> -> memref<10240x128xf32, #tpu.memory_space<vmem_shared>>
      tpu.enqueue_indirect_dma source(%arg12 : memref<128x128xf32, #tpu.memory_space<vmem>>) target(%dma_start3A_67 : memref<10240x128xf32, #tpu.memory_space<vmem_shared>>) offsets(%arg9 : memref<128xi32, #tpu.memory_space<vmem>>) semaphore(%run_scoped3A : memref<!tpu.dma_semaphore, #tpu.memory_space<semaphore_mem>>) {add = true}
      %dma_wait3A_68 = arith.constant 0 : i32
      %dma_wait3A_69 = arith.constant 0 : i32
      %dma_wait3A_70 = tpu.memref_slice %arg14[%dma_wait3A_68, %dma_wait3A_69] : memref<10240x128xf32, #tpu.memory_space<vmem_shared>> -> memref<10240x128xf32, #tpu.memory_space<vmem_shared>>
      tpu.wait_indirect_dma semaphore(%run_scoped3A : memref<!tpu.dma_semaphore, #tpu.memory_space<semaphore_mem>>) src(%arg12 : memref<128x128xf32, #tpu.memory_space<vmem>>) dst(%dma_wait3A_70 : memref<10240x128xf32, #tpu.memory_space<vmem_shared>>)
      tpu.yield
    }) : () -> ()
    %dma_wait3A_52 = tpu.memref_slice %arg4[%add3A] : memref<320000xi32, #tpu.memory_space<hbm>> -> memref<16xi32, #tpu.memory_space<hbm>>
    %dma_wait3A_53 = tpu.memref_slice %arg4[%add3A] : memref<320000xi32, #tpu.memory_space<hbm>> -> memref<16xi32, #tpu.memory_space<hbm>>
    tpu.wait_dma2 semaphore(%arg19 : memref<!tpu.dma_semaphore, #tpu.memory_space<semaphore_mem>>) src(%dma_wait3A_53 : memref<16xi32, #tpu.memory_space<hbm>>) dst(%arg10 : memref<16xi32, #tpu.memory_space<vmem>>)
    %dma_wait3A_54 = arith.constant 0 : i32
    %dma_wait3A_55 = arith.constant 0 : i32
    %dma_wait3A_56 = tpu.memref_slice %arg2[%dma_wait3A_54, %dma_wait3A_55] : memref<10000x128xf32, #tpu.memory_space<hbm>> -> memref<16x128xf32, #tpu.memory_space<hbm>>
    %dma_wait3A_57 = arith.constant 0 : i32
    %dma_wait3A_58 = arith.constant 0 : i32
    %dma_wait3A_59 = tpu.memref_slice %arg2[%dma_wait3A_57, %dma_wait3A_58] : memref<10000x128xf32, #tpu.memory_space<hbm>> -> memref<16x128xf32, #tpu.memory_space<hbm>>
    tpu.wait_dma2 semaphore(%arg19 : memref<!tpu.dma_semaphore, #tpu.memory_space<semaphore_mem>>) src(%dma_wait3A_59 : memref<16x128xf32, #tpu.memory_space<hbm>>) dst(%arg13 : memref<16x128xf32, #tpu.memory_space<vmem>>)
    "tpu.region"() ({
      %run_scoped3A = tpu.sem_alloc : memref<!tpu.dma_semaphore, #tpu.memory_space<semaphore_mem>>
      %dma_start3A_65 = arith.constant 0 : i32
      %dma_start3A_66 = arith.constant 0 : i32
      %dma_start3A_67 = tpu.memref_slice %arg14[%dma_start3A_65, %dma_start3A_66] : memref<10240x128xf32, #tpu.memory_space<vmem_shared>> -> memref<10240x128xf32, #tpu.memory_space<vmem_shared>>
      tpu.enqueue_indirect_dma source(%arg13 : memref<16x128xf32, #tpu.memory_space<vmem>>) target(%dma_start3A_67 : memref<10240x128xf32, #tpu.memory_space<vmem_shared>>) offsets(%arg10 : memref<16xi32, #tpu.memory_space<vmem>>) semaphore(%run_scoped3A : memref<!tpu.dma_semaphore, #tpu.memory_space<semaphore_mem>>) {add = true}
      %dma_wait3A_68 = arith.constant 0 : i32
      %dma_wait3A_69 = arith.constant 0 : i32
      %dma_wait3A_70 = tpu.memref_slice %arg14[%dma_wait3A_68, %dma_wait3A_69] : memref<10240x128xf32, #tpu.memory_space<vmem_shared>> -> memref<10240x128xf32, #tpu.memory_space<vmem_shared>>
      tpu.wait_indirect_dma semaphore(%run_scoped3A : memref<!tpu.dma_semaphore, #tpu.memory_space<semaphore_mem>>) src(%arg13 : memref<16x128xf32, #tpu.memory_space<vmem>>) dst(%dma_wait3A_70 : memref<10240x128xf32, #tpu.memory_space<vmem_shared>>)
      tpu.yield
    }) : () -> ()
    %barrier3A_60 = arith.constant 0 : index
    tpu.barrier barrier_id(%barrier3A_60)
    %mul3A_61 = arith.constant 640 : i32
    %mul3A_62 = arith.muli %arg1, %mul3A_61 : i32
    %mul3A_63 = arith.constant 640 : i32
    %mul3A_64 = arith.muli %arg1, %mul3A_63 : i32
    "tpu.region"() ({
      %run_scoped3A = tpu.sem_alloc : memref<!tpu.dma_semaphore, #tpu.memory_space<semaphore_mem>>
      %dma_start3A_65 = arith.constant 0 : i32
      %dma_start3A_66 = tpu.memref_slice %arg6[%arg0, %mul3A_64, %dma_start3A_65] : memref<2x10240x128xf32, #tpu.memory_space<hbm>> -> memref<1x640x128xf32, #tpu.memory_space<hbm>>
      %dma_start3A_67 = tpu.memref_squeeze %dma_start3A_66 : memref<1x640x128xf32, #tpu.memory_space<hbm>> -> memref<640x128xf32, #tpu.memory_space<hbm>>
      %dma_start3A_68 = arith.constant 0 : i32
      %dma_start3A_69 = tpu.memref_slice %arg14[%mul3A_62, %dma_start3A_68] : memref<10240x128xf32, #tpu.memory_space<vmem_shared>> -> memref<640x128xf32, #tpu.memory_space<vmem_shared>>
      tpu.enqueue_dma source(%dma_start3A_69 : memref<640x128xf32, #tpu.memory_space<vmem_shared>>) target(%dma_start3A_67 : memref<640x128xf32, #tpu.memory_space<hbm>>) target_semaphore(%run_scoped3A : memref<!tpu.dma_semaphore, #tpu.memory_space<semaphore_mem>>)
      %dma_wait3A_70 = arith.constant 0 : i32
      %dma_wait3A_71 = tpu.memref_slice %arg6[%arg0, %mul3A_64, %dma_wait3A_70] : memref<2x10240x128xf32, #tpu.memory_space<hbm>> -> memref<1x640x128xf32, #tpu.memory_space<hbm>>
      %dma_wait3A_72 = tpu.memref_squeeze %dma_wait3A_71 : memref<1x640x128xf32, #tpu.memory_space<hbm>> -> memref<640x128xf32, #tpu.memory_space<hbm>>
      %dma_wait3A_73 = arith.constant 0 : i32
      %dma_wait3A_74 = tpu.memref_slice %arg14[%mul3A_62, %dma_wait3A_73] : memref<10240x128xf32, #tpu.memory_space<vmem_shared>> -> memref<640x128xf32, #tpu.memory_space<vmem_shared>>
      tpu.wait_dma2 semaphore(%run_scoped3A : memref<!tpu.dma_semaphore, #tpu.memory_space<semaphore_mem>>) src(%dma_wait3A_74 : memref<640x128xf32, #tpu.memory_space<vmem_shared>>) dst(%dma_wait3A_72 : memref<640x128xf32, #tpu.memory_space<hbm>>)
      tpu.yield
    }) : () -> ()
    return
  }
}

#map = affine_map<(d0, d1) -> (0, 0)>
#map1 = affine_map<(d0, d1) -> (0)>
#map2 = affine_map<(d0, d1) -> (0, 0, 0)>
module attributes {stable_mosaic.version = 14 : i64} {
  func.func @_agg_body(%arg0: i32, %arg1: i32, %arg2: memref<10000x128xf32, #tpu.memory_space<hbm>>, %arg3: memref<320000xi32, #tpu.memory_space<hbm>>, %arg4: memref<320000xi32, #tpu.memory_space<hbm>>, %arg5: memref<10240x128xf32, #tpu.memory_space<hbm>>, %arg6: memref<2x10240x128xf32, #tpu.memory_space<hbm>>, %arg7: memref<10000xi32, #tpu.memory_space<vmem>>, %arg8: memref<128xi32, #tpu.memory_space<vmem>>, %arg9: memref<128xi32, #tpu.memory_space<vmem>>, %arg10: memref<16xi32, #tpu.memory_space<vmem>>, %arg11: memref<128x128xf32, #tpu.memory_space<vmem>>, %arg12: memref<128x128xf32, #tpu.memory_space<vmem>>, %arg13: memref<16x128xf32, #tpu.memory_space<vmem>>, %arg14: memref<10240x128xf32, #tpu.memory_space<vmem_shared>>, %arg15: memref<!tpu.dma_semaphore, #tpu.memory_space<semaphore_mem>>, %arg16: memref<!tpu.dma_semaphore, #tpu.memory_space<semaphore_mem>>, %arg17: memref<!tpu.dma_semaphore, #tpu.memory_space<semaphore_mem>>, %arg18: memref<!tpu.dma_semaphore, #tpu.memory_space<semaphore_mem>>, %arg19: memref<!tpu.dma_semaphore, #tpu.memory_space<semaphore_mem>>) attributes {dimension_semantics = [#tpu.dimension_semantics<core_parallel>, #tpu.dimension_semantics<subcore_parallel>], iteration_bounds = array<i64: 2, 16>, scalar_prefetch = 0 : i64, scratch_operands = 13 : i64, tpu.core_type = #tpu.core_type<sc_vector_subcore>, window_params = [{transform_indices = #map}, {transform_indices = #map1}, {transform_indices = #map1}, {transform_indices = #map}, {transform_indices = #map2}]} {
    %mul3A = arith.constant 160000 : i32
    %mul3A_0 = arith.muli %arg0, %mul3A : i32
    %mul3A_1 = arith.constant 10000 : i32
    %mul3A_2 = arith.muli %arg1, %mul3A_1 : i32
    %add3A = arith.addi %mul3A_0, %mul3A_2 : i32
    "tpu.region"() ({
      %run_scoped3A = tpu.sem_alloc : memref<!tpu.dma_semaphore, #tpu.memory_space<semaphore_mem>>
      %dma_start3A_65 = tpu.memref_slice %arg3[%add3A] : memref<320000xi32, #tpu.memory_space<hbm>> -> memref<10000xi32, #tpu.memory_space<hbm>>
      %dma_start3A_66 = tpu.memref_slice %arg3[%add3A] : memref<320000xi32, #tpu.memory_space<hbm>> -> memref<10000xi32, #tpu.memory_space<hbm>>
      tpu.enqueue_dma source(%dma_start3A_66 : memref<10000xi32, #tpu.memory_space<hbm>>) target(%arg7 : memref<10000xi32, #tpu.memory_space<vmem>>) target_semaphore(%run_scoped3A : memref<!tpu.dma_semaphore, #tpu.memory_space<semaphore_mem>>)
      %dma_wait3A_67 = tpu.memref_slice %arg3[%add3A] : memref<320000xi32, #tpu.memory_space<hbm>> -> memref<10000xi32, #tpu.memory_space<hbm>>
      %dma_wait3A_68 = tpu.memref_slice %arg3[%add3A] : memref<320000xi32, #tpu.memory_space<hbm>> -> memref<10000xi32, #tpu.memory_space<hbm>>
      tpu.wait_dma2 semaphore(%run_scoped3A : memref<!tpu.dma_semaphore, #tpu.memory_space<semaphore_mem>>) src(%dma_wait3A_68 : memref<10000xi32, #tpu.memory_space<hbm>>) dst(%arg7 : memref<10000xi32, #tpu.memory_space<vmem>>)
      tpu.yield
    }) : () -> ()
    %add3A_3 = arith.constant 0 : i32
    %add3A_4 = arith.addi %add3A, %add3A_3 : i32
    %dma_start3A = tpu.memref_slice %arg4[%add3A_4] : memref<320000xi32, #tpu.memory_space<hbm>> -> memref<128xi32, #tpu.memory_space<hbm>>
    %dma_start3A_5 = tpu.memref_slice %arg4[%add3A_4] : memref<320000xi32, #tpu.memory_space<hbm>> -> memref<128xi32, #tpu.memory_space<hbm>>
    tpu.enqueue_dma source(%dma_start3A_5 : memref<128xi32, #tpu.memory_space<hbm>>) target(%arg8 : memref<128xi32, #tpu.memory_space<vmem>>) target_semaphore(%arg17 : memref<!tpu.dma_semaphore, #tpu.memory_space<semaphore_mem>>)
    %dma_start3A_6 = arith.constant 0 : i32
    %dma_start3A_7 = tpu.memref_slice %arg7[%dma_start3A_6] : memref<10000xi32, #tpu.memory_space<vmem>> -> memref<128xi32, #tpu.memory_space<vmem>>
    %dma_start3A_8 = arith.constant 0 : i32
    %dma_start3A_9 = arith.constant 0 : i32
    %dma_start3A_10 = tpu.memref_slice %arg2[%dma_start3A_8, %dma_start3A_9] : memref<10000x128xf32, #tpu.memory_space<hbm>> -> memref<10000x128xf32, #tpu.memory_space<hbm>>
    tpu.enqueue_indirect_dma source(%dma_start3A_10 : memref<10000x128xf32, #tpu.memory_space<hbm>>) target(%arg11 : memref<128x128xf32, #tpu.memory_space<vmem>>) offsets(%dma_start3A_7 : memref<128xi32, #tpu.memory_space<vmem>>) semaphore(%arg15 : memref<!tpu.dma_semaphore, #tpu.memory_space<semaphore_mem>>)
    %mul3A_11 = arith.constant 640 : i32
    %mul3A_12 = arith.muli %arg1, %mul3A_11 : i32
    %mul3A_13 = arith.constant 640 : i32
    %mul3A_14 = arith.muli %arg1, %mul3A_13 : i32
    "tpu.region"() ({
      %run_scoped3A = tpu.sem_alloc : memref<!tpu.dma_semaphore, #tpu.memory_space<semaphore_mem>>
      %dma_start3A_65 = arith.constant 0 : i32
      %dma_start3A_66 = tpu.memref_slice %arg14[%mul3A_14, %dma_start3A_65] : memref<10240x128xf32, #tpu.memory_space<vmem_shared>> -> memref<640x128xf32, #tpu.memory_space<vmem_shared>>
      %dma_start3A_67 = arith.constant 0 : i32
      %dma_start3A_68 = tpu.memref_slice %arg5[%mul3A_12, %dma_start3A_67] : memref<10240x128xf32, #tpu.memory_space<hbm>> -> memref<640x128xf32, #tpu.memory_space<hbm>>
      tpu.enqueue_dma source(%dma_start3A_68 : memref<640x128xf32, #tpu.memory_space<hbm>>) target(%dma_start3A_66 : memref<640x128xf32, #tpu.memory_space<vmem_shared>>) target_semaphore(%run_scoped3A : memref<!tpu.dma_semaphore, #tpu.memory_space<semaphore_mem>>)
      %dma_wait3A_69 = arith.constant 0 : i32
      %dma_wait3A_70 = tpu.memref_slice %arg14[%mul3A_14, %dma_wait3A_69] : memref<10240x128xf32, #tpu.memory_space<vmem_shared>> -> memref<640x128xf32, #tpu.memory_space<vmem_shared>>
      %dma_wait3A_71 = arith.constant 0 : i32
      %dma_wait3A_72 = tpu.memref_slice %arg5[%mul3A_12, %dma_wait3A_71] : memref<10240x128xf32, #tpu.memory_space<hbm>> -> memref<640x128xf32, #tpu.memory_space<hbm>>
      tpu.wait_dma2 semaphore(%run_scoped3A : memref<!tpu.dma_semaphore, #tpu.memory_space<semaphore_mem>>) src(%dma_wait3A_72 : memref<640x128xf32, #tpu.memory_space<hbm>>) dst(%dma_wait3A_70 : memref<640x128xf32, #tpu.memory_space<vmem_shared>>)
      tpu.yield
    }) : () -> ()
    %barrier3A = arith.constant 0 : index
    tpu.barrier barrier_id(%barrier3A)
    %scan3A = arith.constant 0 : i32
    %scan3A_15 = arith.constant 38 : i32
    %scan3A_16 = arith.addi %scan3A, %scan3A_15 : i32
    %scan3A_17 = arith.constant 1 : i32
    scf.for %scan3A_65 = %scan3A to %scan3A_16 step %scan3A_17  : i32 {
      %mul3A_66 = arith.constant 1 : i32
      %mul3A_67 = arith.muli %scan3A_65, %mul3A_66 : i32
      %add3A_68 = arith.constant 0 : i32
      %add3A_69 = arith.addi %add3A_68, %mul3A_67 : i32
      %mul3A_70 = arith.constant 2 : i32
      %mul3A_71 = arith.muli %mul3A_70, %add3A_69 : i32
      %add3A_72 = arith.constant 1 : i32
      %add3A_73 = arith.addi %mul3A_71, %add3A_72 : i32
      %mul3A_74 = arith.constant 128 : i32
      %mul3A_75 = arith.muli %add3A_73, %mul3A_74 : i32
      %add3A_76 = arith.addi %add3A, %mul3A_75 : i32
      %dma_start3A_77 = tpu.memref_slice %arg4[%add3A_76] : memref<320000xi32, #tpu.memory_space<hbm>> -> memref<128xi32, #tpu.memory_space<hbm>>
      %dma_start3A_78 = tpu.memref_slice %arg4[%add3A_76] : memref<320000xi32, #tpu.memory_space<hbm>> -> memref<128xi32, #tpu.memory_space<hbm>>
      tpu.enqueue_dma source(%dma_start3A_78 : memref<128xi32, #tpu.memory_space<hbm>>) target(%arg9 : memref<128xi32, #tpu.memory_space<vmem>>) target_semaphore(%arg18 : memref<!tpu.dma_semaphore, #tpu.memory_space<semaphore_mem>>)
      %mul3A_79 = arith.constant 128 : i32
      %mul3A_80 = arith.muli %add3A_73, %mul3A_79 : i32
      %dma_start3A_81 = tpu.memref_slice %arg7[%mul3A_80] : memref<10000xi32, #tpu.memory_space<vmem>> -> memref<128xi32, #tpu.memory_space<vmem>>
      %dma_start3A_82 = arith.constant 0 : i32
      %dma_start3A_83 = arith.constant 0 : i32
      %dma_start3A_84 = tpu.memref_slice %arg2[%dma_start3A_82, %dma_start3A_83] : memref<10000x128xf32, #tpu.memory_space<hbm>> -> memref<10000x128xf32, #tpu.memory_space<hbm>>
      tpu.enqueue_indirect_dma source(%dma_start3A_84 : memref<10000x128xf32, #tpu.memory_space<hbm>>) target(%arg12 : memref<128x128xf32, #tpu.memory_space<vmem>>) offsets(%dma_start3A_81 : memref<128xi32, #tpu.memory_space<vmem>>) semaphore(%arg16 : memref<!tpu.dma_semaphore, #tpu.memory_space<semaphore_mem>>)
      %dma_wait3A_85 = arith.constant 0 : i32
      %dma_wait3A_86 = arith.constant 0 : i32
      %dma_wait3A_87 = tpu.memref_slice %arg2[%dma_wait3A_85, %dma_wait3A_86] : memref<10000x128xf32, #tpu.memory_space<hbm>> -> memref<128x128xf32, #tpu.memory_space<hbm>>
      %dma_wait3A_88 = arith.constant 0 : i32
      %dma_wait3A_89 = arith.constant 0 : i32
      %dma_wait3A_90 = tpu.memref_slice %arg2[%dma_wait3A_88, %dma_wait3A_89] : memref<10000x128xf32, #tpu.memory_space<hbm>> -> memref<128x128xf32, #tpu.memory_space<hbm>>
      tpu.wait_dma2 semaphore(%arg15 : memref<!tpu.dma_semaphore, #tpu.memory_space<semaphore_mem>>) src(%dma_wait3A_90 : memref<128x128xf32, #tpu.memory_space<hbm>>) dst(%arg11 : memref<128x128xf32, #tpu.memory_space<vmem>>)
      %dma_wait3A_91 = tpu.memref_slice %arg4[%add3A] : memref<320000xi32, #tpu.memory_space<hbm>> -> memref<128xi32, #tpu.memory_space<hbm>>
      %dma_wait3A_92 = tpu.memref_slice %arg4[%add3A] : memref<320000xi32, #tpu.memory_space<hbm>> -> memref<128xi32, #tpu.memory_space<hbm>>
      tpu.wait_dma2 semaphore(%arg17 : memref<!tpu.dma_semaphore, #tpu.memory_space<semaphore_mem>>) src(%dma_wait3A_92 : memref<128xi32, #tpu.memory_space<hbm>>) dst(%arg8 : memref<128xi32, #tpu.memory_space<vmem>>)
      "tpu.region"() ({
        %run_scoped3A = tpu.sem_alloc : memref<!tpu.dma_semaphore, #tpu.memory_space<semaphore_mem>>
        %dma_start3A_114 = arith.constant 0 : i32
        %dma_start3A_115 = arith.constant 0 : i32
        %dma_start3A_116 = tpu.memref_slice %arg14[%dma_start3A_114, %dma_start3A_115] : memref<10240x128xf32, #tpu.memory_space<vmem_shared>> -> memref<10240x128xf32, #tpu.memory_space<vmem_shared>>
        tpu.enqueue_indirect_dma source(%arg11 : memref<128x128xf32, #tpu.memory_space<vmem>>) target(%dma_start3A_116 : memref<10240x128xf32, #tpu.memory_space<vmem_shared>>) offsets(%arg8 : memref<128xi32, #tpu.memory_space<vmem>>) semaphore(%run_scoped3A : memref<!tpu.dma_semaphore, #tpu.memory_space<semaphore_mem>>) {add = true}
        %dma_wait3A_117 = arith.constant 0 : i32
        %dma_wait3A_118 = arith.constant 0 : i32
        %dma_wait3A_119 = tpu.memref_slice %arg14[%dma_wait3A_117, %dma_wait3A_118] : memref<10240x128xf32, #tpu.memory_space<vmem_shared>> -> memref<10240x128xf32, #tpu.memory_space<vmem_shared>>
        tpu.wait_indirect_dma semaphore(%run_scoped3A : memref<!tpu.dma_semaphore, #tpu.memory_space<semaphore_mem>>) src(%arg11 : memref<128x128xf32, #tpu.memory_space<vmem>>) dst(%dma_wait3A_119 : memref<10240x128xf32, #tpu.memory_space<vmem_shared>>)
        tpu.yield
      }) : () -> ()
      %add3A_93 = arith.constant 2 : i32
      %add3A_94 = arith.addi %mul3A_71, %add3A_93 : i32
      %mul3A_95 = arith.constant 128 : i32
      %mul3A_96 = arith.muli %add3A_94, %mul3A_95 : i32
      %add3A_97 = arith.addi %add3A, %mul3A_96 : i32
      %dma_start3A_98 = tpu.memref_slice %arg4[%add3A_97] : memref<320000xi32, #tpu.memory_space<hbm>> -> memref<128xi32, #tpu.memory_space<hbm>>
      %dma_start3A_99 = tpu.memref_slice %arg4[%add3A_97] : memref<320000xi32, #tpu.memory_space<hbm>> -> memref<128xi32, #tpu.memory_space<hbm>>
      tpu.enqueue_dma source(%dma_start3A_99 : memref<128xi32, #tpu.memory_space<hbm>>) target(%arg8 : memref<128xi32, #tpu.memory_space<vmem>>) target_semaphore(%arg17 : memref<!tpu.dma_semaphore, #tpu.memory_space<semaphore_mem>>)
      %mul3A_100 = arith.constant 128 : i32
      %mul3A_101 = arith.muli %add3A_94, %mul3A_100 : i32
      %dma_start3A_102 = tpu.memref_slice %arg7[%mul3A_101] : memref<10000xi32, #tpu.memory_space<vmem>> -> memref<128xi32, #tpu.memory_space<vmem>>
      %dma_start3A_103 = arith.constant 0 : i32
      %dma_start3A_104 = arith.constant 0 : i32
      %dma_start3A_105 = tpu.memref_slice %arg2[%dma_start3A_103, %dma_start3A_104] : memref<10000x128xf32, #tpu.memory_space<hbm>> -> memref<10000x128xf32, #tpu.memory_space<hbm>>
      tpu.enqueue_indirect_dma source(%dma_start3A_105 : memref<10000x128xf32, #tpu.memory_space<hbm>>) target(%arg11 : memref<128x128xf32, #tpu.memory_space<vmem>>) offsets(%dma_start3A_102 : memref<128xi32, #tpu.memory_space<vmem>>) semaphore(%arg15 : memref<!tpu.dma_semaphore, #tpu.memory_space<semaphore_mem>>)
      %dma_wait3A_106 = arith.constant 0 : i32
      %dma_wait3A_107 = arith.constant 0 : i32
      %dma_wait3A_108 = tpu.memref_slice %arg2[%dma_wait3A_106, %dma_wait3A_107] : memref<10000x128xf32, #tpu.memory_space<hbm>> -> memref<128x128xf32, #tpu.memory_space<hbm>>
      %dma_wait3A_109 = arith.constant 0 : i32
      %dma_wait3A_110 = arith.constant 0 : i32
      %dma_wait3A_111 = tpu.memref_slice %arg2[%dma_wait3A_109, %dma_wait3A_110] : memref<10000x128xf32, #tpu.memory_space<hbm>> -> memref<128x128xf32, #tpu.memory_space<hbm>>
      tpu.wait_dma2 semaphore(%arg16 : memref<!tpu.dma_semaphore, #tpu.memory_space<semaphore_mem>>) src(%dma_wait3A_111 : memref<128x128xf32, #tpu.memory_space<hbm>>) dst(%arg12 : memref<128x128xf32, #tpu.memory_space<vmem>>)
      %dma_wait3A_112 = tpu.memref_slice %arg4[%add3A] : memref<320000xi32, #tpu.memory_space<hbm>> -> memref<128xi32, #tpu.memory_space<hbm>>
      %dma_wait3A_113 = tpu.memref_slice %arg4[%add3A] : memref<320000xi32, #tpu.memory_space<hbm>> -> memref<128xi32, #tpu.memory_space<hbm>>
      tpu.wait_dma2 semaphore(%arg18 : memref<!tpu.dma_semaphore, #tpu.memory_space<semaphore_mem>>) src(%dma_wait3A_113 : memref<128xi32, #tpu.memory_space<hbm>>) dst(%arg9 : memref<128xi32, #tpu.memory_space<vmem>>)
      "tpu.region"() ({
        %run_scoped3A = tpu.sem_alloc : memref<!tpu.dma_semaphore, #tpu.memory_space<semaphore_mem>>
        %dma_start3A_114 = arith.constant 0 : i32
        %dma_start3A_115 = arith.constant 0 : i32
        %dma_start3A_116 = tpu.memref_slice %arg14[%dma_start3A_114, %dma_start3A_115] : memref<10240x128xf32, #tpu.memory_space<vmem_shared>> -> memref<10240x128xf32, #tpu.memory_space<vmem_shared>>
        tpu.enqueue_indirect_dma source(%arg12 : memref<128x128xf32, #tpu.memory_space<vmem>>) target(%dma_start3A_116 : memref<10240x128xf32, #tpu.memory_space<vmem_shared>>) offsets(%arg9 : memref<128xi32, #tpu.memory_space<vmem>>) semaphore(%run_scoped3A : memref<!tpu.dma_semaphore, #tpu.memory_space<semaphore_mem>>) {add = true}
        %dma_wait3A_117 = arith.constant 0 : i32
        %dma_wait3A_118 = arith.constant 0 : i32
        %dma_wait3A_119 = tpu.memref_slice %arg14[%dma_wait3A_117, %dma_wait3A_118] : memref<10240x128xf32, #tpu.memory_space<vmem_shared>> -> memref<10240x128xf32, #tpu.memory_space<vmem_shared>>
        tpu.wait_indirect_dma semaphore(%run_scoped3A : memref<!tpu.dma_semaphore, #tpu.memory_space<semaphore_mem>>) src(%arg12 : memref<128x128xf32, #tpu.memory_space<vmem>>) dst(%dma_wait3A_119 : memref<10240x128xf32, #tpu.memory_space<vmem_shared>>)
        tpu.yield
      }) : () -> ()
    }
    %scan3A_18 = arith.constant 38 : i32
    %add3A_19 = arith.constant 9856 : i32
    %add3A_20 = arith.addi %add3A, %add3A_19 : i32
    %dma_start3A_21 = tpu.memref_slice %arg4[%add3A_20] : memref<320000xi32, #tpu.memory_space<hbm>> -> memref<128xi32, #tpu.memory_space<hbm>>
    %dma_start3A_22 = tpu.memref_slice %arg4[%add3A_20] : memref<320000xi32, #tpu.memory_space<hbm>> -> memref<128xi32, #tpu.memory_space<hbm>>
    tpu.enqueue_dma source(%dma_start3A_22 : memref<128xi32, #tpu.memory_space<hbm>>) target(%arg9 : memref<128xi32, #tpu.memory_space<vmem>>) target_semaphore(%arg18 : memref<!tpu.dma_semaphore, #tpu.memory_space<semaphore_mem>>)
    %dma_start3A_23 = arith.constant 9856 : i32
    %dma_start3A_24 = tpu.memref_slice %arg7[%dma_start3A_23] : memref<10000xi32, #tpu.memory_space<vmem>> -> memref<128xi32, #tpu.memory_space<vmem>>
    %dma_start3A_25 = arith.constant 0 : i32
    %dma_start3A_26 = arith.constant 0 : i32
    %dma_start3A_27 = tpu.memref_slice %arg2[%dma_start3A_25, %dma_start3A_26] : memref<10000x128xf32, #tpu.memory_space<hbm>> -> memref<10000x128xf32, #tpu.memory_space<hbm>>
    tpu.enqueue_indirect_dma source(%dma_start3A_27 : memref<10000x128xf32, #tpu.memory_space<hbm>>) target(%arg12 : memref<128x128xf32, #tpu.memory_space<vmem>>) offsets(%dma_start3A_24 : memref<128xi32, #tpu.memory_space<vmem>>) semaphore(%arg16 : memref<!tpu.dma_semaphore, #tpu.memory_space<semaphore_mem>>)
    %dma_wait3A = arith.constant 0 : i32
    %dma_wait3A_28 = arith.constant 0 : i32
    %dma_wait3A_29 = tpu.memref_slice %arg2[%dma_wait3A, %dma_wait3A_28] : memref<10000x128xf32, #tpu.memory_space<hbm>> -> memref<128x128xf32, #tpu.memory_space<hbm>>
    %dma_wait3A_30 = arith.constant 0 : i32
    %dma_wait3A_31 = arith.constant 0 : i32
    %dma_wait3A_32 = tpu.memref_slice %arg2[%dma_wait3A_30, %dma_wait3A_31] : memref<10000x128xf32, #tpu.memory_space<hbm>> -> memref<128x128xf32, #tpu.memory_space<hbm>>
    tpu.wait_dma2 semaphore(%arg15 : memref<!tpu.dma_semaphore, #tpu.memory_space<semaphore_mem>>) src(%dma_wait3A_32 : memref<128x128xf32, #tpu.memory_space<hbm>>) dst(%arg11 : memref<128x128xf32, #tpu.memory_space<vmem>>)
    %dma_wait3A_33 = tpu.memref_slice %arg4[%add3A] : memref<320000xi32, #tpu.memory_space<hbm>> -> memref<128xi32, #tpu.memory_space<hbm>>
    %dma_wait3A_34 = tpu.memref_slice %arg4[%add3A] : memref<320000xi32, #tpu.memory_space<hbm>> -> memref<128xi32, #tpu.memory_space<hbm>>
    tpu.wait_dma2 semaphore(%arg17 : memref<!tpu.dma_semaphore, #tpu.memory_space<semaphore_mem>>) src(%dma_wait3A_34 : memref<128xi32, #tpu.memory_space<hbm>>) dst(%arg8 : memref<128xi32, #tpu.memory_space<vmem>>)
    "tpu.region"() ({
      %run_scoped3A = tpu.sem_alloc : memref<!tpu.dma_semaphore, #tpu.memory_space<semaphore_mem>>
      %dma_start3A_65 = arith.constant 0 : i32
      %dma_start3A_66 = arith.constant 0 : i32
      %dma_start3A_67 = tpu.memref_slice %arg14[%dma_start3A_65, %dma_start3A_66] : memref<10240x128xf32, #tpu.memory_space<vmem_shared>> -> memref<10240x128xf32, #tpu.memory_space<vmem_shared>>
      tpu.enqueue_indirect_dma source(%arg11 : memref<128x128xf32, #tpu.memory_space<vmem>>) target(%dma_start3A_67 : memref<10240x128xf32, #tpu.memory_space<vmem_shared>>) offsets(%arg8 : memref<128xi32, #tpu.memory_space<vmem>>) semaphore(%run_scoped3A : memref<!tpu.dma_semaphore, #tpu.memory_space<semaphore_mem>>) {add = true}
      %dma_wait3A_68 = arith.constant 0 : i32
      %dma_wait3A_69 = arith.constant 0 : i32
      %dma_wait3A_70 = tpu.memref_slice %arg14[%dma_wait3A_68, %dma_wait3A_69] : memref<10240x128xf32, #tpu.memory_space<vmem_shared>> -> memref<10240x128xf32, #tpu.memory_space<vmem_shared>>
      tpu.wait_indirect_dma semaphore(%run_scoped3A : memref<!tpu.dma_semaphore, #tpu.memory_space<semaphore_mem>>) src(%arg11 : memref<128x128xf32, #tpu.memory_space<vmem>>) dst(%dma_wait3A_70 : memref<10240x128xf32, #tpu.memory_space<vmem_shared>>)
      tpu.yield
    }) : () -> ()
    %add3A_35 = arith.constant 9984 : i32
    %add3A_36 = arith.addi %add3A, %add3A_35 : i32
    %dma_start3A_37 = tpu.memref_slice %arg4[%add3A_36] : memref<320000xi32, #tpu.memory_space<hbm>> -> memref<16xi32, #tpu.memory_space<hbm>>
    %dma_start3A_38 = tpu.memref_slice %arg4[%add3A_36] : memref<320000xi32, #tpu.memory_space<hbm>> -> memref<16xi32, #tpu.memory_space<hbm>>
    tpu.enqueue_dma source(%dma_start3A_38 : memref<16xi32, #tpu.memory_space<hbm>>) target(%arg10 : memref<16xi32, #tpu.memory_space<vmem>>) target_semaphore(%arg19 : memref<!tpu.dma_semaphore, #tpu.memory_space<semaphore_mem>>)
    %dma_start3A_39 = arith.constant 9984 : i32
    %dma_start3A_40 = tpu.memref_slice %arg7[%dma_start3A_39] : memref<10000xi32, #tpu.memory_space<vmem>> -> memref<16xi32, #tpu.memory_space<vmem>>
    %dma_start3A_41 = arith.constant 0 : i32
    %dma_start3A_42 = arith.constant 0 : i32
    %dma_start3A_43 = tpu.memref_slice %arg2[%dma_start3A_41, %dma_start3A_42] : memref<10000x128xf32, #tpu.memory_space<hbm>> -> memref<10000x128xf32, #tpu.memory_space<hbm>>
    tpu.enqueue_indirect_dma source(%dma_start3A_43 : memref<10000x128xf32, #tpu.memory_space<hbm>>) target(%arg13 : memref<16x128xf32, #tpu.memory_space<vmem>>) offsets(%dma_start3A_40 : memref<16xi32, #tpu.memory_space<vmem>>) semaphore(%arg19 : memref<!tpu.dma_semaphore, #tpu.memory_space<semaphore_mem>>)
    %dma_wait3A_44 = arith.constant 0 : i32
    %dma_wait3A_45 = arith.constant 0 : i32
    %dma_wait3A_46 = tpu.memref_slice %arg2[%dma_wait3A_44, %dma_wait3A_45] : memref<10000x128xf32, #tpu.memory_space<hbm>> -> memref<128x128xf32, #tpu.memory_space<hbm>>
    %dma_wait3A_47 = arith.constant 0 : i32
    %dma_wait3A_48 = arith.constant 0 : i32
    %dma_wait3A_49 = tpu.memref_slice %arg2[%dma_wait3A_47, %dma_wait3A_48] : memref<10000x128xf32, #tpu.memory_space<hbm>> -> memref<128x128xf32, #tpu.memory_space<hbm>>
    tpu.wait_dma2 semaphore(%arg16 : memref<!tpu.dma_semaphore, #tpu.memory_space<semaphore_mem>>) src(%dma_wait3A_49 : memref<128x128xf32, #tpu.memory_space<hbm>>) dst(%arg12 : memref<128x128xf32, #tpu.memory_space<vmem>>)
    %dma_wait3A_50 = tpu.memref_slice %arg4[%add3A] : memref<320000xi32, #tpu.memory_space<hbm>> -> memref<128xi32, #tpu.memory_space<hbm>>
    %dma_wait3A_51 = tpu.memref_slice %arg4[%add3A] : memref<320000xi32, #tpu.memory_space<hbm>> -> memref<128xi32, #tpu.memory_space<hbm>>
    tpu.wait_dma2 semaphore(%arg18 : memref<!tpu.dma_semaphore, #tpu.memory_space<semaphore_mem>>) src(%dma_wait3A_51 : memref<128xi32, #tpu.memory_space<hbm>>) dst(%arg9 : memref<128xi32, #tpu.memory_space<vmem>>)
    "tpu.region"() ({
      %run_scoped3A = tpu.sem_alloc : memref<!tpu.dma_semaphore, #tpu.memory_space<semaphore_mem>>
      %dma_start3A_65 = arith.constant 0 : i32
      %dma_start3A_66 = arith.constant 0 : i32
      %dma_start3A_67 = tpu.memref_slice %arg14[%dma_start3A_65, %dma_start3A_66] : memref<10240x128xf32, #tpu.memory_space<vmem_shared>> -> memref<10240x128xf32, #tpu.memory_space<vmem_shared>>
      tpu.enqueue_indirect_dma source(%arg12 : memref<128x128xf32, #tpu.memory_space<vmem>>) target(%dma_start3A_67 : memref<10240x128xf32, #tpu.memory_space<vmem_shared>>) offsets(%arg9 : memref<128xi32, #tpu.memory_space<vmem>>) semaphore(%run_scoped3A : memref<!tpu.dma_semaphore, #tpu.memory_space<semaphore_mem>>) {add = true}
      %dma_wait3A_68 = arith.constant 0 : i32
      %dma_wait3A_69 = arith.constant 0 : i32
      %dma_wait3A_70 = tpu.memref_slice %arg14[%dma_wait3A_68, %dma_wait3A_69] : memref<10240x128xf32, #tpu.memory_space<vmem_shared>> -> memref<10240x128xf32, #tpu.memory_space<vmem_shared>>
      tpu.wait_indirect_dma semaphore(%run_scoped3A : memref<!tpu.dma_semaphore, #tpu.memory_space<semaphore_mem>>) src(%arg12 : memref<128x128xf32, #tpu.memory_space<vmem>>) dst(%dma_wait3A_70 : memref<10240x128xf32, #tpu.memory_space<vmem_shared>>)
      tpu.yield
    }) : () -> ()
    %dma_wait3A_52 = tpu.memref_slice %arg4[%add3A] : memref<320000xi32, #tpu.memory_space<hbm>> -> memref<16xi32, #tpu.memory_space<hbm>>
    %dma_wait3A_53 = tpu.memref_slice %arg4[%add3A] : memref<320000xi32, #tpu.memory_space<hbm>> -> memref<16xi32, #tpu.memory_space<hbm>>
    tpu.wait_dma2 semaphore(%arg19 : memref<!tpu.dma_semaphore, #tpu.memory_space<semaphore_mem>>) src(%dma_wait3A_53 : memref<16xi32, #tpu.memory_space<hbm>>) dst(%arg10 : memref<16xi32, #tpu.memory_space<vmem>>)
    %dma_wait3A_54 = arith.constant 0 : i32
    %dma_wait3A_55 = arith.constant 0 : i32
    %dma_wait3A_56 = tpu.memref_slice %arg2[%dma_wait3A_54, %dma_wait3A_55] : memref<10000x128xf32, #tpu.memory_space<hbm>> -> memref<16x128xf32, #tpu.memory_space<hbm>>
    %dma_wait3A_57 = arith.constant 0 : i32
    %dma_wait3A_58 = arith.constant 0 : i32
    %dma_wait3A_59 = tpu.memref_slice %arg2[%dma_wait3A_57, %dma_wait3A_58] : memref<10000x128xf32, #tpu.memory_space<hbm>> -> memref<16x128xf32, #tpu.memory_space<hbm>>
    tpu.wait_dma2 semaphore(%arg19 : memref<!tpu.dma_semaphore, #tpu.memory_space<semaphore_mem>>) src(%dma_wait3A_59 : memref<16x128xf32, #tpu.memory_space<hbm>>) dst(%arg13 : memref<16x128xf32, #tpu.memory_space<vmem>>)
    "tpu.region"() ({
      %run_scoped3A = tpu.sem_alloc : memref<!tpu.dma_semaphore, #tpu.memory_space<semaphore_mem>>
      %dma_start3A_65 = arith.constant 0 : i32
      %dma_start3A_66 = arith.constant 0 : i32
      %dma_start3A_67 = tpu.memref_slice %arg14[%dma_start3A_65, %dma_start3A_66] : memref<10240x128xf32, #tpu.memory_space<vmem_shared>> -> memref<10240x128xf32, #tpu.memory_space<vmem_shared>>
      tpu.enqueue_indirect_dma source(%arg13 : memref<16x128xf32, #tpu.memory_space<vmem>>) target(%dma_start3A_67 : memref<10240x128xf32, #tpu.memory_space<vmem_shared>>) offsets(%arg10 : memref<16xi32, #tpu.memory_space<vmem>>) semaphore(%run_scoped3A : memref<!tpu.dma_semaphore, #tpu.memory_space<semaphore_mem>>) {add = true}
      %dma_wait3A_68 = arith.constant 0 : i32
      %dma_wait3A_69 = arith.constant 0 : i32
      %dma_wait3A_70 = tpu.memref_slice %arg14[%dma_wait3A_68, %dma_wait3A_69] : memref<10240x128xf32, #tpu.memory_space<vmem_shared>> -> memref<10240x128xf32, #tpu.memory_space<vmem_shared>>
      tpu.wait_indirect_dma semaphore(%run_scoped3A : memref<!tpu.dma_semaphore, #tpu.memory_space<semaphore_mem>>) src(%arg13 : memref<16x128xf32, #tpu.memory_space<vmem>>) dst(%dma_wait3A_70 : memref<10240x128xf32, #tpu.memory_space<vmem_shared>>)
      tpu.yield
    }) : () -> ()
    %barrier3A_60 = arith.constant 0 : index
    tpu.barrier barrier_id(%barrier3A_60)
    %mul3A_61 = arith.constant 640 : i32
    %mul3A_62 = arith.muli %arg1, %mul3A_61 : i32
    %mul3A_63 = arith.constant 640 : i32
    %mul3A_64 = arith.muli %arg1, %mul3A_63 : i32
    "tpu.region"() ({
      %run_scoped3A = tpu.sem_alloc : memref<!tpu.dma_semaphore, #tpu.memory_space<semaphore_mem>>
      %dma_start3A_65 = arith.constant 0 : i32
      %dma_start3A_66 = tpu.memref_slice %arg6[%arg0, %mul3A_64, %dma_start3A_65] : memref<2x10240x128xf32, #tpu.memory_space<hbm>> -> memref<1x640x128xf32, #tpu.memory_space<hbm>>
      %dma_start3A_67 = tpu.memref_squeeze %dma_start3A_66 : memref<1x640x128xf32, #tpu.memory_space<hbm>> -> memref<640x128xf32, #tpu.memory_space<hbm>>
      %dma_start3A_68 = arith.constant 0 : i32
      %dma_start3A_69 = tpu.memref_slice %arg14[%mul3A_62, %dma_start3A_68] : memref<10240x128xf32, #tpu.memory_space<vmem_shared>> -> memref<640x128xf32, #tpu.memory_space<vmem_shared>>
      tpu.enqueue_dma source(%dma_start3A_69 : memref<640x128xf32, #tpu.memory_space<vmem_shared>>) target(%dma_start3A_67 : memref<640x128xf32, #tpu.memory_space<hbm>>) target_semaphore(%run_scoped3A : memref<!tpu.dma_semaphore, #tpu.memory_space<semaphore_mem>>)
      %dma_wait3A_70 = arith.constant 0 : i32
      %dma_wait3A_71 = tpu.memref_slice %arg6[%arg0, %mul3A_64, %dma_wait3A_70] : memref<2x10240x128xf32, #tpu.memory_space<hbm>> -> memref<1x640x128xf32, #tpu.memory_space<hbm>>
      %dma_wait3A_72 = tpu.memref_squeeze %dma_wait3A_71 : memref<1x640x128xf32, #tpu.memory_space<hbm>> -> memref<640x128xf32, #tpu.memory_space<hbm>>
      %dma_wait3A_73 = arith.constant 0 : i32
      %dma_wait3A_74 = tpu.memref_slice %arg14[%mul3A_62, %dma_wait3A_73] : memref<10240x128xf32, #tpu.memory_space<vmem_shared>> -> memref<640x128xf32, #tpu.memory_space<vmem_shared>>
      tpu.wait_dma2 semaphore(%run_scoped3A : memref<!tpu.dma_semaphore, #tpu.memory_space<semaphore_mem>>) src(%dma_wait3A_74 : memref<640x128xf32, #tpu.memory_space<vmem_shared>>) dst(%dma_wait3A_72 : memref<640x128xf32, #tpu.memory_space<hbm>>)
      tpu.yield
    }) : () -> ()
    return
  }
}

module attributes {stable_mosaic.version = 14 : i64} {
  func.func @_prologue_body(%arg0: i32, %arg1: memref<2000x128xf32, #tpu.memory_space<vmem>>, %arg2: memref<128x128xf32, #tpu.memory_space<vmem>>, %arg3: memref<1x128xf32, #tpu.memory_space<vmem>>, %arg4: memref<2x2000x1xf32, #tpu.memory_space<vmem>>, %arg5: memref<2000x128xf32, #tpu.memory_space<vmem>>, %arg6: memref<2000x128xf32, #tpu.memory_space<vmem>>) attributes {dimension_semantics = [#tpu.dimension_semantics<arbitrary>], iteration_bounds = array<i64: 5>, scalar_prefetch = 0 : i64, scratch_operands = 0 : i64, tpu.core_type = #tpu.core_type<tc>, window_params = [{transform_indices = @transform_0, window_bounds = array<i64: 2000, 128>}, {pipeline_mode = #tpu.pipeline_mode<synchronous>, transform_indices = @transform_1, window_bounds = array<i64: 128, 128>}, {pipeline_mode = #tpu.pipeline_mode<synchronous>, transform_indices = @transform_2, window_bounds = array<i64: 1, 128>}, {transform_indices = @transform_3, window_bounds = array<i64: 2, 2000, 1>}, {transform_indices = @transform_4, window_bounds = array<i64: 2000, 128>}, {transform_indices = @transform_5, window_bounds = array<i64: 2000, 128>}]} {
    %get3A = arith.constant 0 : index
    %get3A_0 = arith.constant 0 : index
    %get3A_1 = vector.load %arg1[%get3A, %get3A_0] : memref<2000x128xf32, #tpu.memory_space<vmem>>, vector<2000x128xf32>
    %get3A_2 = arith.constant 0 : index
    %get3A_3 = arith.constant 0 : index
    %get3A_4 = vector.load %arg2[%get3A_2, %get3A_3] : memref<128x128xf32, #tpu.memory_space<vmem>>, vector<128x128xf32>
    %dot_general3A = arith.constant dense<0.000000e+00> : vector<2000x128xf32>
    %dot_general3A_5 = tpu.matmul %get3A_1, %get3A_4, %dot_general3A {dimension_numbers = #tpu.dot_dimension_numbers<[1], [0], [0], [1], [0, 0, 1, 1], [], []>, transpose_lhs_hint = false} : vector<2000x128xf32>, vector<128x128xf32>, vector<2000x128xf32> -> vector<2000x128xf32>
    %get3A_6 = arith.constant 0 : index
    %get3A_7 = arith.constant 0 : index
    %get3A_8 = vector.load %arg3[%get3A_6, %get3A_7] : memref<1x128xf32, #tpu.memory_space<vmem>>, vector<1x128xf32>
    %add3A = vector.broadcast %get3A_8 : vector<1x128xf32> to vector<2000x128xf32>
    %add3A_9 = arith.addf %dot_general3A_5, %add3A : vector<2000x128xf32>
    %swap3A = arith.constant 0 : index
    %swap3A_10 = arith.constant 0 : index
    %swap3A_11 = vector.load %arg5[%swap3A, %swap3A_10] : memref<2000x128xf32, #tpu.memory_space<vmem>>, vector<2000x128xf32>
    tpu.vector_store %arg5[%swap3A, %swap3A_10], %add3A_9 {strides = array<i32>} : memref<2000x128xf32, #tpu.memory_space<vmem>>, vector<2000x128xf32>,
    %get3A_12 = arith.constant 0 : index
    %get3A_13 = arith.constant 0 : index
    %get3A_14 = arith.constant 0 : index
    %get3A_15 = vector.load %arg4[%get3A_12, %get3A_13, %get3A_14] : memref<2x2000x1xf32, #tpu.memory_space<vmem>>, vector<1x2000x1xf32>
    %get3A_16 = vector.shape_cast %get3A_15 : vector<1x2000x1xf32> to vector<2000xf32>
    %get3A_17 = arith.constant 1 : index
    %get3A_18 = arith.constant 0 : index
    %get3A_19 = arith.constant 0 : index
    %get3A_20 = vector.load %arg4[%get3A_17, %get3A_18, %get3A_19] : memref<2x2000x1xf32, #tpu.memory_space<vmem>>, vector<1x2000x1xf32>
    %get3A_21 = vector.shape_cast %get3A_20 : vector<1x2000x1xf32> to vector<2000xf32>
    %add3A_22 = arith.addf %get3A_16, %get3A_21 : vector<2000xf32>
    %gt3A = arith.constant 0.000000e+00 : f32
    %gt3A_23 = vector.broadcast %gt3A : f32 to vector<2000xf32>
    %gt3A_24 = arith.cmpf ogt, %add3A_22, %gt3A_23 : vector<2000xf32>
    %max3A = arith.constant 1.000000e+00 : f32
    %max3A_25 = vector.broadcast %max3A : f32 to vector<2000xf32>
    %max3A_26 = arith.maximumf %add3A_22, %max3A_25 : vector<2000xf32>
    %rsqrt3A = math.rsqrt %max3A_26 : vector<2000xf32>
    %jit3A = arith.constant 0.000000e+00 : f32
    %broadcast_in_dim3A = vector.broadcast %jit3A : f32 to vector<2000xf32>
    %select_n3A = arith.select %gt3A_24, %rsqrt3A, %broadcast_in_dim3A : vector<2000xi1>, vector<2000xf32>
    %broadcast_in_dim3A_27 = vector.shape_cast %select_n3A : vector<2000xf32> to vector<2000x1xf32>
    %mul3A = vector.broadcast %broadcast_in_dim3A_27 : vector<2000x1xf32> to vector<2000x128xf32>
    %mul3A_28 = arith.mulf %add3A_9, %mul3A : vector<2000x128xf32>
    %swap3A_29 = arith.constant 0 : index
    %swap3A_30 = arith.constant 0 : index
    %swap3A_31 = vector.load %arg6[%swap3A_29, %swap3A_30] : memref<2000x128xf32, #tpu.memory_space<vmem>>, vector<2000x128xf32>
    tpu.vector_store %arg6[%swap3A_29, %swap3A_30], %mul3A_28 {strides = array<i32>} : memref<2000x128xf32, #tpu.memory_space<vmem>>, vector<2000x128xf32>,
    return
  }
  func.func @transform_0(%arg0: i32) -> (i32, i32) {
    %c0_i32 = arith.constant 0 : i32
    %c0_i32_0 = arith.constant 0 : i32
    return %arg0, %c0_i32 : i32, i32
  }
  func.func @transform_1(%arg0: i32) -> (i32, i32) {
    %c0_i32 = arith.constant 0 : i32
    %c0_i32_0 = arith.constant 0 : i32
    %c0_i32_1 = arith.constant 0 : i32
    return %c0_i32, %c0_i32_0 : i32, i32
  }
  func.func @transform_2(%arg0: i32) -> (i32, i32) {
    %c0_i32 = arith.constant 0 : i32
    %c0_i32_0 = arith.constant 0 : i32
    %c0_i32_1 = arith.constant 0 : i32
    return %c0_i32, %c0_i32_0 : i32, i32
  }
  func.func @transform_3(%arg0: i32) -> (i32, i32, i32) {
    %c0_i32 = arith.constant 0 : i32
    %c0_i32_0 = arith.constant 0 : i32
    %c0_i32_1 = arith.constant 0 : i32
    return %c0_i32, %arg0, %c0_i32_0 : i32, i32, i32
  }
  func.func @transform_4(%arg0: i32) -> (i32, i32) {
    %c0_i32 = arith.constant 0 : i32
    %c0_i32_0 = arith.constant 0 : i32
    return %arg0, %c0_i32 : i32, i32
  }
  func.func @transform_5(%arg0: i32) -> (i32, i32) {
    %c0_i32 = arith.constant 0 : i32
    %c0_i32_0 = arith.constant 0 : i32
    return %arg0, %c0_i32 : i32, i32
  }
}

module attributes {stable_mosaic.version = 14 : i64} {
  func.func @_layer_body(%arg0: i32, %arg1: memref<2x2000x128xf32, #tpu.memory_space<vmem>>, %arg2: memref<2000x128xf32, #tpu.memory_space<vmem>>, %arg3: memref<128x128xf32, #tpu.memory_space<vmem>>, %arg4: memref<1x128xf32, #tpu.memory_space<vmem>>, %arg5: memref<1x128xf32, #tpu.memory_space<vmem>>, %arg6: memref<1x128xf32, #tpu.memory_space<vmem>>, %arg7: memref<2x2000x1xf32, #tpu.memory_space<vmem>>, %arg8: memref<2x2000x1xf32, #tpu.memory_space<vmem>>, %arg9: memref<2000x128xf32, #tpu.memory_space<vmem>>, %arg10: memref<2000x128xf32, #tpu.memory_space<vmem>>) attributes {dimension_semantics = [#tpu.dimension_semantics<arbitrary>], iteration_bounds = array<i64: 5>, scalar_prefetch = 0 : i64, scratch_operands = 0 : i64, tpu.core_type = #tpu.core_type<tc>, window_params = [{transform_indices = @transform_0, window_bounds = array<i64: 2, 2000, 128>}, {transform_indices = @transform_1, window_bounds = array<i64: 2000, 128>}, {pipeline_mode = #tpu.pipeline_mode<synchronous>, transform_indices = @transform_2, window_bounds = array<i64: 128, 128>}, {pipeline_mode = #tpu.pipeline_mode<synchronous>, transform_indices = @transform_3, window_bounds = array<i64: 1, 128>}, {pipeline_mode = #tpu.pipeline_mode<synchronous>, transform_indices = @transform_4, window_bounds = array<i64: 1, 128>}, {pipeline_mode = #tpu.pipeline_mode<synchronous>, transform_indices = @transform_5, window_bounds = array<i64: 1, 128>}, {transform_indices = @transform_6, window_bounds = array<i64: 2, 2000, 1>}, {transform_indices = @transform_7, window_bounds = array<i64: 2, 2000, 1>}, {transform_indices = @transform_8, window_bounds = array<i64: 2000, 128>}, {transform_indices = @transform_9, window_bounds = array<i64: 2000, 128>}]} {
    %get3A = arith.constant 0 : index
    %get3A_0 = arith.constant 0 : index
    %get3A_1 = arith.constant 0 : index
    %get3A_2 = vector.load %arg8[%get3A, %get3A_0, %get3A_1] : memref<2x2000x1xf32, #tpu.memory_space<vmem>>, vector<1x2000x1xf32>
    %get3A_3 = vector.shape_cast %get3A_2 : vector<1x2000x1xf32> to vector<2000xf32>
    %get3A_4 = arith.constant 1 : index
    %get3A_5 = arith.constant 0 : index
    %get3A_6 = arith.constant 0 : index
    %get3A_7 = vector.load %arg8[%get3A_4, %get3A_5, %get3A_6] : memref<2x2000x1xf32, #tpu.memory_space<vmem>>, vector<1x2000x1xf32>
    %get3A_8 = vector.shape_cast %get3A_7 : vector<1x2000x1xf32> to vector<2000xf32>
    %add3A = arith.addf %get3A_3, %get3A_8 : vector<2000xf32>
    %gt3A = arith.constant 0.000000e+00 : f32
    %gt3A_9 = vector.broadcast %gt3A : f32 to vector<2000xf32>
    %gt3A_10 = arith.cmpf ogt, %add3A, %gt3A_9 : vector<2000xf32>
    %max3A = arith.constant 1.000000e+00 : f32
    %max3A_11 = vector.broadcast %max3A : f32 to vector<2000xf32>
    %max3A_12 = arith.maximumf %add3A, %max3A_11 : vector<2000xf32>
    %rsqrt3A = math.rsqrt %max3A_12 : vector<2000xf32>
    %jit3A = arith.constant 0.000000e+00 : f32
    %broadcast_in_dim3A = vector.broadcast %jit3A : f32 to vector<2000xf32>
    %select_n3A = arith.select %gt3A_10, %rsqrt3A, %broadcast_in_dim3A : vector<2000xi1>, vector<2000xf32>
    %get3A_13 = arith.constant 0 : index
    %get3A_14 = arith.constant 0 : index
    %get3A_15 = arith.constant 0 : index
    %get3A_16 = vector.load %arg1[%get3A_13, %get3A_14, %get3A_15] : memref<2x2000x128xf32, #tpu.memory_space<vmem>>, vector<1x2000x128xf32>
    %get3A_17 = vector.shape_cast %get3A_16 : vector<1x2000x128xf32> to vector<2000x128xf32>
    %get3A_18 = arith.constant 1 : index
    %get3A_19 = arith.constant 0 : index
    %get3A_20 = arith.constant 0 : index
    %get3A_21 = vector.load %arg1[%get3A_18, %get3A_19, %get3A_20] : memref<2x2000x128xf32, #tpu.memory_space<vmem>>, vector<1x2000x128xf32>
    %get3A_22 = vector.shape_cast %get3A_21 : vector<1x2000x128xf32> to vector<2000x128xf32>
    %add3A_23 = arith.addf %get3A_17, %get3A_22 : vector<2000x128xf32>
    %broadcast_in_dim3A_24 = vector.shape_cast %select_n3A : vector<2000xf32> to vector<2000x1xf32>
    %mul3A = vector.broadcast %broadcast_in_dim3A_24 : vector<2000x1xf32> to vector<2000x128xf32>
    %mul3A_25 = arith.mulf %add3A_23, %mul3A : vector<2000x128xf32>
    %get3A_26 = arith.constant 0 : index
    %get3A_27 = arith.constant 0 : index
    %get3A_28 = vector.load %arg3[%get3A_26, %get3A_27] : memref<128x128xf32, #tpu.memory_space<vmem>>, vector<128x128xf32>
    %dot_general3A = arith.constant dense<0.000000e+00> : vector<2000x128xf32>
    %dot_general3A_29 = tpu.matmul %mul3A_25, %get3A_28, %dot_general3A {dimension_numbers = #tpu.dot_dimension_numbers<[1], [0], [0], [1], [0, 0, 1, 1], [], []>, transpose_lhs_hint = false} : vector<2000x128xf32>, vector<128x128xf32>, vector<2000x128xf32> -> vector<2000x128xf32>
    %get3A_30 = arith.constant 0 : index
    %get3A_31 = arith.constant 0 : index
    %get3A_32 = vector.load %arg4[%get3A_30, %get3A_31] : memref<1x128xf32, #tpu.memory_space<vmem>>, vector<1x128xf32>
    %add3A_33 = vector.broadcast %get3A_32 : vector<1x128xf32> to vector<2000x128xf32>
    %add3A_34 = arith.addf %dot_general3A_29, %add3A_33 : vector<2000x128xf32>
    %get3A_35 = arith.constant 0 : index
    %get3A_36 = arith.constant 0 : index
    %get3A_37 = vector.load %arg5[%get3A_35, %get3A_36] : memref<1x128xf32, #tpu.memory_space<vmem>>, vector<1x128xf32>
    %mul3A_38 = vector.broadcast %get3A_37 : vector<1x128xf32> to vector<2000x128xf32>
    %mul3A_39 = arith.mulf %mul3A_38, %add3A_34 : vector<2000x128xf32>
    %get3A_40 = arith.constant 0 : index
    %get3A_41 = arith.constant 0 : index
    %get3A_42 = vector.load %arg6[%get3A_40, %get3A_41] : memref<1x128xf32, #tpu.memory_space<vmem>>, vector<1x128xf32>
    %add3A_43 = vector.broadcast %get3A_42 : vector<1x128xf32> to vector<2000x128xf32>
    %add3A_44 = arith.addf %mul3A_39, %add3A_43 : vector<2000x128xf32>
    %max3A_45 = arith.constant 0.000000e+00 : f32
    %max3A_46 = vector.broadcast %max3A_45 : f32 to vector<2000x128xf32>
    %max3A_47 = arith.maximumf %add3A_44, %max3A_46 : vector<2000x128xf32>
    %get3A_48 = arith.constant 0 : index
    %get3A_49 = arith.constant 0 : index
    %get3A_50 = vector.load %arg2[%get3A_48, %get3A_49] : memref<2000x128xf32, #tpu.memory_space<vmem>>, vector<2000x128xf32>
    %add3A_51 = arith.addf %get3A_50, %max3A_47 : vector<2000x128xf32>
    %swap3A = arith.constant 0 : index
    %swap3A_52 = arith.constant 0 : index
    %swap3A_53 = vector.load %arg9[%swap3A, %swap3A_52] : memref<2000x128xf32, #tpu.memory_space<vmem>>, vector<2000x128xf32>
    tpu.vector_store %arg9[%swap3A, %swap3A_52], %add3A_51 {strides = array<i32>} : memref<2000x128xf32, #tpu.memory_space<vmem>>, vector<2000x128xf32>,
    %get3A_54 = arith.constant 0 : index
    %get3A_55 = arith.constant 0 : index
    %get3A_56 = arith.constant 0 : index
    %get3A_57 = vector.load %arg7[%get3A_54, %get3A_55, %get3A_56] : memref<2x2000x1xf32, #tpu.memory_space<vmem>>, vector<1x2000x1xf32>
    %get3A_58 = vector.shape_cast %get3A_57 : vector<1x2000x1xf32> to vector<2000xf32>
    %get3A_59 = arith.constant 1 : index
    %get3A_60 = arith.constant 0 : index
    %get3A_61 = arith.constant 0 : index
    %get3A_62 = vector.load %arg7[%get3A_59, %get3A_60, %get3A_61] : memref<2x2000x1xf32, #tpu.memory_space<vmem>>, vector<1x2000x1xf32>
    %get3A_63 = vector.shape_cast %get3A_62 : vector<1x2000x1xf32> to vector<2000xf32>
    %add3A_64 = arith.addf %get3A_58, %get3A_63 : vector<2000xf32>
    %gt3A_65 = arith.constant 0.000000e+00 : f32
    %gt3A_66 = vector.broadcast %gt3A_65 : f32 to vector<2000xf32>
    %gt3A_67 = arith.cmpf ogt, %add3A_64, %gt3A_66 : vector<2000xf32>
    %max3A_68 = arith.constant 1.000000e+00 : f32
    %max3A_69 = vector.broadcast %max3A_68 : f32 to vector<2000xf32>
    %max3A_70 = arith.maximumf %add3A_64, %max3A_69 : vector<2000xf32>
    %rsqrt3A_71 = math.rsqrt %max3A_70 : vector<2000xf32>
    %jit3A_72 = arith.constant 0.000000e+00 : f32
    %broadcast_in_dim3A_73 = vector.broadcast %jit3A_72 : f32 to vector<2000xf32>
    %select_n3A_74 = arith.select %gt3A_67, %rsqrt3A_71, %broadcast_in_dim3A_73 : vector<2000xi1>, vector<2000xf32>
    %broadcast_in_dim3A_75 = vector.shape_cast %select_n3A_74 : vector<2000xf32> to vector<2000x1xf32>
    %mul3A_76 = vector.broadcast %broadcast_in_dim3A_75 : vector<2000x1xf32> to vector<2000x128xf32>
    %mul3A_77 = arith.mulf %add3A_51, %mul3A_76 : vector<2000x128xf32>
    %swap3A_78 = arith.constant 0 : index
    %swap3A_79 = arith.constant 0 : index
    %swap3A_80 = vector.load %arg10[%swap3A_78, %swap3A_79] : memref<2000x128xf32, #tpu.memory_space<vmem>>, vector<2000x128xf32>
    tpu.vector_store %arg10[%swap3A_78, %swap3A_79], %mul3A_77 {strides = array<i32>} : memref<2000x128xf32, #tpu.memory_space<vmem>>, vector<2000x128xf32>,
    return
  }
  func.func @transform_0(%arg0: i32) -> (i32, i32, i32) {
    %c0_i32 = arith.constant 0 : i32
    %c0_i32_0 = arith.constant 0 : i32
    %c0_i32_1 = arith.constant 0 : i32
    return %c0_i32, %arg0, %c0_i32_0 : i32, i32, i32
  }
  func.func @transform_1(%arg0: i32) -> (i32, i32) {
    %c0_i32 = arith.constant 0 : i32
    %c0_i32_0 = arith.constant 0 : i32
    return %arg0, %c0_i32 : i32, i32
  }
  func.func @transform_2(%arg0: i32) -> (i32, i32) {
    %c0_i32 = arith.constant 0 : i32
    %c0_i32_0 = arith.constant 0 : i32
    %c0_i32_1 = arith.constant 0 : i32
    return %c0_i32, %c0_i32_0 : i32, i32
  }
  func.func @transform_3(%arg0: i32) -> (i32, i32) {
    %c0_i32 = arith.constant 0 : i32
    %c0_i32_0 = arith.constant 0 : i32
    %c0_i32_1 = arith.constant 0 : i32
    return %c0_i32, %c0_i32_0 : i32, i32
  }
  func.func @transform_4(%arg0: i32) -> (i32, i32) {
    %c0_i32 = arith.constant 0 : i32
    %c0_i32_0 = arith.constant 0 : i32
    %c0_i32_1 = arith.constant 0 : i32
    return %c0_i32, %c0_i32_0 : i32, i32
  }
  func.func @transform_5(%arg0: i32) -> (i32, i32) {
    %c0_i32 = arith.constant 0 : i32
    %c0_i32_0 = arith.constant 0 : i32
    %c0_i32_1 = arith.constant 0 : i32
    return %c0_i32, %c0_i32_0 : i32, i32
  }
  func.func @transform_6(%arg0: i32) -> (i32, i32, i32) {
    %c0_i32 = arith.constant 0 : i32
    %c0_i32_0 = arith.constant 0 : i32
    %c0_i32_1 = arith.constant 0 : i32
    return %c0_i32, %arg0, %c0_i32_0 : i32, i32, i32
  }
  func.func @transform_7(%arg0: i32) -> (i32, i32, i32) {
    %c0_i32 = arith.constant 0 : i32
    %c0_i32_0 = arith.constant 0 : i32
    %c0_i32_1 = arith.constant 0 : i32
    return %c0_i32, %arg0, %c0_i32_0 : i32, i32, i32
  }
  func.func @transform_8(%arg0: i32) -> (i32, i32) {
    %c0_i32 = arith.constant 0 : i32
    %c0_i32_0 = arith.constant 0 : i32
    return %arg0, %c0_i32 : i32, i32
  }
  func.func @transform_9(%arg0: i32) -> (i32, i32) {
    %c0_i32 = arith.constant 0 : i32
    %c0_i32_0 = arith.constant 0 : i32
    return %arg0, %c0_i32 : i32, i32
  }
}

module attributes {stable_mosaic.version = 14 : i64} {
  func.func @_layer_body(%arg0: i32, %arg1: memref<2x2000x128xf32, #tpu.memory_space<vmem>>, %arg2: memref<2000x128xf32, #tpu.memory_space<vmem>>, %arg3: memref<128x128xf32, #tpu.memory_space<vmem>>, %arg4: memref<1x128xf32, #tpu.memory_space<vmem>>, %arg5: memref<1x128xf32, #tpu.memory_space<vmem>>, %arg6: memref<1x128xf32, #tpu.memory_space<vmem>>, %arg7: memref<2x2000x1xf32, #tpu.memory_space<vmem>>, %arg8: memref<2x2000x1xf32, #tpu.memory_space<vmem>>, %arg9: memref<1x128xf32, #tpu.memory_space<vmem>>) attributes {dimension_semantics = [#tpu.dimension_semantics<arbitrary>], iteration_bounds = array<i64: 5>, scalar_prefetch = 0 : i64, scratch_operands = 0 : i64, tpu.core_type = #tpu.core_type<tc>, window_params = [{transform_indices = @transform_0, window_bounds = array<i64: 2, 2000, 128>}, {transform_indices = @transform_1, window_bounds = array<i64: 2000, 128>}, {pipeline_mode = #tpu.pipeline_mode<synchronous>, transform_indices = @transform_2, window_bounds = array<i64: 128, 128>}, {pipeline_mode = #tpu.pipeline_mode<synchronous>, transform_indices = @transform_3, window_bounds = array<i64: 1, 128>}, {pipeline_mode = #tpu.pipeline_mode<synchronous>, transform_indices = @transform_4, window_bounds = array<i64: 1, 128>}, {pipeline_mode = #tpu.pipeline_mode<synchronous>, transform_indices = @transform_5, window_bounds = array<i64: 1, 128>}, {transform_indices = @transform_6, window_bounds = array<i64: 2, 2000, 1>}, {transform_indices = @transform_7, window_bounds = array<i64: 2, 2000, 1>}, {pipeline_mode = #tpu.pipeline_mode<synchronous>, transform_indices = @transform_8, window_bounds = array<i64: 1, 128>}]} {
    %get3A = arith.constant 0 : index
    %get3A_0 = arith.constant 0 : index
    %get3A_1 = arith.constant 0 : index
    %get3A_2 = vector.load %arg8[%get3A, %get3A_0, %get3A_1] : memref<2x2000x1xf32, #tpu.memory_space<vmem>>, vector<1x2000x1xf32>
    %get3A_3 = vector.shape_cast %get3A_2 : vector<1x2000x1xf32> to vector<2000xf32>
    %get3A_4 = arith.constant 1 : index
    %get3A_5 = arith.constant 0 : index
    %get3A_6 = arith.constant 0 : index
    %get3A_7 = vector.load %arg8[%get3A_4, %get3A_5, %get3A_6] : memref<2x2000x1xf32, #tpu.memory_space<vmem>>, vector<1x2000x1xf32>
    %get3A_8 = vector.shape_cast %get3A_7 : vector<1x2000x1xf32> to vector<2000xf32>
    %add3A = arith.addf %get3A_3, %get3A_8 : vector<2000xf32>
    %gt3A = arith.constant 0.000000e+00 : f32
    %gt3A_9 = vector.broadcast %gt3A : f32 to vector<2000xf32>
    %gt3A_10 = arith.cmpf ogt, %add3A, %gt3A_9 : vector<2000xf32>
    %max3A = arith.constant 1.000000e+00 : f32
    %max3A_11 = vector.broadcast %max3A : f32 to vector<2000xf32>
    %max3A_12 = arith.maximumf %add3A, %max3A_11 : vector<2000xf32>
    %rsqrt3A = math.rsqrt %max3A_12 : vector<2000xf32>
    %jit3A = arith.constant 0.000000e+00 : f32
    %broadcast_in_dim3A = vector.broadcast %jit3A : f32 to vector<2000xf32>
    %select_n3A = arith.select %gt3A_10, %rsqrt3A, %broadcast_in_dim3A : vector<2000xi1>, vector<2000xf32>
    %get3A_13 = arith.constant 0 : index
    %get3A_14 = arith.constant 0 : index
    %get3A_15 = arith.constant 0 : index
    %get3A_16 = vector.load %arg1[%get3A_13, %get3A_14, %get3A_15] : memref<2x2000x128xf32, #tpu.memory_space<vmem>>, vector<1x2000x128xf32>
    %get3A_17 = vector.shape_cast %get3A_16 : vector<1x2000x128xf32> to vector<2000x128xf32>
    %get3A_18 = arith.constant 1 : index
    %get3A_19 = arith.constant 0 : index
    %get3A_20 = arith.constant 0 : index
    %get3A_21 = vector.load %arg1[%get3A_18, %get3A_19, %get3A_20] : memref<2x2000x128xf32, #tpu.memory_space<vmem>>, vector<1x2000x128xf32>
    %get3A_22 = vector.shape_cast %get3A_21 : vector<1x2000x128xf32> to vector<2000x128xf32>
    %add3A_23 = arith.addf %get3A_17, %get3A_22 : vector<2000x128xf32>
    %broadcast_in_dim3A_24 = vector.shape_cast %select_n3A : vector<2000xf32> to vector<2000x1xf32>
    %mul3A = vector.broadcast %broadcast_in_dim3A_24 : vector<2000x1xf32> to vector<2000x128xf32>
    %mul3A_25 = arith.mulf %add3A_23, %mul3A : vector<2000x128xf32>
    %get3A_26 = arith.constant 0 : index
    %get3A_27 = arith.constant 0 : index
    %get3A_28 = vector.load %arg3[%get3A_26, %get3A_27] : memref<128x128xf32, #tpu.memory_space<vmem>>, vector<128x128xf32>
    %dot_general3A = arith.constant dense<0.000000e+00> : vector<2000x128xf32>
    %dot_general3A_29 = tpu.matmul %mul3A_25, %get3A_28, %dot_general3A {dimension_numbers = #tpu.dot_dimension_numbers<[1], [0], [0], [1], [0, 0, 1, 1], [], []>, transpose_lhs_hint = false} : vector<2000x128xf32>, vector<128x128xf32>, vector<2000x128xf32> -> vector<2000x128xf32>
    %get3A_30 = arith.constant 0 : index
    %get3A_31 = arith.constant 0 : index
    %get3A_32 = vector.load %arg4[%get3A_30, %get3A_31] : memref<1x128xf32, #tpu.memory_space<vmem>>, vector<1x128xf32>
    %add3A_33 = vector.broadcast %get3A_32 : vector<1x128xf32> to vector<2000x128xf32>
    %add3A_34 = arith.addf %dot_general3A_29, %add3A_33 : vector<2000x128xf32>
    %get3A_35 = arith.constant 0 : index
    %get3A_36 = arith.constant 0 : index
    %get3A_37 = vector.load %arg5[%get3A_35, %get3A_36] : memref<1x128xf32, #tpu.memory_space<vmem>>, vector<1x128xf32>
    %mul3A_38 = vector.broadcast %get3A_37 : vector<1x128xf32> to vector<2000x128xf32>
    %mul3A_39 = arith.mulf %mul3A_38, %add3A_34 : vector<2000x128xf32>
    %get3A_40 = arith.constant 0 : index
    %get3A_41 = arith.constant 0 : index
    %get3A_42 = vector.load %arg6[%get3A_40, %get3A_41] : memref<1x128xf32, #tpu.memory_space<vmem>>, vector<1x128xf32>
    %add3A_43 = vector.broadcast %get3A_42 : vector<1x128xf32> to vector<2000x128xf32>
    %add3A_44 = arith.addf %mul3A_39, %add3A_43 : vector<2000x128xf32>
    %max3A_45 = arith.constant 0.000000e+00 : f32
    %max3A_46 = vector.broadcast %max3A_45 : f32 to vector<2000x128xf32>
    %max3A_47 = arith.maximumf %add3A_44, %max3A_46 : vector<2000x128xf32>
    %get3A_48 = arith.constant 0 : index
    %get3A_49 = arith.constant 0 : index
    %get3A_50 = vector.load %arg2[%get3A_48, %get3A_49] : memref<2000x128xf32, #tpu.memory_space<vmem>>, vector<2000x128xf32>
    %add3A_51 = arith.addf %get3A_50, %max3A_47 : vector<2000x128xf32>
    %eq3A = arith.constant 0 : i32
    %eq3A_52 = arith.cmpi eq, %arg0, %eq3A : i32
    %convert_element_type3A = arith.extui %eq3A_52 : i1 to i32
    %cond3A = arith.constant 0 : i32
    %cond3A_53 = arith.cmpi ne, %convert_element_type3A, %cond3A : i32
    scf.if %cond3A_53 {
      %broadcast_in_dim3A_65 = arith.constant 0.000000e+00 : f32
      %broadcast_in_dim3A_66 = vector.broadcast %broadcast_in_dim3A_65 : f32 to vector<1x128xf32>
      %swap3A_67 = arith.constant 0 : index
      %swap3A_68 = arith.constant 0 : index
      %swap3A_69 = vector.load %arg9[%swap3A_67, %swap3A_68] : memref<1x128xf32, #tpu.memory_space<vmem>>, vector<1x128xf32>
      tpu.vector_store %arg9[%swap3A_67, %swap3A_68], %broadcast_in_dim3A_66 {strides = array<i32>} : memref<1x128xf32, #tpu.memory_space<vmem>>, vector<1x128xf32>,
    } else {
    }
    %get3A_54 = arith.constant 0 : index
    %get3A_55 = arith.constant 0 : index
    %get3A_56 = vector.load %arg9[%get3A_54, %get3A_55] : memref<1x128xf32, #tpu.memory_space<vmem>>, vector<1x128xf32>
    %reduce_sum3A = arith.constant dense<0.000000e+00> : vector<128xf32>
    %reduce_sum3A_57 = vector.multi_reduction <add>, %add3A_51, %reduce_sum3A [0] : vector<2000x128xf32> to vector<128xf32>
    %broadcast_in_dim3A_58 = vector.shape_cast %reduce_sum3A_57 : vector<128xf32> to vector<1x128xf32>
    %mul3A_59 = arith.constant 9.99999974E-5 : f32
    %mul3A_60 = vector.broadcast %mul3A_59 : f32 to vector<1x128xf32>
    %mul3A_61 = arith.mulf %broadcast_in_dim3A_58, %mul3A_60 : vector<1x128xf32>
    %add3A_62 = arith.addf %get3A_56, %mul3A_61 : vector<1x128xf32>
    %swap3A = arith.constant 0 : index
    %swap3A_63 = arith.constant 0 : index
    %swap3A_64 = vector.load %arg9[%swap3A, %swap3A_63] : memref<1x128xf32, #tpu.memory_space<vmem>>, vector<1x128xf32>
    tpu.vector_store %arg9[%swap3A, %swap3A_63], %add3A_62 {strides = array<i32>} : memref<1x128xf32, #tpu.memory_space<vmem>>, vector<1x128xf32>,
    return
  }
  func.func @transform_0(%arg0: i32) -> (i32, i32, i32) {
    %c0_i32 = arith.constant 0 : i32
    %c0_i32_0 = arith.constant 0 : i32
    %c0_i32_1 = arith.constant 0 : i32
    return %c0_i32, %arg0, %c0_i32_0 : i32, i32, i32
  }
  func.func @transform_1(%arg0: i32) -> (i32, i32) {
    %c0_i32 = arith.constant 0 : i32
    %c0_i32_0 = arith.constant 0 : i32
    return %arg0, %c0_i32 : i32, i32
  }
  func.func @transform_2(%arg0: i32) -> (i32, i32) {
    %c0_i32 = arith.constant 0 : i32
    %c0_i32_0 = arith.constant 0 : i32
    %c0_i32_1 = arith.constant 0 : i32
    return %c0_i32, %c0_i32_0 : i32, i32
  }
  func.func @transform_3(%arg0: i32) -> (i32, i32) {
    %c0_i32 = arith.constant 0 : i32
    %c0_i32_0 = arith.constant 0 : i32
    %c0_i32_1 = arith.constant 0 : i32
    return %c0_i32, %c0_i32_0 : i32, i32
  }
  func.func @transform_4(%arg0: i32) -> (i32, i32) {
    %c0_i32 = arith.constant 0 : i32
    %c0_i32_0 = arith.constant 0 : i32
    %c0_i32_1 = arith.constant 0 : i32
    return %c0_i32, %c0_i32_0 : i32, i32
  }
  func.func @transform_5(%arg0: i32) -> (i32, i32) {
    %c0_i32 = arith.constant 0 : i32
    %c0_i32_0 = arith.constant 0 : i32
    %c0_i32_1 = arith.constant 0 : i32
    return %c0_i32, %c0_i32_0 : i32, i32
  }
  func.func @transform_6(%arg0: i32) -> (i32, i32, i32) {
    %c0_i32 = arith.constant 0 : i32
    %c0_i32_0 = arith.constant 0 : i32
    %c0_i32_1 = arith.constant 0 : i32
    return %c0_i32, %arg0, %c0_i32_0 : i32, i32, i32
  }
  func.func @transform_7(%arg0: i32) -> (i32, i32, i32) {
    %c0_i32 = arith.constant 0 : i32
    %c0_i32_0 = arith.constant 0 : i32
    %c0_i32_1 = arith.constant 0 : i32
    return %c0_i32, %arg0, %c0_i32_0 : i32, i32, i32
  }
  func.func @transform_8(%arg0: i32) -> (i32, i32) {
    %c0_i32 = arith.constant 0 : i32
    %c0_i32_0 = arith.constant 0 : i32
    %c0_i32_1 = arith.constant 0 : i32
    return %c0_i32, %c0_i32_0 : i32, i32
  }
}

</mosaic_0001>

<sc_bundles>
// kernel: kernel.12.cloned.1.call-start
scs
__scs_entry_jumppad:
0x0: {  	(pc) =	sbr.rel $0x88, $3  }
0x1: {  	(tag) =	ssettag $0x0;
	lr =	simm.s32 $0x1  }
0x2: {  	[smem:$0x3F99] =	sst lr;
	_ =	strace $0xD0000000  }
0x3: {  	_ = 	snop  }
0x4: {  	_ = 	snop  }
0x5: {  	_ = 	snop  }
0x6: {  	_ = 	snop  }
0x7: {  	_ = 	snop  }
__scs_overlays_trampoline_lowered:
0x8: {  	[smem:$0x3FA8] =	sst s0  }
0x9: {  	[smem:$0x3FA9] =	sst s1  }
0xa: {  	[smem:$0x3FAA] =	sst s2  }
0xb: {  	[smem:$0x3FAB] =	sst s3  }
0xc: {  	[smem:$0x3FAC] =	sst s4  }
0xd: {  	[smem:$0x3FAD] =	sst s5  }
0xe: {  	[smem:$0x3FAE] =	sst s6  }
0xf: {  	[smem:$0x3FAF] =	sst s7  }
0x10: {  	[smem:$0x3FB0] =	sst s8  }
0x11: {  	[smem:$0x3FB1] =	sst s9;
	s0 =	simm.s32 @!p0 $0x0  }
0x12: {  	s1 =	sld [smem:$0x3F97];
	s0 =	simm.s32 @p0 $0x1  }
0x13: {  	[smem:$0x3FB2] =	sst s0;
	s0 =	simm.s32 @!p1 $0x0  }
0x14: {  	s2 =	sld [smem:$0x3F96];
	s0 =	simm.s32 @p1 $0x1  }
0x15: {  	[smem:$0x3FB3] =	sst s0;
	s0 =	simm.s32 @!p2 $0x0  }
0x16: {  	s3 =	sld [smem:$0x3FDB];
	s0 =	simm.s32 @p2 $0x1  }
0x17: {  	s4 =	simm.s32 $0x1BF5;
	[smem:$0x3FB5] =	sst s0  }
0x18: {  	s0 =	sld [smem:$0x3F98];
	_ =	swait.ge [sflag:s4], $0x0  }
0x19: {  	s7 =	sld [smem:$0x3F99]  }
0x1a: {  	s8 =	sadd.s32 $0xFFFFE003, lr  }
0x1b: {  	s9 =	sadd.s32 $0xFFFFFEF7, lr;
	s5 =	simm.s32 $0xFFFFFFFF;
	p2 =	slt.u32 s8, $0xFFFFF086  }
0x1c: {  	p1 =	slt.u32 s9, $0xF7A;
	s5 =	simm.s32 @!p2 $0x0  }
0x1d: {  	s5 =	simm.s32 @p1 $0x1;
	p0 =	seq.s32 s7, s2  }
0x1e: {  	s7 =	smul.u32 @!p0 $0xF7A, s2;
	p2 =	seq.s32 @!p0 s5, $0x0  }
0x1f: {  	s9 =	smul.u32 $0xF7A, s1;
	s8 =	simm.s32 @!p0 $0x1BF5;
	p2 =	por !p2, p0  }
0x20: {  	[sflag:s8] =	ssyncset.s32 @!p0 $0xFFFFF086;
	s6 =	sadd.s32 @!p0 s3, s7;
	s7 =	simm.s32 @!p0 $0x108  }
0x21: {  	s3 =	sadd.s32 s3, s9;
	s6 =	sadd.s32 @!p0 $0x88, s6;
	s7 =	simm.s32 @p2 $0x1082  }
0x22: {  	[simem:s7], [sflag:s8] =	dma.local @!p0 [hbm:s6], $0xF7A  }
0x23: {  	s9 =	sor.u32 $0xD0000000, s2;
	s6 =	simm.s32 $0x108;
	_ =	swait.ge @!p0 [sflag:s8], $0x0  }
0x24: {  	s3 =	sadd.s32 $0x88, s3;
	s6 =	simm.s32 @!p1 $0x1082;
	[sflag:s4] =	ssyncset.s32 $0xFFFFF086  }
0x25: {  	[simem:s6], [sflag:s4] =	dma.local [hbm:s3], $0xF7A  }
0x26: {  	[smem:$0x3F99] =	sst s1;
	(tag) =	ssettag s2;
	_ =	strace s9  }
0x27: {  	s1 =	sld [smem:$0x3FA9]  }
0x28: {  	s2 =	sld [smem:$0x3FAA]  }
0x29: {  	s4 =	sld [smem:$0x3FAC]  }
0x2a: {  	p0 =	seq.s32 s5, $0x0;
	s5 =	sld [smem:$0x3FAD]  }
0x2b: {  	s6 =	sld [smem:$0x3FAE]  }
0x2c: {  	s7 =	sld [smem:$0x3FAF]  }
0x2d: {  	s3 =	simm.s32 $0x108;
	s8 =	sld [smem:$0x3FB0]  }
0x2e: {  	s3 =	simm.s32 @!p0 $0x1082;
	s9 =	sld [smem:$0x3FB1]  }
0x2f: {  	lr =	sadd.s32 s0, s3;
	s0 =	sld [smem:$0x3FA8]  }
0x30: {  	s3 =	sld [smem:$0x3FAB]  }
0x31: {  	[smem:$0x3FB4] =	sst s10  }
0x32: {  	s10 =	sld [smem:$0x3FB2];
	_ =	sdelay $0x3  }
0x33: {  	p0 =	seq.s32 s10, $0x1;
	s10 =	sld [smem:$0x3FB4];
	_ =	sdelay $0x3  }
0x34: {  	[smem:$0x3FB4] =	sst s10  }
0x35: {  	s10 =	sld [smem:$0x3FB3];
	_ =	sdelay $0x3  }
0x36: {  	p1 =	seq.s32 s10, $0x1;
	s10 =	sld [smem:$0x3FB4];
	_ =	sdelay $0x3  }
0x37: {  	[smem:$0x3FB4] =	sst s10  }
0x38: {  	s10 =	sld [smem:$0x3FB5]  }
0x39: {  	_ = 	snop;
	(pc) =	sbr.ind lr, $3  }
0x3a: {  	_ = 	snop  }
0x3b: {  	_ = 	snop  }
0x3c: {  	p2 =	seq.s32 s10, $0x1;
	s10 =	sld [smem:$0x3FB4]  }
0x3d: {  	_ =	shalt  }
0x3e: {  	_ =	shalt  }
0x3f: {  	_ =	shalt  }
0x40: {  	_ =	shalt  }
0x41: {  	_ =	shalt  }
0x42: {  	_ =	shalt  }
0x43: {  	_ =	shalt  }
0x44: {  	_ =	shalt  }
0x45: {  	_ =	shalt  }
0x46: {  	_ =	shalt  }
0x47: {  	_ =	shalt  }
0x48: {  	_ =	shalt  }
0x49: {  	_ =	shalt  }
0x4a: {  	_ =	shalt  }
0x4b: {  	_ =	shalt  }
0x4c: {  	_ =	shalt  }
0x4d: {  	_ =	shalt  }
0x4e: {  	_ =	shalt  }
0x4f: {  	_ =	shalt  }
0x50: {  	_ =	shalt  }
0x51: {  	_ =	shalt  }
0x52: {  	_ =	shalt  }
0x53: {  	_ =	shalt  }
0x54: {  	_ =	shalt  }
0x55: {  	_ =	shalt  }
0x56: {  	_ =	shalt  }
0x57: {  	_ =	shalt  }
0x58: {  	_ =	shalt  }
0x59: {  	_ =	shalt  }
0x5a: {  	_ =	shalt  }
0x5b: {  	_ =	shalt  }
0x5c: {  	_ =	shalt  }
0x5d: {  	_ =	shalt  }
0x5e: {  	_ =	shalt  }
0x5f: {  	_ =	shalt  }
0x60: {  	_ =	shalt  }
0x61: {  	_ =	shalt  }
0x62: {  	_ =	shalt  }
0x63: {  	_ =	shalt  }
0x64: {  	_ =	shalt  }
0x65: {  	_ =	shalt  }
0x66: {  	_ =	shalt  }
0x67: {  	_ =	shalt  }
0x68: {  	_ =	shalt  }
0x69: {  	_ =	shalt  }
0x6a: {  	_ =	shalt  }
0x6b: {  	_ =	shalt  }
0x6c: {  	_ =	shalt  }
0x6d: {  	_ =	shalt  }
0x6e: {  	_ =	shalt  }
0x6f: {  	_ =	shalt  }
0x70: {  	_ =	shalt  }
0x71: {  	_ =	shalt  }
0x72: {  	_ =	shalt  }
0x73: {  	_ =	shalt  }
0x74: {  	_ =	shalt  }
0x75: {  	_ =	shalt  }
0x76: {  	_ =	shalt  }
0x77: {  	_ =	shalt  }
0x78: {  	_ =	shalt  }
0x79: {  	_ =	shalt  }
0x7a: {  	_ =	shalt  }
0x7b: {  	_ =	shalt  }
0x7c: {  	_ =	shalt  }
0x7d: {  	_ =	shalt  }
0x7e: {  	_ =	shalt  }
0x7f: {  	_ =	shalt  }
0x80: {  	_ =	shalt  }
0x81: {  	_ =	shalt  }
0x82: {  	_ =	shalt  }
0x83: {  	_ =	shalt  }
0x84: {  	_ =	shalt  }
0x85: {  	_ =	shalt  }
0x86: {  	_ =	shalt  }
0x87: {  	_ =	shalt  }
.Lfunc_end0:
.L_simem_size_0:
called_computation_lowered:
.L_overlay_start_0:
0x88: {  	s2 =	sld [smem:$0x3FD9]  }
0x89: {  	s3 =	sld [smem:$0x3FFE];
	_ =	sdelay $0x1  }
0x8a: {  	s1 =	srdreg.scid  }
0x8b: {  	s0 =	sand.u32 $0x1, s1  }
0x8c: {  	s17 =	sshll.u32 s0, $0xA;
	s2 =	sadd.s32 s3, s2  }
0x8d: {  	s2 =	sadd.s32 s2, s17  }
0x8e: {  	[smem:$0x3FC0] =	sst s2  }
0x8f: {  	_ = 	snop  }
0x90: {  	s2 =	sld [smem:$0x3FD0];
	(tm) =	ssettm $0x1  }
0x91: {  	s18 =	sld [smem:$0x3FFB];
	_ =	sdelay $0x3  }
0x92: {  	_ =	strace s18  }
0x93: {  	s3 =	sld [smem:$0x3FFC];
	_ =	sdelay $0x3  }
0x94: {  	_ =	strace s3  }
0x95: {  	s3 =	sld [smem:$0x3FFD];
	_ =	sdelay $0x3  }
0x96: {  	_ =	strace s3  }
0x97: {  	_ =	strace $0x8FFFFFFF  }
0x98: {  	s19 =	sld [smem:$0x3FDB];
	_ =	sdelay $0x1  }
0x99: {  	s4 =	simm.s32 $_scs_section_size  }
0x9a: {  	s5 =	simm.s32 $_size__tile_overlayer_lowered;
	s6 =	simm.s32 $_tile_overlayer_lowered  }
0x9b: {  	s22 =	simm.s32 $0x1BFF;
	s21 =	sshll.u32 s6, $0x1;
	s3 =	sadd.s32 s4, s19  }
0x9c: {  	s7 =	simm.s32 $0x0;
	s20 =	sshll.u32 s5, $0x1;
	s5 =	sadd.s32 s21, s3  }
0x9d: {  	[timem:s7], [sflag:s22] =	dma.local [hbm:s5], s20  }
0x9e: {  	_ =	swait.ge [sflag:s22], s20  }
0x9f: {  	s4 =	ssub.s32 $0x0, s20;
	[sflag:s22] =	ssyncset.done $0x0  }
0xa0: {  	[sflag:s22] =	ssyncadd.s32 s4;
	_ =	sdelay $0x1  }
0xa1: {  	s23 =	simm.s32 $0x1B8B  }
0xa2: {  	_ =	swait.ge [sflag:s23], $0x1  }
0xa3: {  	[sflag:s23] =	ssyncset.done $0x0  }
0xa4: {  	s25 =	simm.s32 $0x1B8E;
	s24 =	sld [smem:$0x3FFE];
	[sflag:s23] =	ssyncadd.s32 $0xFFFFFFFF  }
0xa5: {  	s26 =	simm.s32 $execute0_lowered;
	[smem:$0x3FD2] =	sst s25  }
0xa6: {  	s5 =	sshll.u32 s26, $0x1;
	_ =	strace $0x80000046;
	[dreg:$0x1] =	wrdreg $0xFFFFFFFF  }
0xa7: {  	s28 =	simm.s32 $_size_execute0_lowered;
	s3 =	sadd.s32 s3, s5;
	[dreg:$0x0] =	wrdreg $0x0  }
0xa8: {  	s5 =	sshll.u32 s28, $0x1;
	[dreg:$0x2] =	wrdreg s3  }
0xa9: {  	[dreg:$0x3] =	wrdreg s5  }
0xaa: {  	[dreg:$0x4] =	wrdreg $0xC0  }
0xab: {  	_ =	task [dreg:s7], $0x5FFFF  }
0xac: {  	[dreg:$0x1] =	wrdreg $0xFFFFFFFF  }
0xad: {  	[dreg:$0x0] =	wrdreg $0x60  }
0xae: {  	[dreg:$0x2] =	wrdreg s24  }
0xaf: {  	[dreg:$0x3] =	wrdreg s2  }
0xb0: {  	[dreg:$0x4] =	wrdreg $0x3800  }
0xb1: {  	[dreg:$0x5] =	wrdreg $0x6000  }
0xb2: {  	[dreg:$0x6] =	wrdreg $0x9  }
0xb3: {  	_ =	task.clear_ibuf [dreg:s7], $0x7FFFF;
	_ =	strace $0x90000046  }
0xb4: {  	s29 =	simm.s32 $0x9;
	_ =	strace $0x80000048  }
0xb5: {  	_ =	swait.ge [sflag:s29], $0x1  }
0xb6: {  	[sflag:s29] =	ssyncadd.s32 $0xFFFFFFFF  }
0xb7: {  	_ =	strace $0x90000048  }
0xb8: {  	_ =	sfence  }
0xb9: {  	s30 =	sld [smem:$0x0];
	_ =	sdelay $0x2  }
0xba: {  	s31 =	sshll.u32 s1, $0xD;
	s1 =	sshrl.u32 s1, $0x2  }
0xbb: {  	s3 =	sand.u32 $0x4000, s31;
	s1 =	sadd.s32 s1, s30  }
0xbc: {  	s0 =	sor.u32 s3, s0;
	s1 =	sshll.u32 s1, $0x11  }
0xbd: {  	s0 =	sor.u32 s1, s0  }
0xbe: {  	s0 =	sadd.s32 $0x8F2B, s0  }
0xbf: {  	[sflag:s0] =	ssyncadd.remote.s32 $0x1  }
0xc0: {  	_ =	sfence.sel $0xFFFF  }
0xc1: {  	[dreg:$0x0] =	wrdreg $0xFFFFFFFF;
	(pc) =	sbr.abs _section_cstart, $3  }
0xc2: {  	[dreg:$0x1] =	wrdreg $0xFFFFFFFF  }
0xc3: {  	_ =	task.clear_ibuf [dreg:s7], $0x2FFFF;
	_ =	strace $0x9FFFFFFF  }
0xc4: {  	(tm) =	ssettm $0x7FFFFFFF  }
0xc5: {  	_ =	shalt  }
tec
execute0_lowered:
.L_overlay_start_1:
0x0: {  	(tag) =	ssettag $0x1  }
0x1: {  	s0 =	rddreg [dreg:$0x0]  }
0x2: {  	s3 =	rddreg [dreg:$0x2]  }
0x3: {  	s4 =	rddreg [dreg:$0x3];
	s5 =	simm.s32 $0x0;
	s11 =	stileid.u32  }
0x4: {  	s1 =	srdreg.scid;
	s28 =	simm.s32 $0x180;
	s29 =	simm.s32 $0x1  }
0x5: {  	s30 =	simm.s32 $0x2;
	s31 =	simm.s32 $0x3;
	s2 =	smul.u32 $0x280, s11  }
0x6: {  	[smem:$0x7FF] =	sst s5;
	s1 =	sand.u32 $0x1, s1;
	s11 =	smul.u32 $0x2710, s11  }
0x7: {  	s6 =	sadd.s32 $0xDC00, s0;
	s7 =	sadd.s32 $0x3E00, s0;
	s8 =	smul.u32 $0x2800, s1  }
0x8: {  	_ =	strace $0x80000047;
	s10 =	smul.u32 $0x27100, s1;
	s1 =	ssub.s32 $0x2, s1  }
0x9: {  	s9 =	sshrl.u32 s2, $0x3;
	s12 =	sshrl.u32 s1, $0x1;
	s17 =	sadd.s32 s2, s3  }
0xa: {  	s8 =	sadd.s32 s2, s8;
	s9 =	sadd.s32 s9, s0;
	s1 =	ssub.s32 s1, s12  }
0xb: {  	s16 =	sadd.s32 s11, s10;
	[dreg:$0x5] =	wrdreg s17;
	s2 =	sadd.s32 s2, s4  }
0xc: {  	s18 =	sshrl.u32 s16, $0x3;
	[dreg:$0x6] =	wrdreg s2;
	s1 =	smax.u32 s1, $0x1  }
0xd: {  	s8 =	sshrl.u32 s8, $0x3;
	s19 =	sadd.s32 s6, s18;
	[dreg:$0xf] =	wrdreg s1  }
0xe: {  	s20 =	sadd.s32 $0x4D0, s18;
	s21 =	sadd.s32 s7, s18;
	[dreg:$0x7] =	wrdreg s19  }
0xf: {  	s9 =	sadd.s32 $0x17A00, s9;
	[dreg:$0x8] =	wrdreg s21;
	s22 =	sadd.s32 s6, s20  }
0x10: {  	s10 =	sadd.s32 $0x4E0, s18;
	s2 =	sadd.s32 s7, s20;
	[dreg:$0x9] =	wrdreg s22  }
0x11: {  	s26 =	sadd.s32 $0x80, s16;
	s23 =	sadd.s32 s6, s10;
	[dreg:$0xa] =	wrdreg s2  }
0x12: {  	s0 =	sadd.s32 s8, s0;
	s24 =	sadd.s32 s7, s10;
	[dreg:$0xb] =	wrdreg s23  }
0x13: {  	s1 =	simm.s32 $0x200;
	s25 =	sadd.s32 $0x18000, s0;
	[dreg:$0xc] =	wrdreg s24  }
0x14: {  	s8 =	simm.s32 $0x10;
	s0 =	sadd.s32 $0x18A00, s0;
	[dreg:$0xd] =	wrdreg s25  }
0x15: {  	s20 =	sadd.s32 $0x100, s16;
	s10 =	simm.s32 $0x0;
	[dreg:$0xe] =	wrdreg s0  }
0x16: {  	s0 =	sshrl.u32 s26, $0x3;
	s23 =	simm.s32 $0x300;
	s24 =	simm.s32 $0x5  }
0x17: {  	s25 =	simm.s32 $0x80;
	s26 =	simm.s32 $0x100;
	s2 =	simm.s32 $0x280  }
0x18: {  	s21 =	sadd.s32 s0, s7;
	s22 =	sadd.s32 s0, s6;
	s0 =	simm.s32 $0x4  }
.LBB2_1:
0x19: {  	s11 =	rddreg [dreg:$0x1]  }
0x1a: {  	[tilespmem:s23], [sflag:$0x5] =	stream.linear.gather [hbm4b:s11+s5], $0x80, $0x38;
	[tilespmem:$0x880] =	vst v63  }
0x1b: {  	s15 =	stileid.u32;
	_ =	swait.ge [sflag:s24], $0x80  }
0x1c: {  	s11 =	sshll.u32 s15, $0x6;
	[sflag:s24] =	ssyncset.done $0x0;
	s12 =	rddreg [dreg:$0x5]  }
0x1d: {  	s11 =	sor.u32 $0x1C05, s11;
	[sflag:s24] =	ssyncadd.s32 $0xFFFFFF80;
	s12 =	sshrl.u32 s12, $0x3  }
0x1e: {  	[spmem:s12], [sflag:s11] =	dma.local [hbm:s9], $0x50  }
0x1f: {  	_ =	swait.ge [sflag:s24], $0x50  }
0x20: {  	[sflag:s24] =	ssyncset.done $0x0;
	s13 =	rddreg [dreg:$0x6]  }
0x21: {  	[sflag:s24] =	ssyncadd.s32 $0xFFFFFFB0;
	s13 =	sshrl.u32 s13, $0x3  }
0x22: {  	[spmem:s13], [sflag:s11] =	dma.local [hbm:s9], $0x50  }
0x23: {  	_ =	swait.ge [sflag:s24], $0x50  }
0x24: {  	[sflag:s24] =	ssyncset.done $0x0  }
0x25: {  	[sflag:s24] =	ssyncadd.s32 $0xFFFFFFB0  }
0x26: {  	[bflag:$0x0] =	sbarrier.arrive $0xFFFF  }
0x27: {  	s14 =	rddreg [dreg:$0x7]  }
0x28: {  	[tilespmem:s5], [sflag:$0x1] =	stream.linear.gather [hbm4b:s14+s5], $0x80, $0x38;
	[tilespmem:$0x880] =	vst v63  }
0x29: {  	s16 =	rddreg [dreg:$0x8]  }
0x2a: {  	[tilespmem:s25], [sflag:$0x2] =	stream.linear.gather [hbm4b:s16+s5], $0x80, $0x38;
	[tilespmem:$0x880] =	vst v63  }
0x2b: {  	s17 =	sadd.s32 $0x0, s22  }
0x2c: {  	[tilespmem:s26], [sflag:$0x3] =	stream.linear.gather [hbm4b:s17+s5], $0x80, $0x38;
	[tilespmem:$0x880] =	vst v63  }
0x2d: {  	s18 =	sadd.s32 $0x0, s21  }
0x2e: {  	[tilespmem:s28], [sflag:$0x4] =	stream.linear.gather [hbm4b:s18+s5], $0x80, $0x38;
	[tilespmem:$0x880] =	vst v63  }
0x2f: {  	_ =	swait.ge [sflag:s29], $0x80  }
0x30: {  	[sflag:s29] =	ssyncset.done $0x0  }
0x31: {  	[sflag:s29] =	ssyncadd.s32 $0xFFFFFF80  }
0x32: {  	_ =	swait.ge [sflag:s30], $0x80  }
0x33: {  	[sflag:s30] =	ssyncset.done $0x0  }
0x34: {  	[sflag:s30] =	ssyncadd.s32 $0xFFFFFF80  }
0x35: {  	[spmem:s3] =	stream.indirect.scatter.add.f32 [tilespmem:s23], [sflag:$0x1], $0x1, s5, s25, $0xb8;
	[tilespmem:$0x880] =	vst v63  }
0x36: {  	_ = 	snop  }
0x37: {  	[spmem:s4] =	stream.indirect.scatter.add.f32 [tilespmem:s23], [sflag:$0x2], $0x1, s25, s25, $0xb8;
	[tilespmem:$0x880] =	vst v63  }
0x38: {  	_ =	swait.ge [sflag:s29], $0x80  }
0x39: {  	[sflag:s29] =	ssyncset.done $0x0  }
0x3a: {  	[sflag:s29] =	ssyncadd.s32 $0xFFFFFF80  }
0x3b: {  	_ =	swait.ge [sflag:s30], $0x80  }
0x3c: {  	s19 =	sshrl.u32 s20, $0x3;
	[sflag:s30] =	ssyncset.done $0x0  }
0x3d: {  	s15 =	sadd.s32 s6, s19;
	[sflag:s30] =	ssyncadd.s32 $0xFFFFFF80  }
0x3e: {  	[tilespmem:s5], [sflag:$0x1] =	stream.linear.gather [hbm4b:s15+s5], $0x80, $0x38;
	[tilespmem:$0x880] =	vst v63  }
0x3f: {  	s14 =	sadd.s32 s7, s19  }
0x40: {  	[tilespmem:s25], [sflag:$0x2] =	stream.linear.gather [hbm4b:s14+s5], $0x80, $0x38;
	[tilespmem:$0x880] =	vst v63  }
0x41: {  	_ =	swait.ge [sflag:s31], $0x80  }
0x42: {  	[sflag:s31] =	ssyncset.done $0x0  }
0x43: {  	[sflag:s31] =	ssyncadd.s32 $0xFFFFFF80  }
0x44: {  	_ =	swait.ge [sflag:s0], $0x80  }
0x45: {  	[sflag:s0] =	ssyncset.done $0x0  }
0x46: {  	[sflag:s0] =	ssyncadd.s32 $0xFFFFFF80  }
0x47: {  	[spmem:s3] =	stream.indirect.scatter.add.f32 [tilespmem:s23], [sflag:$0x3], $0x1, s26, s25, $0xb8;
	[tilespmem:$0x880] =	vst v63  }
0x48: {  	_ = 	snop  }
0x49: {  	[spmem:s4] =	stream.indirect.scatter.add.f32 [tilespmem:s23], [sflag:$0x4], $0x1, s28, s25, $0xb8;
	[tilespmem:$0x880] =	vst v63  }
0x4a: {  	_ =	swait.ge [sflag:s31], $0x80  }
0x4b: {  	[sflag:s31] =	ssyncset.done $0x0  }
0x4c: {  	[sflag:s31] =	ssyncadd.s32 $0xFFFFFF80  }
0x4d: {  	s16 =	simm.s32 $0x40;
	_ =	swait.ge [sflag:s0], $0x80  }
0x4e: {  	s15 =	simm.s32 $0x20;
	s14 =	sadd.s32 $0x100, s20;
	[sflag:s0] =	ssyncset.done $0x0  }
.LBB2_2:
0x4f: {  	s18 =	sadd.s32 s15, s22  }
0x50: {  	[sflag:s0] =	ssyncadd.s32 $0xFFFFFF80;
	s19 =	smov.u32 s16;
	s17 =	sadd.s32 $0x20, s16  }
0x51: {  	[tilespmem:s26], [sflag:$0x3] =	stream.linear.gather [hbm4b:s18+s5], $0x80, $0x38;
	[tilespmem:$0x880] =	vst v63  }
0x52: {  	p0 =	sne.s32 s16, $0x4A0;
	s16 =	sadd.s32 s15, s21;
	s15 =	smov.u32 s19  }
0x53: {  	[tilespmem:s28], [sflag:$0x4] =	stream.linear.gather [hbm4b:s16+s5], $0x80, $0x38;
	[tilespmem:$0x880] =	vst v63  }
0x54: {  	_ =	swait.ge [sflag:s29], $0x80  }
0x55: {  	[sflag:s29] =	ssyncset.done $0x0  }
0x56: {  	[sflag:s29] =	ssyncadd.s32 $0xFFFFFF80  }
0x57: {  	_ =	swait.ge [sflag:s30], $0x80  }
0x58: {  	[sflag:s30] =	ssyncset.done $0x0  }
0x59: {  	[sflag:s30] =	ssyncadd.s32 $0xFFFFFF80  }
0x5a: {  	[spmem:s3] =	stream.indirect.scatter.add.f32 [tilespmem:s23], [sflag:$0x1], $0x1, s5, s25, $0xb8;
	[tilespmem:$0x880] =	vst v63  }
0x5b: {  	_ = 	snop  }
0x5c: {  	[spmem:s4] =	stream.indirect.scatter.add.f32 [tilespmem:s23], [sflag:$0x2], $0x1, s25, s25, $0xb8;
	[tilespmem:$0x880] =	vst v63  }
0x5d: {  	_ =	swait.ge [sflag:s29], $0x80  }
0x5e: {  	[sflag:s29] =	ssyncset.done $0x0  }
0x5f: {  	[sflag:s29] =	ssyncadd.s32 $0xFFFFFF80  }
0x60: {  	_ =	swait.ge [sflag:s30], $0x80  }
0x61: {  	s16 =	sshrl.u32 s14, $0x3;
	[sflag:s30] =	ssyncset.done $0x0  }
0x62: {  	s18 =	sadd.s32 s6, s16;
	[sflag:s30] =	ssyncadd.s32 $0xFFFFFF80  }
0x63: {  	[tilespmem:s5], [sflag:$0x1] =	stream.linear.gather [hbm4b:s18+s5], $0x80, $0x38;
	[tilespmem:$0x880] =	vst v63  }
0x64: {  	s16 =	sadd.s32 s7, s16  }
0x65: {  	[tilespmem:s25], [sflag:$0x2] =	stream.linear.gather [hbm4b:s16+s5], $0x80, $0x38;
	[tilespmem:$0x880] =	vst v63  }
0x66: {  	_ =	swait.ge [sflag:s31], $0x80  }
0x67: {  	[sflag:s31] =	ssyncset.done $0x0  }
0x68: {  	[sflag:s31] =	ssyncadd.s32 $0xFFFFFF80  }
0x69: {  	_ =	swait.ge [sflag:s0], $0x80  }
0x6a: {  	[sflag:s0] =	ssyncset.done $0x0  }
0x6b: {  	[sflag:s0] =	ssyncadd.s32 $0xFFFFFF80  }
0x6c: {  	[spmem:s3] =	stream.indirect.scatter.add.f32 [tilespmem:s23], [sflag:$0x3], $0x1, s26, s25, $0xb8;
	[tilespmem:$0x880] =	vst v63  }
0x6d: {  	_ = 	snop  }
0x6e: {  	[spmem:s4] =	stream.indirect.scatter.add.f32 [tilespmem:s23], [sflag:$0x4], $0x1, s28, s25, $0xb8;
	[tilespmem:$0x880] =	vst v63  }
.Ltmp0:
0x6f: {  	_ =	swait.ge [sflag:s31], $0x80;
	(pc) =	sbr.rel @p0 .LBB2_2-.Ltmp0, $4  }
0x70: {  	[sflag:s31] =	ssyncset.done $0x0  }
0x71: {  	[sflag:s31] =	ssyncadd.s32 $0xFFFFFF80  }
0x72: {  	_ =	swait.ge [sflag:s0], $0x80  }
0x73: {  	s14 =	sadd.s32 $0x100, s14;
	s16 =	smov.u32 s17;
	[sflag:s0] =	ssyncset.done $0x0  }
0x74: {  	s16 =	sadd.s32 s15, s22;
	[sflag:s0] =	ssyncadd.s32 $0xFFFFFF80  }
0x75: {  	[tilespmem:s26], [sflag:$0x3] =	stream.linear.gather [hbm4b:s16+s5], $0x80, $0x38;
	[tilespmem:$0x880] =	vst v63  }
0x76: {  	s16 =	sadd.s32 s15, s21  }
0x77: {  	[tilespmem:s28], [sflag:$0x4] =	stream.linear.gather [hbm4b:s16+s5], $0x80, $0x38;
	[tilespmem:$0x880] =	vst v63  }
0x78: {  	_ =	swait.ge [sflag:s29], $0x80  }
0x79: {  	[sflag:s29] =	ssyncset.done $0x0  }
0x7a: {  	[sflag:s29] =	ssyncadd.s32 $0xFFFFFF80  }
0x7b: {  	_ =	swait.ge [sflag:s30], $0x80  }
0x7c: {  	[sflag:s30] =	ssyncset.done $0x0  }
0x7d: {  	[sflag:s30] =	ssyncadd.s32 $0xFFFFFF80  }
0x7e: {  	[spmem:s3] =	stream.indirect.scatter.add.f32 [tilespmem:s23], [sflag:$0x1], $0x1, s5, s25, $0xb8;
	[tilespmem:$0x880] =	vst v63  }
0x7f: {  	_ = 	snop  }
0x80: {  	[spmem:s4] =	stream.indirect.scatter.add.f32 [tilespmem:s23], [sflag:$0x2], $0x1, s25, s25, $0xb8;
	[tilespmem:$0x880] =	vst v63  }
0x81: {  	_ =	swait.ge [sflag:s29], $0x80  }
0x82: {  	[sflag:s29] =	ssyncset.done $0x0  }
0x83: {  	[sflag:s29] =	ssyncadd.s32 $0xFFFFFF80  }
0x84: {  	_ =	swait.ge [sflag:s30], $0x80  }
0x85: {  	s14 =	sshrl.u32 s14, $0x3;
	[sflag:s30] =	ssyncset.done $0x0  }
0x86: {  	s17 =	sadd.s32 s6, s14;
	[sflag:s30] =	ssyncadd.s32 $0xFFFFFF80  }
0x87: {  	[tilespmem:s5], [sflag:$0x1] =	stream.linear.gather [hbm4b:s17+s5], $0x80, $0x38;
	[tilespmem:$0x880] =	vst v63  }
0x88: {  	s14 =	sadd.s32 s7, s14  }
0x89: {  	[tilespmem:s25], [sflag:$0x2] =	stream.linear.gather [hbm4b:s14+s5], $0x80, $0x38;
	[tilespmem:$0x880] =	vst v63  }
0x8a: {  	_ =	swait.ge [sflag:s31], $0x80  }
0x8b: {  	[sflag:s31] =	ssyncset.done $0x0  }
0x8c: {  	[sflag:s31] =	ssyncadd.s32 $0xFFFFFF80  }
0x8d: {  	_ =	swait.ge [sflag:s0], $0x80  }
0x8e: {  	[sflag:s0] =	ssyncset.done $0x0  }
0x8f: {  	[sflag:s0] =	ssyncadd.s32 $0xFFFFFF80  }
0x90: {  	[spmem:s3] =	stream.indirect.scatter.add.f32 [tilespmem:s23], [sflag:$0x3], $0x1, s26, s25, $0xb8;
	[tilespmem:$0x880] =	vst v63  }
0x91: {  	_ = 	snop  }
0x92: {  	[spmem:s4] =	stream.indirect.scatter.add.f32 [tilespmem:s23], [sflag:$0x4], $0x1, s28, s25, $0xb8;
	[tilespmem:$0x880] =	vst v63  }
0x93: {  	_ =	swait.ge [sflag:s31], $0x80  }
0x94: {  	[sflag:s31] =	ssyncset.done $0x0  }
0x95: {  	[sflag:s31] =	ssyncadd.s32 $0xFFFFFF80  }
0x96: {  	_ =	swait.ge [sflag:s0], $0x80  }
0x97: {  	[sflag:s0] =	ssyncset.done $0x0  }
0x98: {  	s18 =	rddreg [dreg:$0x9];
	[sflag:s0] =	ssyncadd.s32 $0xFFFFFF80  }
0x99: {  	[tilespmem:s26], [sflag:$0x3] =	stream.linear.gather [hbm4b:s18+s5], $0x80, $0x38;
	[tilespmem:$0x880] =	vst v63  }
0x9a: {  	s19 =	rddreg [dreg:$0xa]  }
0x9b: {  	[tilespmem:s28], [sflag:$0x4] =	stream.linear.gather [hbm4b:s19+s5], $0x80, $0x38;
	[tilespmem:$0x880] =	vst v63  }
0x9c: {  	_ =	swait.ge [sflag:s29], $0x80  }
0x9d: {  	[sflag:s29] =	ssyncset.done $0x0  }
0x9e: {  	[sflag:s29] =	ssyncadd.s32 $0xFFFFFF80  }
0x9f: {  	_ =	swait.ge [sflag:s30], $0x80  }
0xa0: {  	[sflag:s30] =	ssyncset.done $0x0  }
0xa1: {  	[sflag:s30] =	ssyncadd.s32 $0xFFFFFF80  }
0xa2: {  	[spmem:s3] =	stream.indirect.scatter.add.f32 [tilespmem:s23], [sflag:$0x1], $0x1, s5, s25, $0xb8;
	[tilespmem:$0x880] =	vst v63  }
0xa3: {  	_ = 	snop  }
0xa4: {  	[spmem:s4] =	stream.indirect.scatter.add.f32 [tilespmem:s23], [sflag:$0x2], $0x1, s25, s25, $0xb8;
	[tilespmem:$0x880] =	vst v63  }
0xa5: {  	_ =	swait.ge [sflag:s29], $0x80  }
0xa6: {  	[sflag:s29] =	ssyncset.done $0x0  }
0xa7: {  	[sflag:s29] =	ssyncadd.s32 $0xFFFFFF80  }
0xa8: {  	_ =	swait.ge [sflag:s30], $0x80  }
0xa9: {  	[sflag:s30] =	ssyncset.done $0x0  }
0xaa: {  	s15 =	rddreg [dreg:$0xb];
	[sflag:s30] =	ssyncadd.s32 $0xFFFFFF80  }
0xab: {  	[tilespmem:s1], [sflag:$0x1] =	stream.linear.gather [hbm4b:s15+s5], $0x10, $0x38;
	[tilespmem:$0x880] =	vst v63  }
0xac: {  	s16 =	rddreg [dreg:$0xc]  }
0xad: {  	[tilespmem:s2], [sflag:$0x2] =	stream.linear.gather [hbm4b:s16+s5], $0x10, $0x38;
	[tilespmem:$0x880] =	vst v63  }
0xae: {  	_ =	swait.ge [sflag:s31], $0x80  }
0xaf: {  	[sflag:s31] =	ssyncset.done $0x0  }
0xb0: {  	[sflag:s31] =	ssyncadd.s32 $0xFFFFFF80  }
0xb1: {  	_ =	swait.ge [sflag:s0], $0x80  }
0xb2: {  	[sflag:s0] =	ssyncset.done $0x0  }
0xb3: {  	[sflag:s0] =	ssyncadd.s32 $0xFFFFFF80  }
0xb4: {  	[spmem:s3] =	stream.indirect.scatter.add.f32 [tilespmem:s23], [sflag:$0x3], $0x1, s26, s25, $0xb8;
	[tilespmem:$0x880] =	vst v63  }
0xb5: {  	_ = 	snop  }
0xb6: {  	[spmem:s4] =	stream.indirect.scatter.add.f32 [tilespmem:s23], [sflag:$0x4], $0x1, s28, s25, $0xb8;
	[tilespmem:$0x880] =	vst v63  }
0xb7: {  	_ =	swait.ge [sflag:s31], $0x80  }
0xb8: {  	[sflag:s31] =	ssyncset.done $0x0  }
0xb9: {  	[sflag:s31] =	ssyncadd.s32 $0xFFFFFF80  }
0xba: {  	_ =	swait.ge [sflag:s0], $0x80  }
0xbb: {  	[sflag:s0] =	ssyncset.done $0x0  }
0xbc: {  	[sflag:s0] =	ssyncadd.s32 $0xFFFFFF80  }
0xbd: {  	_ =	swait.ge [sflag:s29], $0x10  }
0xbe: {  	[sflag:s29] =	ssyncset.done $0x0  }
0xbf: {  	[sflag:s29] =	ssyncadd.s32 $0xFFFFFFF0  }
0xc0: {  	_ =	swait.ge [sflag:s30], $0x10  }
0xc1: {  	[sflag:s30] =	ssyncset.done $0x0  }
0xc2: {  	[sflag:s30] =	ssyncadd.s32 $0xFFFFFFF0  }
0xc3: {  	[spmem:s3] =	stream.indirect.scatter.add.f32 [tilespmem:s23], [sflag:$0x1], $0x1, s1, s8, $0xb8;
	[tilespmem:$0x880] =	vst v63  }
0xc4: {  	_ = 	snop  }
0xc5: {  	[spmem:s4] =	stream.indirect.scatter.add.f32 [tilespmem:s23], [sflag:$0x2], $0x1, s2, s8, $0xb8;
	[tilespmem:$0x880] =	vst v63  }
0xc6: {  	_ =	swait.ge [sflag:s29], $0x10  }
0xc7: {  	[sflag:s29] =	ssyncset.done $0x0  }
0xc8: {  	[sflag:s29] =	ssyncadd.s32 $0xFFFFFFF0  }
0xc9: {  	_ =	swait.ge [sflag:s30], $0x10  }
0xca: {  	[sflag:s30] =	ssyncset.done $0x0  }
0xcb: {  	[sflag:s30] =	ssyncadd.s32 $0xFFFFFFF0  }
0xcc: {  	[bflag:$0x0] =	sbarrier.arrive $0xFFFF  }
0xcd: {  	s17 =	rddreg [dreg:$0xd]  }
0xce: {  	[hbm:s17], [sflag:s11] =	dma.local [spmem:s12], $0x50  }
0xcf: {  	_ =	swait.ge [sflag:s24], $0x50  }
0xd0: {  	[sflag:s24] =	ssyncset.done $0x0  }
0xd1: {  	s18 =	rddreg [dreg:$0xe];
	[sflag:s24] =	ssyncadd.s32 $0xFFFFFFB0  }
0xd2: {  	[hbm:s18], [sflag:s11] =	dma.local [spmem:s13], $0x50  }
0xd3: {  	_ =	swait.ge [sflag:s24], $0x50  }
0xd4: {  	s10 =	sadd.s32 $0x1, s10;
	s19 =	rddreg [dreg:$0xf]  }
0xd5: {  	p0 =	sne.s32 s10, s19  }
.Ltmp1:
0xd6: {  	_ = 	snop;
	(pc) =	sbr.rel @p0 .LBB2_1-.Ltmp1, $3  }
0xd7: {  	_ =	sdelay $0x1  }
0xd8: {  	[sflag:s24] =	ssyncset.done $0x0  }
0xd9: {  	[sflag:s24] =	ssyncadd.s32 $0xFFFFFFB0  }
0xda: {  	_ =	sfence.sel $0x180000  }
0xdb: {  	[bflag:$0x0] =	sbarrier.arrive $0xFFFF  }
0xdc: {  	_ =	strace $0x90000047  }
0xdd: {  	s0 =	stileid.u32;
	[bflag:$0x2] =	sbarrier.arrive $0xFFFF  }
0xde: {  	p0 =	sne.s32 s0, $0x0;
	s0 =	rddreg [dreg:$0x4]  }
0xdf: {  	s0 =	sadd.s32 @!p0 $0x100000, s0  }
0xe0: {  	[sflag:s0] =	ssyncadd.tile.s32 @!p0 $0x1;
	_ =	shalt  }
.Lfunc_end2:
_tile_overlayer_lowered:
.L_overlay_start_2:
0xe1: {  	(tag) =	ssettag $0x2  }
0xe2: {  	s0 =	rddreg [dreg:$0x0];
	s2 =	stileid.u32  }
0xe3: {  	s1 =	rddreg [dreg:$0x1];
	p0 =	sne.s32 s2, $0x0  }
0xe4: {  	s3 =	rddreg [dreg:$0x2];
	[bflag:$0x3] =	sbarrier.arrive $0xFFFF;
	s2 =	simm.s32 @!p0 $0x1C05  }
0xe5: {  	[timem:s3], [sflag:s2] =	dma.local @!p0 [hbm:s0], s1  }
0xe6: {  	s0 =	simm.s32 @!p0 $0x5  }
0xe7: {  	_ =	swait.ge @!p0 [sflag:s0], s1  }
0xe8: {  	s1 =	ssub.s32 @!p0 $0x0, s1;
	[sflag:s0] =	ssyncset.done @!p0 $0x0  }
0xe9: {  	[sflag:s0] =	ssyncadd.s32 @!p0 s1  }
0xea: {  	[bflag:$0x3] =	sbarrier.arrive $0xFFFF  }
0xeb: {  	_ =	shalt  }

// kernel: kernel.15.cloned.1.call-start
scs
__scs_entry_jumppad:
0x0: {  	(pc) =	sbr.rel $0x88, $3  }
0x1: {  	(tag) =	ssettag $0x0;
	lr =	simm.s32 $0x1  }
0x2: {  	[smem:$0x3F99] =	sst lr;
	_ =	strace $0xD0000000  }
0x3: {  	_ = 	snop  }
0x4: {  	_ = 	snop  }
0x5: {  	_ = 	snop  }
0x6: {  	_ = 	snop  }
0x7: {  	_ = 	snop  }
__scs_overlays_trampoline_lowered:
0x8: {  	[smem:$0x3FA8] =	sst s0  }
0x9: {  	[smem:$0x3FA9] =	sst s1  }
0xa: {  	[smem:$0x3FAA] =	sst s2  }
0xb: {  	[smem:$0x3FAB] =	sst s3  }
0xc: {  	[smem:$0x3FAC] =	sst s4  }
0xd: {  	[smem:$0x3FAD] =	sst s5  }
0xe: {  	[smem:$0x3FAE] =	sst s6  }
0xf: {  	[smem:$0x3FAF] =	sst s7  }
0x10: {  	[smem:$0x3FB0] =	sst s8  }
0x11: {  	[smem:$0x3FB1] =	sst s9;
	s0 =	simm.s32 @!p0 $0x0  }
0x12: {  	s1 =	sld [smem:$0x3F97];
	s0 =	simm.s32 @p0 $0x1  }
0x13: {  	[smem:$0x3FB2] =	sst s0;
	s0 =	simm.s32 @!p1 $0x0  }
0x14: {  	s2 =	sld [smem:$0x3F96];
	s0 =	simm.s32 @p1 $0x1  }
0x15: {  	[smem:$0x3FB3] =	sst s0;
	s0 =	simm.s32 @!p2 $0x0  }
0x16: {  	s3 =	sld [smem:$0x3FDB];
	s0 =	simm.s32 @p2 $0x1  }
0x17: {  	s4 =	simm.s32 $0x1BF5;
	[smem:$0x3FB5] =	sst s0  }
0x18: {  	s0 =	sld [smem:$0x3F98];
	_ =	swait.ge [sflag:s4], $0x0  }
0x19: {  	s7 =	sld [smem:$0x3F99]  }
0x1a: {  	s8 =	sadd.s32 $0xFFFFE003, lr  }
0x1b: {  	s9 =	sadd.s32 $0xFFFFFEF7, lr;
	s5 =	simm.s32 $0xFFFFFFFF;
	p2 =	slt.u32 s8, $0xFFFFF086  }
0x1c: {  	p1 =	slt.u32 s9, $0xF7A;
	s5 =	simm.s32 @!p2 $0x0  }
0x1d: {  	s5 =	simm.s32 @p1 $0x1;
	p0 =	seq.s32 s7, s2  }
0x1e: {  	s7 =	smul.u32 @!p0 $0xF7A, s2;
	p2 =	seq.s32 @!p0 s5, $0x0  }
0x1f: {  	s9 =	smul.u32 $0xF7A, s1;
	s8 =	simm.s32 @!p0 $0x1BF5;
	p2 =	por !p2, p0  }
0x20: {  	[sflag:s8] =	ssyncset.s32 @!p0 $0xFFFFF086;
	s6 =	sadd.s32 @!p0 s3, s7;
	s7 =	simm.s32 @!p0 $0x108  }
0x21: {  	s3 =	sadd.s32 s3, s9;
	s6 =	sadd.s32 @!p0 $0x88, s6;
	s7 =	simm.s32 @p2 $0x1082  }
0x22: {  	[simem:s7], [sflag:s8] =	dma.local @!p0 [hbm:s6], $0xF7A  }
0x23: {  	s9 =	sor.u32 $0xD0000000, s2;
	s6 =	simm.s32 $0x108;
	_ =	swait.ge @!p0 [sflag:s8], $0x0  }
0x24: {  	s3 =	sadd.s32 $0x88, s3;
	s6 =	simm.s32 @!p1 $0x1082;
	[sflag:s4] =	ssyncset.s32 $0xFFFFF086  }
0x25: {  	[simem:s6], [sflag:s4] =	dma.local [hbm:s3], $0xF7A  }
0x26: {  	[smem:$0x3F99] =	sst s1;
	(tag) =	ssettag s2;
	_ =	strace s9  }
0x27: {  	s1 =	sld [smem:$0x3FA9]  }
0x28: {  	s2 =	sld [smem:$0x3FAA]  }
0x29: {  	s4 =	sld [smem:$0x3FAC]  }
0x2a: {  	p0 =	seq.s32 s5, $0x0;
	s5 =	sld [smem:$0x3FAD]  }
0x2b: {  	s6 =	sld [smem:$0x3FAE]  }
0x2c: {  	s7 =	sld [smem:$0x3FAF]  }
0x2d: {  	s3 =	simm.s32 $0x108;
	s8 =	sld [smem:$0x3FB0]  }
0x2e: {  	s3 =	simm.s32 @!p0 $0x1082;
	s9 =	sld [smem:$0x3FB1]  }
0x2f: {  	lr =	sadd.s32 s0, s3;
	s0 =	sld [smem:$0x3FA8]  }
0x30: {  	s3 =	sld [smem:$0x3FAB]  }
0x31: {  	[smem:$0x3FB4] =	sst s10  }
0x32: {  	s10 =	sld [smem:$0x3FB2];
	_ =	sdelay $0x3  }
0x33: {  	p0 =	seq.s32 s10, $0x1;
	s10 =	sld [smem:$0x3FB4];
	_ =	sdelay $0x3  }
0x34: {  	[smem:$0x3FB4] =	sst s10  }
0x35: {  	s10 =	sld [smem:$0x3FB3];
	_ =	sdelay $0x3  }
0x36: {  	p1 =	seq.s32 s10, $0x1;
	s10 =	sld [smem:$0x3FB4];
	_ =	sdelay $0x3  }
0x37: {  	[smem:$0x3FB4] =	sst s10  }
0x38: {  	s10 =	sld [smem:$0x3FB5]  }
0x39: {  	_ = 	snop;
	(pc) =	sbr.ind lr, $3  }
0x3a: {  	_ = 	snop  }
0x3b: {  	_ = 	snop  }
0x3c: {  	p2 =	seq.s32 s10, $0x1;
	s10 =	sld [smem:$0x3FB4]  }
0x3d: {  	_ =	shalt  }
0x3e: {  	_ =	shalt  }
0x3f: {  	_ =	shalt  }
0x40: {  	_ =	shalt  }
0x41: {  	_ =	shalt  }
0x42: {  	_ =	shalt  }
0x43: {  	_ =	shalt  }
0x44: {  	_ =	shalt  }
0x45: {  	_ =	shalt  }
0x46: {  	_ =	shalt  }
0x47: {  	_ =	shalt  }
0x48: {  	_ =	shalt  }
0x49: {  	_ =	shalt  }
0x4a: {  	_ =	shalt  }
0x4b: {  	_ =	shalt  }
0x4c: {  	_ =	shalt  }
0x4d: {  	_ =	shalt  }
0x4e: {  	_ =	shalt  }
0x4f: {  	_ =	shalt  }
0x50: {  	_ =	shalt  }
0x51: {  	_ =	shalt  }
0x52: {  	_ =	shalt  }
0x53: {  	_ =	shalt  }
0x54: {  	_ =	shalt  }
0x55: {  	_ =	shalt  }
0x56: {  	_ =	shalt  }
0x57: {  	_ =	shalt  }
0x58: {  	_ =	shalt  }
0x59: {  	_ =	shalt  }
0x5a: {  	_ =	shalt  }
0x5b: {  	_ =	shalt  }
0x5c: {  	_ =	shalt  }
0x5d: {  	_ =	shalt  }
0x5e: {  	_ =	shalt  }
0x5f: {  	_ =	shalt  }
0x60: {  	_ =	shalt  }
0x61: {  	_ =	shalt  }
0x62: {  	_ =	shalt  }
0x63: {  	_ =	shalt  }
0x64: {  	_ =	shalt  }
0x65: {  	_ =	shalt  }
0x66: {  	_ =	shalt  }
0x67: {  	_ =	shalt  }
0x68: {  	_ =	shalt  }
0x69: {  	_ =	shalt  }
0x6a: {  	_ =	shalt  }
0x6b: {  	_ =	shalt  }
0x6c: {  	_ =	shalt  }
0x6d: {  	_ =	shalt  }
0x6e: {  	_ =	shalt  }
0x6f: {  	_ =	shalt  }
0x70: {  	_ =	shalt  }
0x71: {  	_ =	shalt  }
0x72: {  	_ =	shalt  }
0x73: {  	_ =	shalt  }
0x74: {  	_ =	shalt  }
0x75: {  	_ =	shalt  }
0x76: {  	_ =	shalt  }
0x77: {  	_ =	shalt  }
0x78: {  	_ =	shalt  }
0x79: {  	_ =	shalt  }
0x7a: {  	_ =	shalt  }
0x7b: {  	_ =	shalt  }
0x7c: {  	_ =	shalt  }
0x7d: {  	_ =	shalt  }
0x7e: {  	_ =	shalt  }
0x7f: {  	_ =	shalt  }
0x80: {  	_ =	shalt  }
0x81: {  	_ =	shalt  }
0x82: {  	_ =	shalt  }
0x83: {  	_ =	shalt  }
0x84: {  	_ =	shalt  }
0x85: {  	_ =	shalt  }
0x86: {  	_ =	shalt  }
0x87: {  	_ =	shalt  }
.Lfunc_end0:
.L_simem_size_0:
called_computation.1_lowered:
.L_overlay_start_0:
0x88: {  	s2 =	sld [smem:$0x3FD9]  }
0x89: {  	s3 =	sld [smem:$0x3FFE];
	_ =	sdelay $0x1  }
0x8a: {  	s1 =	srdreg.scid  }
0x8b: {  	s0 =	sand.u32 $0x1, s1  }
0x8c: {  	s16 =	sshll.u32 s0, $0xA;
	s2 =	sadd.s32 s3, s2  }
0x8d: {  	s2 =	sadd.s32 s2, s16  }
0x8e: {  	[smem:$0x3FC0] =	sst s2  }
0x8f: {  	_ = 	snop  }
0x90: {  	(tm) =	ssettm $0x1  }
0x91: {  	s17 =	sld [smem:$0x3FFB];
	_ =	sdelay $0x3  }
0x92: {  	_ =	strace s17  }
0x93: {  	s2 =	sld [smem:$0x3FFC];
	_ =	sdelay $0x3  }
0x94: {  	_ =	strace s2  }
0x95: {  	s2 =	sld [smem:$0x3FFD];
	_ =	sdelay $0x3  }
0x96: {  	_ =	strace s2  }
0x97: {  	_ =	strace $0x8FFFFFFF  }
0x98: {  	s18 =	sld [smem:$0x3FDB];
	_ =	sdelay $0x1  }
0x99: {  	s19 =	simm.s32 $_scs_section_size  }
0x9a: {  	s4 =	simm.s32 $_size__tile_overlayer_lowered;
	s5 =	simm.s32 $_tile_overlayer_lowered  }
0x9b: {  	s22 =	simm.s32 $0x1BFF;
	s21 =	sshll.u32 s5, $0x1;
	s2 =	sadd.s32 s19, s18  }
0x9c: {  	s6 =	simm.s32 $0x0;
	s20 =	sshll.u32 s4, $0x1;
	s4 =	sadd.s32 s21, s2  }
0x9d: {  	[timem:s6], [sflag:s22] =	dma.local [hbm:s4], s20  }
0x9e: {  	_ =	swait.ge [sflag:s22], s20  }
0x9f: {  	s3 =	ssub.s32 $0x0, s20;
	[sflag:s22] =	ssyncset.done $0x0  }
0xa0: {  	[sflag:s22] =	ssyncadd.s32 s3;
	_ =	sdelay $0x1  }
0xa1: {  	s23 =	simm.s32 $0x1B8B  }
0xa2: {  	_ =	swait.ge [sflag:s23], $0x1  }
0xa3: {  	[sflag:s23] =	ssyncset.done $0x0  }
0xa4: {  	s25 =	simm.s32 $0x1B8E;
	s24 =	sld [smem:$0x3FFE];
	[sflag:s23] =	ssyncadd.s32 $0xFFFFFFFF  }
0xa5: {  	s26 =	simm.s32 $execute0_lowered;
	[smem:$0x3FD2] =	sst s25  }
0xa6: {  	s4 =	sshll.u32 s26, $0x1;
	_ =	strace $0x80000049;
	[dreg:$0x1] =	wrdreg $0xFFFFFFFF  }
0xa7: {  	s28 =	simm.s32 $_size_execute0_lowered;
	s2 =	sadd.s32 s2, s4;
	[dreg:$0x0] =	wrdreg $0x0  }
0xa8: {  	s4 =	sshll.u32 s28, $0x1;
	[dreg:$0x2] =	wrdreg s2  }
0xa9: {  	[dreg:$0x3] =	wrdreg s4  }
0xaa: {  	[dreg:$0x4] =	wrdreg $0xC0  }
0xab: {  	_ =	task [dreg:s6], $0x5FFFF  }
0xac: {  	[dreg:$0x1] =	wrdreg $0xFFFFFFFF  }
0xad: {  	[dreg:$0x0] =	wrdreg $0x60  }
0xae: {  	[dreg:$0x2] =	wrdreg s24  }
0xaf: {  	[dreg:$0x3] =	wrdreg $0xB1000  }
0xb0: {  	[dreg:$0x4] =	wrdreg $0x9  }
0xb1: {  	_ =	task.clear_ibuf [dreg:s6], $0x5FFFF;
	_ =	strace $0x90000049  }
0xb2: {  	s29 =	simm.s32 $0x9;
	_ =	strace $0x8000004B  }
0xb3: {  	_ =	swait.ge [sflag:s29], $0x1  }
0xb4: {  	[sflag:s29] =	ssyncadd.s32 $0xFFFFFFFF  }
0xb5: {  	_ =	strace $0x9000004B  }
0xb6: {  	_ =	sfence  }
0xb7: {  	s30 =	sld [smem:$0x0];
	_ =	sdelay $0x2  }
0xb8: {  	s31 =	sshll.u32 s1, $0xD;
	s1 =	sshrl.u32 s1, $0x2  }
0xb9: {  	s3 =	sand.u32 $0x4000, s31;
	s1 =	sadd.s32 s1, s30  }
0xba: {  	s0 =	sor.u32 s3, s0;
	s1 =	sshll.u32 s1, $0x11  }
0xbb: {  	s0 =	sor.u32 s1, s0  }
0xbc: {  	s0 =	sadd.s32 $0x8F2B, s0  }
0xbd: {  	[sflag:s0] =	ssyncadd.remote.s32 $0x1  }
0xbe: {  	_ =	sfence.sel $0xFFFF  }
0xbf: {  	[dreg:$0x0] =	wrdreg $0xFFFFFFFF;
	(pc) =	sbr.abs _section_cstart, $3  }
0xc0: {  	[dreg:$0x1] =	wrdreg $0xFFFFFFFF  }
0xc1: {  	_ =	task.clear_ibuf [dreg:s6], $0x2FFFF;
	_ =	strace $0x9FFFFFFF  }
0xc2: {  	(tm) =	ssettm $0x7FFFFFFF  }
0xc3: {  	_ =	shalt  }
tec
execute0_lowered:
.L_overlay_start_1:
0x0: {  	(tag) =	ssettag $0x1  }
0x1: {  	s0 =	srdreg.scid;
	s1 =	rddreg [dreg:$0x0]  }
0x2: {  	s19 =	stileid.u32;
	s2 =	rddreg [dreg:$0x1];
	s3 =	simm.s32 $0x0  }
0x3: {  	s15 =	simm.s32 $0x6;
	s16 =	simm.s32 $0x2780;
	s5 =	smul.u32 $0x2710, s19  }
0x4: {  	s17 =	simm.s32 $0x80;
	s29 =	simm.s32 $0x2880;
	s7 =	smul.u32 $0x14000, s19  }
0x5: {  	s30 =	simm.s32 $0x10;
	s0 =	sand.u32 $0x1, s0;
	s12 =	smul.u32 $0x50000, s19  }
0x6: {  	s28 =	simm.s32 $0x0;
	[smem:$0x7FF] =	sst s3;
	s4 =	smul.u32 $0x27100, s0  }
0x7: {  	s31 =	sshll.u32 s19, $0x6;
	_ =	strace $0x8000004A;
	s9 =	smul.u32 $0x140000, s0  }
0x8: {  	s0 =	ssub.s32 $0x2, s0;
	s19 =	sor.u32 $0x1C06, s31;
	s11 =	sshrl.u32 s7, $0x3  }
0x9: {  	s18 =	sshrl.u32 s0, $0x1;
	s21 =	sshrl.u32 s12, $0x2;
	s6 =	sadd.s32 s5, s4  }
0xa: {  	s4 =	sadd.s32 $0x69400, s1;
	s5 =	sadd.s32 $0x3E00, s1;
	s7 =	sadd.s32 s7, s9  }
0xb: {  	s11 =	sadd.s32 s11, s1;
	s0 =	ssub.s32 s0, s18;
	s18 =	simm.s32 $0x2900  }
0xc: {  	s8 =	sshrl.u32 s6, $0x3;
	s7 =	sshrl.u32 s7, $0x3;
	s22 =	sadd.s32 $0x90600, s11  }
0xd: {  	s25 =	sadd.s32 $0x80, s6;
	s12 =	smax.u32 s0, $0x1;
	s13 =	sadd.s32 $0x100, s6  }
0xe: {  	s0 =	simm.s32 $0x5;
	s10 =	sadd.s32 s8, s1;
	s1 =	sadd.s32 s7, s1  }
0xf: {  	s7 =	sadd.s32 s5, s8;
	s8 =	sadd.s32 s21, s2;
	[dreg:$0x4] =	wrdreg s22  }
0x10: {  	s26 =	sshrl.u32 s25, $0x3;
	s21 =	simm.s32 $0x2800;
	s20 =	sadd.s32 $0xDC00, s10  }
0x11: {  	s22 =	simm.s32 $0x6900;
	s23 =	sadd.s32 $0x4D0, s7;
	[dreg:$0x3] =	wrdreg s20  }
0x12: {  	s25 =	simm.s32 $0x2;
	s24 =	sadd.s32 $0x4E0, s7;
	[dreg:$0x5] =	wrdreg s23  }
0x13: {  	s1 =	sadd.s32 $0xB8600, s1;
	s14 =	sadd.s32 s26, s5;
	[dreg:$0x6] =	wrdreg s24  }
0x14: {  	s26 =	simm.s32 $0x4;
	[dreg:$0x7] =	wrdreg s1;
	s20 =	sshrl.u32 s8, $0x3  }
0x15: {  	s23 =	simm.s32 $0x1;
	s24 =	simm.s32 $0x3;
	s1 =	simm.s32 $0xA900  }
.LBB2_1:
0x16: {  	s6 =	rddreg [dreg:$0x3]  }
0x17: {  	[tilespmem:s3], [sflag:$0x6] =	stream.linear.gather [hbm4b:s6+s3], $0x2710, $0x38;
	[tilespmem:$0x1F100] =	vst v63  }
0x18: {  	_ =	swait.ge [sflag:s15], $0x2710  }
0x19: {  	[sflag:s15] =	ssyncset.done $0x0  }
0x1a: {  	[sflag:s15] =	ssyncadd.s32 $0xFFFFD8F0  }
0x1b: {  	[tilespmem:s16], [sflag:$0x3] =	stream.linear.gather [hbm4b:s7+s3], $0x80, $0x38;
	[tilespmem:$0x1F100] =	vst v63  }
0x1c: {  	s11 =	rddreg [dreg:$0x4]  }
0x1d: {  	[tilespmem:s18], [sflag:$0x1] =	stream.indirect.gather [hbm4b:s4+s17], $0x80, s3, s17, $0xb8;
	[tilespmem:$0x1F100] =	vst v63  }
0x1e: {  	[spmem:s20], [sflag:s19] =	dma.local [hbm:s11], $0x2800  }
0x1f: {  	_ =	swait.ge [sflag:s15], $0x2800  }
0x20: {  	[sflag:s15] =	ssyncset.done $0x0  }
0x21: {  	[sflag:s15] =	ssyncadd.s32 $0xFFFFD800  }
0x22: {  	s8 =	sadd.s32 $0x0, s14;
	[bflag:$0x0] =	sbarrier.arrive $0xFFFF  }
0x23: {  	[tilespmem:s21], [sflag:$0x4] =	stream.linear.gather [hbm4b:s8+s3], $0x80, $0x38;
	[tilespmem:$0x1F100] =	vst v63  }
0x24: {  	s9 =	simm.s32 $0x80  }
0x25: {  	[tilespmem:s22], [sflag:$0x2] =	stream.indirect.gather [hbm4b:s4+s17], $0x80, s9, s17, $0xb8;
	[tilespmem:$0x1F100] =	vst v63  }
0x26: {  	_ =	swait.ge [sflag:s23], $0x4000  }
0x27: {  	[sflag:s23] =	ssyncset.done $0x0  }
0x28: {  	[sflag:s23] =	ssyncadd.s32 $0xFFFFC000  }
0x29: {  	_ =	swait.ge [sflag:s24], $0x80  }
0x2a: {  	[sflag:s24] =	ssyncset.done $0x0  }
0x2b: {  	[sflag:s24] =	ssyncadd.s32 $0xFFFFFF80  }
0x2c: {  	[spmem:s2] =	stream.indirect.scatter.add.f32 [tilespmem:s18], [sflag:$0x6], $0x80, s16, s17, $0xb8;
	[tilespmem:$0x1F100] =	vst v63  }
0x2d: {  	_ =	swait.ge [sflag:s15], $0x4000  }
0x2e: {  	s10 =	sshrl.u32 s13, $0x3;
	[sflag:s15] =	ssyncset.done $0x0  }
0x2f: {  	s6 =	sadd.s32 s5, s10;
	[sflag:s15] =	ssyncadd.s32 $0xFFFFC000  }
0x30: {  	[tilespmem:s16], [sflag:$0x3] =	stream.linear.gather [hbm4b:s6+s3], $0x80, $0x38;
	[tilespmem:$0x1F100] =	vst v63  }
0x31: {  	s11 =	simm.s32 $0x100  }
0x32: {  	[tilespmem:s18], [sflag:$0x1] =	stream.indirect.gather [hbm4b:s4+s17], $0x80, s11, s17, $0xb8;
	[tilespmem:$0x1F100] =	vst v63  }
0x33: {  	_ =	swait.ge [sflag:s25], $0x4000  }
0x34: {  	[sflag:s25] =	ssyncset.done $0x0  }
0x35: {  	[sflag:s25] =	ssyncadd.s32 $0xFFFFC000  }
0x36: {  	_ =	swait.ge [sflag:s26], $0x80  }
0x37: {  	[sflag:s26] =	ssyncset.done $0x0  }
0x38: {  	[sflag:s26] =	ssyncadd.s32 $0xFFFFFF80  }
0x39: {  	[spmem:s2] =	stream.indirect.scatter.add.f32 [tilespmem:s22], [sflag:$0x6], $0x80, s21, s17, $0xb8;
	[tilespmem:$0x1F100] =	vst v63  }
0x3a: {  	s31 =	simm.s32 $0x200;
	s8 =	simm.s32 $0x20;
	_ =	swait.ge [sflag:s15], $0x4000  }
0x3b: {  	s9 =	simm.s32 $0x40;
	s6 =	sadd.s32 $0x100, s13;
	[sflag:s15] =	ssyncset.done $0x0  }
.LBB2_2:
0x3c: {  	s10 =	sadd.s32 s8, s14  }
0x3d: {  	[sflag:s15] =	ssyncadd.s32 $0xFFFFC000;
	s8 =	smov.u32 s9;
	s11 =	sadd.s32 $0x20, s9  }
0x3e: {  	[tilespmem:s21], [sflag:$0x4] =	stream.linear.gather [hbm4b:s10+s3], $0x80, $0x38;
	[tilespmem:$0x1F100] =	vst v63  }
0x3f: {  	p0 =	sne.s32 s9, $0x4A0;
	s9 =	sadd.s32 $0xFFFFFF80, s31  }
0x40: {  	[tilespmem:s22], [sflag:$0x2] =	stream.indirect.gather [hbm4b:s4+s17], $0x80, s9, s17, $0xb8;
	[tilespmem:$0x1F100] =	vst v63  }
0x41: {  	_ =	swait.ge [sflag:s23], $0x4000  }
0x42: {  	[sflag:s23] =	ssyncset.done $0x0  }
0x43: {  	[sflag:s23] =	ssyncadd.s32 $0xFFFFC000  }
0x44: {  	_ =	swait.ge [sflag:s24], $0x80  }
0x45: {  	[sflag:s24] =	ssyncset.done $0x0  }
0x46: {  	[sflag:s24] =	ssyncadd.s32 $0xFFFFFF80  }
0x47: {  	[spmem:s2] =	stream.indirect.scatter.add.f32 [tilespmem:s18], [sflag:$0x6], $0x80, s16, s17, $0xb8;
	[tilespmem:$0x1F100] =	vst v63  }
0x48: {  	_ =	swait.ge [sflag:s15], $0x4000  }
0x49: {  	s9 =	sshrl.u32 s6, $0x3;
	[sflag:s15] =	ssyncset.done $0x0  }
0x4a: {  	s9 =	sadd.s32 s5, s9;
	[sflag:s15] =	ssyncadd.s32 $0xFFFFC000  }
0x4b: {  	[tilespmem:s16], [sflag:$0x3] =	stream.linear.gather [hbm4b:s9+s3], $0x80, $0x38;
	[tilespmem:$0x1F100] =	vst v63  }
0x4c: {  	_ = 	snop  }
0x4d: {  	[tilespmem:s18], [sflag:$0x1] =	stream.indirect.gather [hbm4b:s4+s17], $0x80, s31, s17, $0xb8;
	[tilespmem:$0x1F100] =	vst v63  }
0x4e: {  	_ =	swait.ge [sflag:s25], $0x4000  }
0x4f: {  	[sflag:s25] =	ssyncset.done $0x0  }
0x50: {  	[sflag:s25] =	ssyncadd.s32 $0xFFFFC000  }
0x51: {  	_ =	swait.ge [sflag:s26], $0x80  }
.Ltmp0:
0x52: {  	[sflag:s26] =	ssyncset.done $0x0;
	(pc) =	sbr.rel @p0 .LBB2_2-.Ltmp0, $4  }
0x53: {  	[sflag:s26] =	ssyncadd.s32 $0xFFFFFF80  }
0x54: {  	[spmem:s2] =	stream.indirect.scatter.add.f32 [tilespmem:s22], [sflag:$0x6], $0x80, s21, s17, $0xb8;
	[tilespmem:$0x1F100] =	vst v63  }
0x55: {  	s6 =	sadd.s32 $0x100, s6;
	_ =	swait.ge [sflag:s15], $0x4000  }
0x56: {  	s9 =	smov.u32 s11;
	s31 =	sadd.s32 $0x100, s31;
	[sflag:s15] =	ssyncset.done $0x0  }
0x57: {  	s8 =	sadd.s32 s8, s14;
	[sflag:s15] =	ssyncadd.s32 $0xFFFFC000  }
0x58: {  	[tilespmem:s21], [sflag:$0x4] =	stream.linear.gather [hbm4b:s8+s3], $0x80, $0x38;
	[tilespmem:$0x1F100] =	vst v63  }
0x59: {  	s11 =	sadd.s32 $0xFFFFFF80, s31  }
0x5a: {  	[tilespmem:s22], [sflag:$0x2] =	stream.indirect.gather [hbm4b:s4+s17], $0x80, s11, s17, $0xb8;
	[tilespmem:$0x1F100] =	vst v63  }
0x5b: {  	_ =	swait.ge [sflag:s23], $0x4000  }
0x5c: {  	[sflag:s23] =	ssyncset.done $0x0  }
0x5d: {  	[sflag:s23] =	ssyncadd.s32 $0xFFFFC000  }
0x5e: {  	_ =	swait.ge [sflag:s24], $0x80  }
0x5f: {  	[sflag:s24] =	ssyncset.done $0x0  }
0x60: {  	[sflag:s24] =	ssyncadd.s32 $0xFFFFFF80  }
0x61: {  	[spmem:s2] =	stream.indirect.scatter.add.f32 [tilespmem:s18], [sflag:$0x6], $0x80, s16, s17, $0xb8;
	[tilespmem:$0x1F100] =	vst v63  }
0x62: {  	_ =	swait.ge [sflag:s15], $0x4000  }
0x63: {  	s6 =	sshrl.u32 s6, $0x3;
	[sflag:s15] =	ssyncset.done $0x0  }
0x64: {  	s6 =	sadd.s32 s5, s6;
	[sflag:s15] =	ssyncadd.s32 $0xFFFFC000  }
0x65: {  	[tilespmem:s16], [sflag:$0x3] =	stream.linear.gather [hbm4b:s6+s3], $0x80, $0x38;
	[tilespmem:$0x1F100] =	vst v63  }
0x66: {  	_ = 	snop  }
0x67: {  	[tilespmem:s18], [sflag:$0x1] =	stream.indirect.gather [hbm4b:s4+s17], $0x80, s31, s17, $0xb8;
	[tilespmem:$0x1F100] =	vst v63  }
0x68: {  	_ =	swait.ge [sflag:s25], $0x4000  }
0x69: {  	[sflag:s25] =	ssyncset.done $0x0  }
0x6a: {  	[sflag:s25] =	ssyncadd.s32 $0xFFFFC000  }
0x6b: {  	_ =	swait.ge [sflag:s26], $0x80  }
0x6c: {  	[sflag:s26] =	ssyncset.done $0x0  }
0x6d: {  	[sflag:s26] =	ssyncadd.s32 $0xFFFFFF80  }
0x6e: {  	[spmem:s2] =	stream.indirect.scatter.add.f32 [tilespmem:s22], [sflag:$0x6], $0x80, s21, s17, $0xb8;
	[tilespmem:$0x1F100] =	vst v63  }
0x6f: {  	_ =	swait.ge [sflag:s15], $0x4000  }
0x70: {  	[sflag:s15] =	ssyncset.done $0x0  }
0x71: {  	s8 =	rddreg [dreg:$0x5];
	[sflag:s15] =	ssyncadd.s32 $0xFFFFC000  }
0x72: {  	[tilespmem:s21], [sflag:$0x4] =	stream.linear.gather [hbm4b:s8+s3], $0x80, $0x38;
	[tilespmem:$0x1F100] =	vst v63  }
0x73: {  	s9 =	simm.s32 $0x2680  }
0x74: {  	[tilespmem:s22], [sflag:$0x2] =	stream.indirect.gather [hbm4b:s4+s17], $0x80, s9, s17, $0xb8;
	[tilespmem:$0x1F100] =	vst v63  }
0x75: {  	_ =	swait.ge [sflag:s23], $0x4000  }
0x76: {  	[sflag:s23] =	ssyncset.done $0x0  }
0x77: {  	[sflag:s23] =	ssyncadd.s32 $0xFFFFC000  }
0x78: {  	_ =	swait.ge [sflag:s24], $0x80  }
0x79: {  	[sflag:s24] =	ssyncset.done $0x0  }
0x7a: {  	[sflag:s24] =	ssyncadd.s32 $0xFFFFFF80  }
0x7b: {  	[spmem:s2] =	stream.indirect.scatter.add.f32 [tilespmem:s18], [sflag:$0x6], $0x80, s16, s17, $0xb8;
	[tilespmem:$0x1F100] =	vst v63  }
0x7c: {  	_ =	swait.ge [sflag:s15], $0x4000  }
0x7d: {  	[sflag:s15] =	ssyncset.done $0x0  }
0x7e: {  	s10 =	rddreg [dreg:$0x6];
	[sflag:s15] =	ssyncadd.s32 $0xFFFFC000  }
0x7f: {  	[tilespmem:s29], [sflag:$0x5] =	stream.linear.gather [hbm4b:s10+s3], $0x10, $0x38;
	[tilespmem:$0x1F100] =	vst v63  }
0x80: {  	s11 =	simm.s32 $0x2700  }
0x81: {  	[tilespmem:s1], [sflag:$0x5] =	stream.indirect.gather [hbm4b:s4+s30], $0x80, s11, s30, $0xb8;
	[tilespmem:$0x1F100] =	vst v63  }
0x82: {  	_ =	swait.ge [sflag:s25], $0x4000  }
0x83: {  	[sflag:s25] =	ssyncset.done $0x0  }
0x84: {  	[sflag:s25] =	ssyncadd.s32 $0xFFFFC000  }
0x85: {  	_ =	swait.ge [sflag:s26], $0x80  }
0x86: {  	[sflag:s26] =	ssyncset.done $0x0  }
0x87: {  	[sflag:s26] =	ssyncadd.s32 $0xFFFFFF80  }
0x88: {  	[spmem:s2] =	stream.indirect.scatter.add.f32 [tilespmem:s22], [sflag:$0x6], $0x80, s21, s17, $0xb8;
	[tilespmem:$0x1F100] =	vst v63  }
0x89: {  	_ =	swait.ge [sflag:s15], $0x4000  }
0x8a: {  	[sflag:s15] =	ssyncset.done $0x0  }
0x8b: {  	[sflag:s15] =	ssyncadd.s32 $0xFFFFC000  }
0x8c: {  	_ =	swait.ge [sflag:s0], $0x10  }
0x8d: {  	[sflag:s0] =	ssyncset.done $0x0  }
0x8e: {  	[sflag:s0] =	ssyncadd.s32 $0xFFFFFFF0  }
0x8f: {  	_ =	swait.ge [sflag:s0], $0x800  }
0x90: {  	[sflag:s0] =	ssyncset.done $0x0  }
0x91: {  	[sflag:s0] =	ssyncadd.s32 $0xFFFFF800  }
0x92: {  	[spmem:s2] =	stream.indirect.scatter.add.f32 [tilespmem:s1], [sflag:$0x6], $0x80, s29, s30, $0xb8;
	[tilespmem:$0x1F100] =	vst v63  }
0x93: {  	_ =	swait.ge [sflag:s15], $0x800  }
0x94: {  	[sflag:s15] =	ssyncset.done $0x0  }
0x95: {  	s28 =	sadd.s32 $0x1, s28;
	[sflag:s15] =	ssyncadd.s32 $0xFFFFF800  }
0x96: {  	p0 =	sne.s32 s28, s12;
	[bflag:$0x0] =	sbarrier.arrive $0xFFFF  }
.Ltmp1:
0x97: {  	s31 =	rddreg [dreg:$0x7];
	(pc) =	sbr.rel @p0 .LBB2_1-.Ltmp1, $4  }
0x98: {  	[hbm:s31], [sflag:s19] =	dma.local [spmem:s20], $0x2800  }
0x99: {  	_ =	swait.ge [sflag:s15], $0x2800  }
0x9a: {  	[sflag:s15] =	ssyncset.done $0x0  }
0x9b: {  	[sflag:s15] =	ssyncadd.s32 $0xFFFFD800  }
0x9c: {  	_ =	sfence.sel $0x180000  }
0x9d: {  	[bflag:$0x0] =	sbarrier.arrive $0xFFFF  }
0x9e: {  	_ =	strace $0x9000004A  }
0x9f: {  	s0 =	stileid.u32;
	[bflag:$0x2] =	sbarrier.arrive $0xFFFF  }
0xa0: {  	p0 =	sne.s32 s0, $0x0;
	s0 =	rddreg [dreg:$0x2]  }
0xa1: {  	s0 =	sadd.s32 @!p0 $0x100000, s0  }
0xa2: {  	[sflag:s0] =	ssyncadd.tile.s32 @!p0 $0x1;
	_ =	shalt  }
.Lfunc_end2:
_tile_overlayer_lowered:
.L_overlay_start_2:
0xa3: {  	(tag) =	ssettag $0x2  }
0xa4: {  	s0 =	rddreg [dreg:$0x0];
	s2 =	stileid.u32  }
0xa5: {  	s1 =	rddreg [dreg:$0x1];
	p0 =	sne.s32 s2, $0x0  }
0xa6: {  	s3 =	rddreg [dreg:$0x2];
	[bflag:$0x3] =	sbarrier.arrive $0xFFFF;
	s2 =	simm.s32 @!p0 $0x1C06  }
0xa7: {  	[timem:s3], [sflag:s2] =	dma.local @!p0 [hbm:s0], s1  }
0xa8: {  	s0 =	simm.s32 @!p0 $0x6  }
0xa9: {  	_ =	swait.ge @!p0 [sflag:s0], s1  }
0xaa: {  	s1 =	ssub.s32 @!p0 $0x0, s1;
	[sflag:s0] =	ssyncset.done @!p0 $0x0  }
0xab: {  	[sflag:s0] =	ssyncadd.s32 @!p0 s1  }
0xac: {  	[bflag:$0x3] =	sbarrier.arrive $0xFFFF  }
0xad: {  	_ =	shalt  }

// kernel: kernel.18.cloned.1.call-start
scs
__scs_entry_jumppad:
0x0: {  	(pc) =	sbr.rel $0x88, $3  }
0x1: {  	(tag) =	ssettag $0x0;
	lr =	simm.s32 $0x1  }
0x2: {  	[smem:$0x3F99] =	sst lr;
	_ =	strace $0xD0000000  }
0x3: {  	_ = 	snop  }
0x4: {  	_ = 	snop  }
0x5: {  	_ = 	snop  }
0x6: {  	_ = 	snop  }
0x7: {  	_ = 	snop  }
__scs_overlays_trampoline_lowered:
0x8: {  	[smem:$0x3FA8] =	sst s0  }
0x9: {  	[smem:$0x3FA9] =	sst s1  }
0xa: {  	[smem:$0x3FAA] =	sst s2  }
0xb: {  	[smem:$0x3FAB] =	sst s3  }
0xc: {  	[smem:$0x3FAC] =	sst s4  }
0xd: {  	[smem:$0x3FAD] =	sst s5  }
0xe: {  	[smem:$0x3FAE] =	sst s6  }
0xf: {  	[smem:$0x3FAF] =	sst s7  }
0x10: {  	[smem:$0x3FB0] =	sst s8  }
0x11: {  	[smem:$0x3FB1] =	sst s9;
	s0 =	simm.s32 @!p0 $0x0  }
0x12: {  	s1 =	sld [smem:$0x3F97];
	s0 =	simm.s32 @p0 $0x1  }
0x13: {  	[smem:$0x3FB2] =	sst s0;
	s0 =	simm.s32 @!p1 $0x0  }
0x14: {  	s2 =	sld [smem:$0x3F96];
	s0 =	simm.s32 @p1 $0x1  }
0x15: {  	[smem:$0x3FB3] =	sst s0;
	s0 =	simm.s32 @!p2 $0x0  }
0x16: {  	s3 =	sld [smem:$0x3FDB];
	s0 =	simm.s32 @p2 $0x1  }
0x17: {  	s4 =	simm.s32 $0x1BF5;
	[smem:$0x3FB5] =	sst s0  }
0x18: {  	s0 =	sld [smem:$0x3F98];
	_ =	swait.ge [sflag:s4], $0x0  }
0x19: {  	s7 =	sld [smem:$0x3F99]  }
0x1a: {  	s8 =	sadd.s32 $0xFFFFE003, lr  }
0x1b: {  	s9 =	sadd.s32 $0xFFFFFEF7, lr;
	s5 =	simm.s32 $0xFFFFFFFF;
	p2 =	slt.u32 s8, $0xFFFFF086  }
0x1c: {  	p1 =	slt.u32 s9, $0xF7A;
	s5 =	simm.s32 @!p2 $0x0  }
0x1d: {  	s5 =	simm.s32 @p1 $0x1;
	p0 =	seq.s32 s7, s2  }
0x1e: {  	s7 =	smul.u32 @!p0 $0xF7A, s2;
	p2 =	seq.s32 @!p0 s5, $0x0  }
0x1f: {  	s9 =	smul.u32 $0xF7A, s1;
	s8 =	simm.s32 @!p0 $0x1BF5;
	p2 =	por !p2, p0  }
0x20: {  	[sflag:s8] =	ssyncset.s32 @!p0 $0xFFFFF086;
	s6 =	sadd.s32 @!p0 s3, s7;
	s7 =	simm.s32 @!p0 $0x108  }
0x21: {  	s3 =	sadd.s32 s3, s9;
	s6 =	sadd.s32 @!p0 $0x88, s6;
	s7 =	simm.s32 @p2 $0x1082  }
0x22: {  	[simem:s7], [sflag:s8] =	dma.local @!p0 [hbm:s6], $0xF7A  }
0x23: {  	s9 =	sor.u32 $0xD0000000, s2;
	s6 =	simm.s32 $0x108;
	_ =	swait.ge @!p0 [sflag:s8], $0x0  }
0x24: {  	s3 =	sadd.s32 $0x88, s3;
	s6 =	simm.s32 @!p1 $0x1082;
	[sflag:s4] =	ssyncset.s32 $0xFFFFF086  }
0x25: {  	[simem:s6], [sflag:s4] =	dma.local [hbm:s3], $0xF7A  }
0x26: {  	[smem:$0x3F99] =	sst s1;
	(tag) =	ssettag s2;
	_ =	strace s9  }
0x27: {  	s1 =	sld [smem:$0x3FA9]  }
0x28: {  	s2 =	sld [smem:$0x3FAA]  }
0x29: {  	s4 =	sld [smem:$0x3FAC]  }
0x2a: {  	p0 =	seq.s32 s5, $0x0;
	s5 =	sld [smem:$0x3FAD]  }
0x2b: {  	s6 =	sld [smem:$0x3FAE]  }
0x2c: {  	s7 =	sld [smem:$0x3FAF]  }
0x2d: {  	s3 =	simm.s32 $0x108;
	s8 =	sld [smem:$0x3FB0]  }
0x2e: {  	s3 =	simm.s32 @!p0 $0x1082;
	s9 =	sld [smem:$0x3FB1]  }
0x2f: {  	lr =	sadd.s32 s0, s3;
	s0 =	sld [smem:$0x3FA8]  }
0x30: {  	s3 =	sld [smem:$0x3FAB]  }
0x31: {  	[smem:$0x3FB4] =	sst s10  }
0x32: {  	s10 =	sld [smem:$0x3FB2];
	_ =	sdelay $0x3  }
0x33: {  	p0 =	seq.s32 s10, $0x1;
	s10 =	sld [smem:$0x3FB4];
	_ =	sdelay $0x3  }
0x34: {  	[smem:$0x3FB4] =	sst s10  }
0x35: {  	s10 =	sld [smem:$0x3FB3];
	_ =	sdelay $0x3  }
0x36: {  	p1 =	seq.s32 s10, $0x1;
	s10 =	sld [smem:$0x3FB4];
	_ =	sdelay $0x3  }
0x37: {  	[smem:$0x3FB4] =	sst s10  }
0x38: {  	s10 =	sld [smem:$0x3FB5]  }
0x39: {  	_ = 	snop;
	(pc) =	sbr.ind lr, $3  }
0x3a: {  	_ = 	snop  }
0x3b: {  	_ = 	snop  }
0x3c: {  	p2 =	seq.s32 s10, $0x1;
	s10 =	sld [smem:$0x3FB4]  }
0x3d: {  	_ =	shalt  }
0x3e: {  	_ =	shalt  }
0x3f: {  	_ =	shalt  }
0x40: {  	_ =	shalt  }
0x41: {  	_ =	shalt  }
0x42: {  	_ =	shalt  }
0x43: {  	_ =	shalt  }
0x44: {  	_ =	shalt  }
0x45: {  	_ =	shalt  }
0x46: {  	_ =	shalt  }
0x47: {  	_ =	shalt  }
0x48: {  	_ =	shalt  }
0x49: {  	_ =	shalt  }
0x4a: {  	_ =	shalt  }
0x4b: {  	_ =	shalt  }
0x4c: {  	_ =	shalt  }
0x4d: {  	_ =	shalt  }
0x4e: {  	_ =	shalt  }
0x4f: {  	_ =	shalt  }
0x50: {  	_ =	shalt  }
0x51: {  	_ =	shalt  }
0x52: {  	_ =	shalt  }
0x53: {  	_ =	shalt  }
0x54: {  	_ =	shalt  }
0x55: {  	_ =	shalt  }
0x56: {  	_ =	shalt  }
0x57: {  	_ =	shalt  }
0x58: {  	_ =	shalt  }
0x59: {  	_ =	shalt  }
0x5a: {  	_ =	shalt  }
0x5b: {  	_ =	shalt  }
0x5c: {  	_ =	shalt  }
0x5d: {  	_ =	shalt  }
0x5e: {  	_ =	shalt  }
0x5f: {  	_ =	shalt  }
0x60: {  	_ =	shalt  }
0x61: {  	_ =	shalt  }
0x62: {  	_ =	shalt  }
0x63: {  	_ =	shalt  }
0x64: {  	_ =	shalt  }
0x65: {  	_ =	shalt  }
0x66: {  	_ =	shalt  }
0x67: {  	_ =	shalt  }
0x68: {  	_ =	shalt  }
0x69: {  	_ =	shalt  }
0x6a: {  	_ =	shalt  }
0x6b: {  	_ =	shalt  }
0x6c: {  	_ =	shalt  }
0x6d: {  	_ =	shalt  }
0x6e: {  	_ =	shalt  }
0x6f: {  	_ =	shalt  }
0x70: {  	_ =	shalt  }
0x71: {  	_ =	shalt  }
0x72: {  	_ =	shalt  }
0x73: {  	_ =	shalt  }
0x74: {  	_ =	shalt  }
0x75: {  	_ =	shalt  }
0x76: {  	_ =	shalt  }
0x77: {  	_ =	shalt  }
0x78: {  	_ =	shalt  }
0x79: {  	_ =	shalt  }
0x7a: {  	_ =	shalt  }
0x7b: {  	_ =	shalt  }
0x7c: {  	_ =	shalt  }
0x7d: {  	_ =	shalt  }
0x7e: {  	_ =	shalt  }
0x7f: {  	_ =	shalt  }
0x80: {  	_ =	shalt  }
0x81: {  	_ =	shalt  }
0x82: {  	_ =	shalt  }
0x83: {  	_ =	shalt  }
0x84: {  	_ =	shalt  }
0x85: {  	_ =	shalt  }
0x86: {  	_ =	shalt  }
0x87: {  	_ =	shalt  }
.Lfunc_end0:
.L_simem_size_0:
called_computation.2_lowered:
.L_overlay_start_0:
0x88: {  	s2 =	sld [smem:$0x3FD9]  }
0x89: {  	s3 =	sld [smem:$0x3FFE];
	_ =	sdelay $0x1  }
0x8a: {  	s1 =	srdreg.scid  }
0x8b: {  	s0 =	sand.u32 $0x1, s1  }
0x8c: {  	s16 =	sshll.u32 s0, $0xA;
	s2 =	sadd.s32 s3, s2  }
0x8d: {  	s2 =	sadd.s32 s2, s16  }
0x8e: {  	[smem:$0x3FC0] =	sst s2  }
0x8f: {  	_ = 	snop  }
0x90: {  	(tm) =	ssettm $0x1  }
0x91: {  	s17 =	sld [smem:$0x3FFB];
	_ =	sdelay $0x3  }
0x92: {  	_ =	strace s17  }
0x93: {  	s2 =	sld [smem:$0x3FFC];
	_ =	sdelay $0x3  }
0x94: {  	_ =	strace s2  }
0x95: {  	s2 =	sld [smem:$0x3FFD];
	_ =	sdelay $0x3  }
0x96: {  	_ =	strace s2  }
0x97: {  	_ =	strace $0x8FFFFFFF  }
0x98: {  	s18 =	sld [smem:$0x3FDB];
	_ =	sdelay $0x1  }
0x99: {  	s19 =	simm.s32 $_scs_section_size  }
0x9a: {  	s4 =	simm.s32 $_size__tile_overlayer_lowered;
	s5 =	simm.s32 $_tile_overlayer_lowered  }
0x9b: {  	s22 =	simm.s32 $0x1BFF;
	s21 =	sshll.u32 s5, $0x1;
	s2 =	sadd.s32 s19, s18  }
0x9c: {  	s6 =	simm.s32 $0x0;
	s20 =	sshll.u32 s4, $0x1;
	s4 =	sadd.s32 s21, s2  }
0x9d: {  	[timem:s6], [sflag:s22] =	dma.local [hbm:s4], s20  }
0x9e: {  	_ =	swait.ge [sflag:s22], s20  }
0x9f: {  	s3 =	ssub.s32 $0x0, s20;
	[sflag:s22] =	ssyncset.done $0x0  }
0xa0: {  	[sflag:s22] =	ssyncadd.s32 s3;
	_ =	sdelay $0x1  }
0xa1: {  	s23 =	simm.s32 $0x1B8B  }
0xa2: {  	_ =	swait.ge [sflag:s23], $0x1  }
0xa3: {  	[sflag:s23] =	ssyncset.done $0x0  }
0xa4: {  	s25 =	simm.s32 $0x1B8E;
	s24 =	sld [smem:$0x3FFE];
	[sflag:s23] =	ssyncadd.s32 $0xFFFFFFFF  }
0xa5: {  	s26 =	simm.s32 $execute0_lowered;
	[smem:$0x3FD2] =	sst s25  }
0xa6: {  	s4 =	sshll.u32 s26, $0x1;
	_ =	strace $0x8000004C;
	[dreg:$0x1] =	wrdreg $0xFFFFFFFF  }
0xa7: {  	s28 =	simm.s32 $_size_execute0_lowered;
	s2 =	sadd.s32 s2, s4;
	[dreg:$0x0] =	wrdreg $0x0  }
0xa8: {  	s4 =	sshll.u32 s28, $0x1;
	[dreg:$0x2] =	wrdreg s2  }
0xa9: {  	[dreg:$0x3] =	wrdreg s4  }
0xaa: {  	[dreg:$0x4] =	wrdreg $0xC0  }
0xab: {  	_ =	task [dreg:s6], $0x5FFFF  }
0xac: {  	[dreg:$0x1] =	wrdreg $0xFFFFFFFF  }
0xad: {  	[dreg:$0x0] =	wrdreg $0x60  }
0xae: {  	[dreg:$0x2] =	wrdreg s24  }
0xaf: {  	[dreg:$0x3] =	wrdreg $0xB1000  }
0xb0: {  	[dreg:$0x4] =	wrdreg $0x9  }
0xb1: {  	_ =	task.clear_ibuf [dreg:s6], $0x5FFFF;
	_ =	strace $0x9000004C  }
0xb2: {  	s29 =	simm.s32 $0x9;
	_ =	strace $0x8000004E  }
0xb3: {  	_ =	swait.ge [sflag:s29], $0x1  }
0xb4: {  	[sflag:s29] =	ssyncadd.s32 $0xFFFFFFFF  }
0xb5: {  	_ =	strace $0x9000004E  }
0xb6: {  	_ =	sfence  }
0xb7: {  	s30 =	sld [smem:$0x0];
	_ =	sdelay $0x2  }
0xb8: {  	s31 =	sshll.u32 s1, $0xD;
	s1 =	sshrl.u32 s1, $0x2  }
0xb9: {  	s3 =	sand.u32 $0x4000, s31;
	s1 =	sadd.s32 s1, s30  }
0xba: {  	s0 =	sor.u32 s3, s0;
	s1 =	sshll.u32 s1, $0x11  }
0xbb: {  	s0 =	sor.u32 s1, s0  }
0xbc: {  	s0 =	sadd.s32 $0x8F2B, s0  }
0xbd: {  	[sflag:s0] =	ssyncadd.remote.s32 $0x1  }
0xbe: {  	_ =	sfence.sel $0xFFFF  }
0xbf: {  	[dreg:$0x0] =	wrdreg $0xFFFFFFFF;
	(pc) =	sbr.abs _section_cstart, $3  }
0xc0: {  	[dreg:$0x1] =	wrdreg $0xFFFFFFFF  }
0xc1: {  	_ =	task.clear_ibuf [dreg:s6], $0x2FFFF;
	_ =	strace $0x9FFFFFFF  }
0xc2: {  	(tm) =	ssettm $0x7FFFFFFF  }
0xc3: {  	_ =	shalt  }
tec
execute0_lowered:
.L_overlay_start_1:
0x0: {  	(tag) =	ssettag $0x1  }
0x1: {  	s0 =	srdreg.scid;
	s1 =	rddreg [dreg:$0x0]  }
0x2: {  	s19 =	stileid.u32;
	s2 =	rddreg [dreg:$0x1];
	s3 =	simm.s32 $0x0  }
0x3: {  	s15 =	simm.s32 $0x6;
	s16 =	simm.s32 $0x2780;
	s5 =	smul.u32 $0x2710, s19  }
0x4: {  	s17 =	simm.s32 $0x80;
	s29 =	simm.s32 $0x2880;
	s7 =	smul.u32 $0x14000, s19  }
0x5: {  	s30 =	simm.s32 $0x10;
	s0 =	sand.u32 $0x1, s0;
	s12 =	smul.u32 $0x50000, s19  }
0x6: {  	s28 =	simm.s32 $0x0;
	[smem:$0x7FF] =	sst s3;
	s4 =	smul.u32 $0x27100, s0  }
0x7: {  	s31 =	sshll.u32 s19, $0x6;
	_ =	strace $0x8000004D;
	s9 =	smul.u32 $0x140000, s0  }
0x8: {  	s0 =	ssub.s32 $0x2, s0;
	s19 =	sor.u32 $0x1C06, s31;
	s11 =	sshrl.u32 s7, $0x3  }
0x9: {  	s18 =	sshrl.u32 s0, $0x1;
	s21 =	sshrl.u32 s12, $0x2;
	s6 =	sadd.s32 s5, s4  }
0xa: {  	s4 =	sadd.s32 $0x69400, s1;
	s5 =	sadd.s32 $0x3E00, s1;
	s7 =	sadd.s32 s7, s9  }
0xb: {  	s11 =	sadd.s32 s11, s1;
	s0 =	ssub.s32 s0, s18;
	s18 =	simm.s32 $0x2900  }
0xc: {  	s8 =	sshrl.u32 s6, $0x3;
	s7 =	sshrl.u32 s7, $0x3;
	s22 =	sadd.s32 $0x90600, s11  }
0xd: {  	s25 =	sadd.s32 $0x80, s6;
	s12 =	smax.u32 s0, $0x1;
	s13 =	sadd.s32 $0x100, s6  }
0xe: {  	s0 =	simm.s32 $0x5;
	s10 =	sadd.s32 s8, s1;
	s1 =	sadd.s32 s7, s1  }
0xf: {  	s7 =	sadd.s32 s5, s8;
	s8 =	sadd.s32 s21, s2;
	[dreg:$0x4] =	wrdreg s22  }
0x10: {  	s26 =	sshrl.u32 s25, $0x3;
	s21 =	simm.s32 $0x2800;
	s20 =	sadd.s32 $0xDC00, s10  }
0x11: {  	s22 =	simm.s32 $0x6900;
	s23 =	sadd.s32 $0x4D0, s7;
	[dreg:$0x3] =	wrdreg s20  }
0x12: {  	s25 =	simm.s32 $0x2;
	s24 =	sadd.s32 $0x4E0, s7;
	[dreg:$0x5] =	wrdreg s23  }
0x13: {  	s1 =	sadd.s32 $0xB8600, s1;
	s14 =	sadd.s32 s26, s5;
	[dreg:$0x6] =	wrdreg s24  }
0x14: {  	s26 =	simm.s32 $0x4;
	[dreg:$0x7] =	wrdreg s1;
	s20 =	sshrl.u32 s8, $0x3  }
0x15: {  	s23 =	simm.s32 $0x1;
	s24 =	simm.s32 $0x3;
	s1 =	simm.s32 $0xA900  }
.LBB2_1:
0x16: {  	s6 =	rddreg [dreg:$0x3]  }
0x17: {  	[tilespmem:s3], [sflag:$0x6] =	stream.linear.gather [hbm4b:s6+s3], $0x2710, $0x38;
	[tilespmem:$0x1F100] =	vst v63  }
0x18: {  	_ =	swait.ge [sflag:s15], $0x2710  }
0x19: {  	[sflag:s15] =	ssyncset.done $0x0  }
0x1a: {  	[sflag:s15] =	ssyncadd.s32 $0xFFFFD8F0  }
0x1b: {  	[tilespmem:s16], [sflag:$0x3] =	stream.linear.gather [hbm4b:s7+s3], $0x80, $0x38;
	[tilespmem:$0x1F100] =	vst v63  }
0x1c: {  	s11 =	rddreg [dreg:$0x4]  }
0x1d: {  	[tilespmem:s18], [sflag:$0x1] =	stream.indirect.gather [hbm4b:s4+s17], $0x80, s3, s17, $0xb8;
	[tilespmem:$0x1F100] =	vst v63  }
0x1e: {  	[spmem:s20], [sflag:s19] =	dma.local [hbm:s11], $0x2800  }
0x1f: {  	_ =	swait.ge [sflag:s15], $0x2800  }
0x20: {  	[sflag:s15] =	ssyncset.done $0x0  }
0x21: {  	[sflag:s15] =	ssyncadd.s32 $0xFFFFD800  }
0x22: {  	s8 =	sadd.s32 $0x0, s14;
	[bflag:$0x0] =	sbarrier.arrive $0xFFFF  }
0x23: {  	[tilespmem:s21], [sflag:$0x4] =	stream.linear.gather [hbm4b:s8+s3], $0x80, $0x38;
	[tilespmem:$0x1F100] =	vst v63  }
0x24: {  	s9 =	simm.s32 $0x80  }
0x25: {  	[tilespmem:s22], [sflag:$0x2] =	stream.indirect.gather [hbm4b:s4+s17], $0x80, s9, s17, $0xb8;
	[tilespmem:$0x1F100] =	vst v63  }
0x26: {  	_ =	swait.ge [sflag:s23], $0x4000  }
0x27: {  	[sflag:s23] =	ssyncset.done $0x0  }
0x28: {  	[sflag:s23] =	ssyncadd.s32 $0xFFFFC000  }
0x29: {  	_ =	swait.ge [sflag:s24], $0x80  }
0x2a: {  	[sflag:s24] =	ssyncset.done $0x0  }
0x2b: {  	[sflag:s24] =	ssyncadd.s32 $0xFFFFFF80  }
0x2c: {  	[spmem:s2] =	stream.indirect.scatter.add.f32 [tilespmem:s18], [sflag:$0x6], $0x80, s16, s17, $0xb8;
	[tilespmem:$0x1F100] =	vst v63  }
0x2d: {  	_ =	swait.ge [sflag:s15], $0x4000  }
0x2e: {  	s10 =	sshrl.u32 s13, $0x3;
	[sflag:s15] =	ssyncset.done $0x0  }
0x2f: {  	s6 =	sadd.s32 s5, s10;
	[sflag:s15] =	ssyncadd.s32 $0xFFFFC000  }
0x30: {  	[tilespmem:s16], [sflag:$0x3] =	stream.linear.gather [hbm4b:s6+s3], $0x80, $0x38;
	[tilespmem:$0x1F100] =	vst v63  }
0x31: {  	s11 =	simm.s32 $0x100  }
0x32: {  	[tilespmem:s18], [sflag:$0x1] =	stream.indirect.gather [hbm4b:s4+s17], $0x80, s11, s17, $0xb8;
	[tilespmem:$0x1F100] =	vst v63  }
0x33: {  	_ =	swait.ge [sflag:s25], $0x4000  }
0x34: {  	[sflag:s25] =	ssyncset.done $0x0  }
0x35: {  	[sflag:s25] =	ssyncadd.s32 $0xFFFFC000  }
0x36: {  	_ =	swait.ge [sflag:s26], $0x80  }
0x37: {  	[sflag:s26] =	ssyncset.done $0x0  }
0x38: {  	[sflag:s26] =	ssyncadd.s32 $0xFFFFFF80  }
0x39: {  	[spmem:s2] =	stream.indirect.scatter.add.f32 [tilespmem:s22], [sflag:$0x6], $0x80, s21, s17, $0xb8;
	[tilespmem:$0x1F100] =	vst v63  }
0x3a: {  	s31 =	simm.s32 $0x200;
	s8 =	simm.s32 $0x20;
	_ =	swait.ge [sflag:s15], $0x4000  }
0x3b: {  	s9 =	simm.s32 $0x40;
	s6 =	sadd.s32 $0x100, s13;
	[sflag:s15] =	ssyncset.done $0x0  }
.LBB2_2:
0x3c: {  	s10 =	sadd.s32 s8, s14  }
0x3d: {  	[sflag:s15] =	ssyncadd.s32 $0xFFFFC000;
	s8 =	smov.u32 s9;
	s11 =	sadd.s32 $0x20, s9  }
0x3e: {  	[tilespmem:s21], [sflag:$0x4] =	stream.linear.gather [hbm4b:s10+s3], $0x80, $0x38;
	[tilespmem:$0x1F100] =	vst v63  }
0x3f: {  	p0 =	sne.s32 s9, $0x4A0;
	s9 =	sadd.s32 $0xFFFFFF80, s31  }
0x40: {  	[tilespmem:s22], [sflag:$0x2] =	stream.indirect.gather [hbm4b:s4+s17], $0x80, s9, s17, $0xb8;
	[tilespmem:$0x1F100] =	vst v63  }
0x41: {  	_ =	swait.ge [sflag:s23], $0x4000  }
0x42: {  	[sflag:s23] =	ssyncset.done $0x0  }
0x43: {  	[sflag:s23] =	ssyncadd.s32 $0xFFFFC000  }
0x44: {  	_ =	swait.ge [sflag:s24], $0x80  }
0x45: {  	[sflag:s24] =	ssyncset.done $0x0  }
0x46: {  	[sflag:s24] =	ssyncadd.s32 $0xFFFFFF80  }
0x47: {  	[spmem:s2] =	stream.indirect.scatter.add.f32 [tilespmem:s18], [sflag:$0x6], $0x80, s16, s17, $0xb8;
	[tilespmem:$0x1F100] =	vst v63  }
0x48: {  	_ =	swait.ge [sflag:s15], $0x4000  }
0x49: {  	s9 =	sshrl.u32 s6, $0x3;
	[sflag:s15] =	ssyncset.done $0x0  }
0x4a: {  	s9 =	sadd.s32 s5, s9;
	[sflag:s15] =	ssyncadd.s32 $0xFFFFC000  }
0x4b: {  	[tilespmem:s16], [sflag:$0x3] =	stream.linear.gather [hbm4b:s9+s3], $0x80, $0x38;
	[tilespmem:$0x1F100] =	vst v63  }
0x4c: {  	_ = 	snop  }
0x4d: {  	[tilespmem:s18], [sflag:$0x1] =	stream.indirect.gather [hbm4b:s4+s17], $0x80, s31, s17, $0xb8;
	[tilespmem:$0x1F100] =	vst v63  }
0x4e: {  	_ =	swait.ge [sflag:s25], $0x4000  }
0x4f: {  	[sflag:s25] =	ssyncset.done $0x0  }
0x50: {  	[sflag:s25] =	ssyncadd.s32 $0xFFFFC000  }
0x51: {  	_ =	swait.ge [sflag:s26], $0x80  }
.Ltmp0:
0x52: {  	[sflag:s26] =	ssyncset.done $0x0;
	(pc) =	sbr.rel @p0 .LBB2_2-.Ltmp0, $4  }
0x53: {  	[sflag:s26] =	ssyncadd.s32 $0xFFFFFF80  }
0x54: {  	[spmem:s2] =	stream.indirect.scatter.add.f32 [tilespmem:s22], [sflag:$0x6], $0x80, s21, s17, $0xb8;
	[tilespmem:$0x1F100] =	vst v63  }
0x55: {  	s6 =	sadd.s32 $0x100, s6;
	_ =	swait.ge [sflag:s15], $0x4000  }
0x56: {  	s9 =	smov.u32 s11;
	s31 =	sadd.s32 $0x100, s31;
	[sflag:s15] =	ssyncset.done $0x0  }
0x57: {  	s8 =	sadd.s32 s8, s14;
	[sflag:s15] =	ssyncadd.s32 $0xFFFFC000  }
0x58: {  	[tilespmem:s21], [sflag:$0x4] =	stream.linear.gather [hbm4b:s8+s3], $0x80, $0x38;
	[tilespmem:$0x1F100] =	vst v63  }
0x59: {  	s11 =	sadd.s32 $0xFFFFFF80, s31  }
0x5a: {  	[tilespmem:s22], [sflag:$0x2] =	stream.indirect.gather [hbm4b:s4+s17], $0x80, s11, s17, $0xb8;
	[tilespmem:$0x1F100] =	vst v63  }
0x5b: {  	_ =	swait.ge [sflag:s23], $0x4000  }
0x5c: {  	[sflag:s23] =	ssyncset.done $0x0  }
0x5d: {  	[sflag:s23] =	ssyncadd.s32 $0xFFFFC000  }
0x5e: {  	_ =	swait.ge [sflag:s24], $0x80  }
0x5f: {  	[sflag:s24] =	ssyncset.done $0x0  }
0x60: {  	[sflag:s24] =	ssyncadd.s32 $0xFFFFFF80  }
0x61: {  	[spmem:s2] =	stream.indirect.scatter.add.f32 [tilespmem:s18], [sflag:$0x6], $0x80, s16, s17, $0xb8;
	[tilespmem:$0x1F100] =	vst v63  }
0x62: {  	_ =	swait.ge [sflag:s15], $0x4000  }
0x63: {  	s6 =	sshrl.u32 s6, $0x3;
	[sflag:s15] =	ssyncset.done $0x0  }
0x64: {  	s6 =	sadd.s32 s5, s6;
	[sflag:s15] =	ssyncadd.s32 $0xFFFFC000  }
0x65: {  	[tilespmem:s16], [sflag:$0x3] =	stream.linear.gather [hbm4b:s6+s3], $0x80, $0x38;
	[tilespmem:$0x1F100] =	vst v63  }
0x66: {  	_ = 	snop  }
0x67: {  	[tilespmem:s18], [sflag:$0x1] =	stream.indirect.gather [hbm4b:s4+s17], $0x80, s31, s17, $0xb8;
	[tilespmem:$0x1F100] =	vst v63  }
0x68: {  	_ =	swait.ge [sflag:s25], $0x4000  }
0x69: {  	[sflag:s25] =	ssyncset.done $0x0  }
0x6a: {  	[sflag:s25] =	ssyncadd.s32 $0xFFFFC000  }
0x6b: {  	_ =	swait.ge [sflag:s26], $0x80  }
0x6c: {  	[sflag:s26] =	ssyncset.done $0x0  }
0x6d: {  	[sflag:s26] =	ssyncadd.s32 $0xFFFFFF80  }
0x6e: {  	[spmem:s2] =	stream.indirect.scatter.add.f32 [tilespmem:s22], [sflag:$0x6], $0x80, s21, s17, $0xb8;
	[tilespmem:$0x1F100] =	vst v63  }
0x6f: {  	_ =	swait.ge [sflag:s15], $0x4000  }
0x70: {  	[sflag:s15] =	ssyncset.done $0x0  }
0x71: {  	s8 =	rddreg [dreg:$0x5];
	[sflag:s15] =	ssyncadd.s32 $0xFFFFC000  }
0x72: {  	[tilespmem:s21], [sflag:$0x4] =	stream.linear.gather [hbm4b:s8+s3], $0x80, $0x38;
	[tilespmem:$0x1F100] =	vst v63  }
0x73: {  	s9 =	simm.s32 $0x2680  }
0x74: {  	[tilespmem:s22], [sflag:$0x2] =	stream.indirect.gather [hbm4b:s4+s17], $0x80, s9, s17, $0xb8;
	[tilespmem:$0x1F100] =	vst v63  }
0x75: {  	_ =	swait.ge [sflag:s23], $0x4000  }
0x76: {  	[sflag:s23] =	ssyncset.done $0x0  }
0x77: {  	[sflag:s23] =	ssyncadd.s32 $0xFFFFC000  }
0x78: {  	_ =	swait.ge [sflag:s24], $0x80  }
0x79: {  	[sflag:s24] =	ssyncset.done $0x0  }
0x7a: {  	[sflag:s24] =	ssyncadd.s32 $0xFFFFFF80  }
0x7b: {  	[spmem:s2] =	stream.indirect.scatter.add.f32 [tilespmem:s18], [sflag:$0x6], $0x80, s16, s17, $0xb8;
	[tilespmem:$0x1F100] =	vst v63  }
0x7c: {  	_ =	swait.ge [sflag:s15], $0x4000  }
0x7d: {  	[sflag:s15] =	ssyncset.done $0x0  }
0x7e: {  	s10 =	rddreg [dreg:$0x6];
	[sflag:s15] =	ssyncadd.s32 $0xFFFFC000  }
0x7f: {  	[tilespmem:s29], [sflag:$0x5] =	stream.linear.gather [hbm4b:s10+s3], $0x10, $0x38;
	[tilespmem:$0x1F100] =	vst v63  }
0x80: {  	s11 =	simm.s32 $0x2700  }
0x81: {  	[tilespmem:s1], [sflag:$0x5] =	stream.indirect.gather [hbm4b:s4+s30], $0x80, s11, s30, $0xb8;
	[tilespmem:$0x1F100] =	vst v63  }
0x82: {  	_ =	swait.ge [sflag:s25], $0x4000  }
0x83: {  	[sflag:s25] =	ssyncset.done $0x0  }
0x84: {  	[sflag:s25] =	ssyncadd.s32 $0xFFFFC000  }
0x85: {  	_ =	swait.ge [sflag:s26], $0x80  }
0x86: {  	[sflag:s26] =	ssyncset.done $0x0  }
0x87: {  	[sflag:s26] =	ssyncadd.s32 $0xFFFFFF80  }
0x88: {  	[spmem:s2] =	stream.indirect.scatter.add.f32 [tilespmem:s22], [sflag:$0x6], $0x80, s21, s17, $0xb8;
	[tilespmem:$0x1F100] =	vst v63  }
0x89: {  	_ =	swait.ge [sflag:s15], $0x4000  }
0x8a: {  	[sflag:s15] =	ssyncset.done $0x0  }
0x8b: {  	[sflag:s15] =	ssyncadd.s32 $0xFFFFC000  }
0x8c: {  	_ =	swait.ge [sflag:s0], $0x10  }
0x8d: {  	[sflag:s0] =	ssyncset.done $0x0  }
0x8e: {  	[sflag:s0] =	ssyncadd.s32 $0xFFFFFFF0  }
0x8f: {  	_ =	swait.ge [sflag:s0], $0x800  }
0x90: {  	[sflag:s0] =	ssyncset.done $0x0  }
0x91: {  	[sflag:s0] =	ssyncadd.s32 $0xFFFFF800  }
0x92: {  	[spmem:s2] =	stream.indirect.scatter.add.f32 [tilespmem:s1], [sflag:$0x6], $0x80, s29, s30, $0xb8;
	[tilespmem:$0x1F100] =	vst v63  }
0x93: {  	_ =	swait.ge [sflag:s15], $0x800  }
0x94: {  	[sflag:s15] =	ssyncset.done $0x0  }
0x95: {  	s28 =	sadd.s32 $0x1, s28;
	[sflag:s15] =	ssyncadd.s32 $0xFFFFF800  }
0x96: {  	p0 =	sne.s32 s28, s12;
	[bflag:$0x0] =	sbarrier.arrive $0xFFFF  }
.Ltmp1:
0x97: {  	s31 =	rddreg [dreg:$0x7];
	(pc) =	sbr.rel @p0 .LBB2_1-.Ltmp1, $4  }
0x98: {  	[hbm:s31], [sflag:s19] =	dma.local [spmem:s20], $0x2800  }
0x99: {  	_ =	swait.ge [sflag:s15], $0x2800  }
0x9a: {  	[sflag:s15] =	ssyncset.done $0x0  }
0x9b: {  	[sflag:s15] =	ssyncadd.s32 $0xFFFFD800  }
0x9c: {  	_ =	sfence.sel $0x180000  }
0x9d: {  	[bflag:$0x0] =	sbarrier.arrive $0xFFFF  }
0x9e: {  	_ =	strace $0x9000004D  }
0x9f: {  	s0 =	stileid.u32;
	[bflag:$0x2] =	sbarrier.arrive $0xFFFF  }
0xa0: {  	p0 =	sne.s32 s0, $0x0;
	s0 =	rddreg [dreg:$0x2]  }
0xa1: {  	s0 =	sadd.s32 @!p0 $0x100000, s0  }
0xa2: {  	[sflag:s0] =	ssyncadd.tile.s32 @!p0 $0x1;
	_ =	shalt  }
.Lfunc_end2:
_tile_overlayer_lowered:
.L_overlay_start_2:
0xa3: {  	(tag) =	ssettag $0x2  }
0xa4: {  	s0 =	rddreg [dreg:$0x0];
	s2 =	stileid.u32  }
0xa5: {  	s1 =	rddreg [dreg:$0x1];
	p0 =	sne.s32 s2, $0x0  }
0xa6: {  	s3 =	rddreg [dreg:$0x2];
	[bflag:$0x3] =	sbarrier.arrive $0xFFFF;
	s2 =	simm.s32 @!p0 $0x1C06  }
0xa7: {  	[timem:s3], [sflag:s2] =	dma.local @!p0 [hbm:s0], s1  }
0xa8: {  	s0 =	simm.s32 @!p0 $0x6  }
0xa9: {  	_ =	swait.ge @!p0 [sflag:s0], s1  }
0xaa: {  	s1 =	ssub.s32 @!p0 $0x0, s1;
	[sflag:s0] =	ssyncset.done @!p0 $0x0  }
0xab: {  	[sflag:s0] =	ssyncadd.s32 @!p0 s1  }
0xac: {  	[bflag:$0x3] =	sbarrier.arrive $0xFFFF  }
0xad: {  	_ =	shalt  }

// kernel: kernel.21.cloned.1.call-start
scs
__scs_entry_jumppad:
0x0: {  	(pc) =	sbr.rel $0x88, $3  }
0x1: {  	(tag) =	ssettag $0x0;
	lr =	simm.s32 $0x1  }
0x2: {  	[smem:$0x3F99] =	sst lr;
	_ =	strace $0xD0000000  }
0x3: {  	_ = 	snop  }
0x4: {  	_ = 	snop  }
0x5: {  	_ = 	snop  }
0x6: {  	_ = 	snop  }
0x7: {  	_ = 	snop  }
__scs_overlays_trampoline_lowered:
0x8: {  	[smem:$0x3FA8] =	sst s0  }
0x9: {  	[smem:$0x3FA9] =	sst s1  }
0xa: {  	[smem:$0x3FAA] =	sst s2  }
0xb: {  	[smem:$0x3FAB] =	sst s3  }
0xc: {  	[smem:$0x3FAC] =	sst s4  }
0xd: {  	[smem:$0x3FAD] =	sst s5  }
0xe: {  	[smem:$0x3FAE] =	sst s6  }
0xf: {  	[smem:$0x3FAF] =	sst s7  }
0x10: {  	[smem:$0x3FB0] =	sst s8  }
0x11: {  	[smem:$0x3FB1] =	sst s9;
	s0 =	simm.s32 @!p0 $0x0  }
0x12: {  	s1 =	sld [smem:$0x3F97];
	s0 =	simm.s32 @p0 $0x1  }
0x13: {  	[smem:$0x3FB2] =	sst s0;
	s0 =	simm.s32 @!p1 $0x0  }
0x14: {  	s2 =	sld [smem:$0x3F96];
	s0 =	simm.s32 @p1 $0x1  }
0x15: {  	[smem:$0x3FB3] =	sst s0;
	s0 =	simm.s32 @!p2 $0x0  }
0x16: {  	s3 =	sld [smem:$0x3FDB];
	s0 =	simm.s32 @p2 $0x1  }
0x17: {  	s4 =	simm.s32 $0x1BF5;
	[smem:$0x3FB5] =	sst s0  }
0x18: {  	s0 =	sld [smem:$0x3F98];
	_ =	swait.ge [sflag:s4], $0x0  }
0x19: {  	s7 =	sld [smem:$0x3F99]  }
0x1a: {  	s8 =	sadd.s32 $0xFFFFE003, lr  }
0x1b: {  	s9 =	sadd.s32 $0xFFFFFEF7, lr;
	s5 =	simm.s32 $0xFFFFFFFF;
	p2 =	slt.u32 s8, $0xFFFFF086  }
0x1c: {  	p1 =	slt.u32 s9, $0xF7A;
	s5 =	simm.s32 @!p2 $0x0  }
0x1d: {  	s5 =	simm.s32 @p1 $0x1;
	p0 =	seq.s32 s7, s2  }
0x1e: {  	s7 =	smul.u32 @!p0 $0xF7A, s2;
	p2 =	seq.s32 @!p0 s5, $0x0  }
0x1f: {  	s9 =	smul.u32 $0xF7A, s1;
	s8 =	simm.s32 @!p0 $0x1BF5;
	p2 =	por !p2, p0  }
0x20: {  	[sflag:s8] =	ssyncset.s32 @!p0 $0xFFFFF086;
	s6 =	sadd.s32 @!p0 s3, s7;
	s7 =	simm.s32 @!p0 $0x108  }
0x21: {  	s3 =	sadd.s32 s3, s9;
	s6 =	sadd.s32 @!p0 $0x88, s6;
	s7 =	simm.s32 @p2 $0x1082  }
0x22: {  	[simem:s7], [sflag:s8] =	dma.local @!p0 [hbm:s6], $0xF7A  }
0x23: {  	s9 =	sor.u32 $0xD0000000, s2;
	s6 =	simm.s32 $0x108;
	_ =	swait.ge @!p0 [sflag:s8], $0x0  }
0x24: {  	s3 =	sadd.s32 $0x88, s3;
	s6 =	simm.s32 @!p1 $0x1082;
	[sflag:s4] =	ssyncset.s32 $0xFFFFF086  }
0x25: {  	[simem:s6], [sflag:s4] =	dma.local [hbm:s3], $0xF7A  }
0x26: {  	[smem:$0x3F99] =	sst s1;
	(tag) =	ssettag s2;
	_ =	strace s9  }
0x27: {  	s1 =	sld [smem:$0x3FA9]  }
0x28: {  	s2 =	sld [smem:$0x3FAA]  }
0x29: {  	s4 =	sld [smem:$0x3FAC]  }
0x2a: {  	p0 =	seq.s32 s5, $0x0;
	s5 =	sld [smem:$0x3FAD]  }
0x2b: {  	s6 =	sld [smem:$0x3FAE]  }
0x2c: {  	s7 =	sld [smem:$0x3FAF]  }
0x2d: {  	s3 =	simm.s32 $0x108;
	s8 =	sld [smem:$0x3FB0]  }
0x2e: {  	s3 =	simm.s32 @!p0 $0x1082;
	s9 =	sld [smem:$0x3FB1]  }
0x2f: {  	lr =	sadd.s32 s0, s3;
	s0 =	sld [smem:$0x3FA8]  }
0x30: {  	s3 =	sld [smem:$0x3FAB]  }
0x31: {  	[smem:$0x3FB4] =	sst s10  }
0x32: {  	s10 =	sld [smem:$0x3FB2];
	_ =	sdelay $0x3  }
0x33: {  	p0 =	seq.s32 s10, $0x1;
	s10 =	sld [smem:$0x3FB4];
	_ =	sdelay $0x3  }
0x34: {  	[smem:$0x3FB4] =	sst s10  }
0x35: {  	s10 =	sld [smem:$0x3FB3];
	_ =	sdelay $0x3  }
0x36: {  	p1 =	seq.s32 s10, $0x1;
	s10 =	sld [smem:$0x3FB4];
	_ =	sdelay $0x3  }
0x37: {  	[smem:$0x3FB4] =	sst s10  }
0x38: {  	s10 =	sld [smem:$0x3FB5]  }
0x39: {  	_ = 	snop;
	(pc) =	sbr.ind lr, $3  }
0x3a: {  	_ = 	snop  }
0x3b: {  	_ = 	snop  }
0x3c: {  	p2 =	seq.s32 s10, $0x1;
	s10 =	sld [smem:$0x3FB4]  }
0x3d: {  	_ =	shalt  }
0x3e: {  	_ =	shalt  }
0x3f: {  	_ =	shalt  }
0x40: {  	_ =	shalt  }
0x41: {  	_ =	shalt  }
0x42: {  	_ =	shalt  }
0x43: {  	_ =	shalt  }
0x44: {  	_ =	shalt  }
0x45: {  	_ =	shalt  }
0x46: {  	_ =	shalt  }
0x47: {  	_ =	shalt  }
0x48: {  	_ =	shalt  }
0x49: {  	_ =	shalt  }
0x4a: {  	_ =	shalt  }
0x4b: {  	_ =	shalt  }
0x4c: {  	_ =	shalt  }
0x4d: {  	_ =	shalt  }
0x4e: {  	_ =	shalt  }
0x4f: {  	_ =	shalt  }
0x50: {  	_ =	shalt  }
0x51: {  	_ =	shalt  }
0x52: {  	_ =	shalt  }
0x53: {  	_ =	shalt  }
0x54: {  	_ =	shalt  }
0x55: {  	_ =	shalt  }
0x56: {  	_ =	shalt  }
0x57: {  	_ =	shalt  }
0x58: {  	_ =	shalt  }
0x59: {  	_ =	shalt  }
0x5a: {  	_ =	shalt  }
0x5b: {  	_ =	shalt  }
0x5c: {  	_ =	shalt  }
0x5d: {  	_ =	shalt  }
0x5e: {  	_ =	shalt  }
0x5f: {  	_ =	shalt  }
0x60: {  	_ =	shalt  }
0x61: {  	_ =	shalt  }
0x62: {  	_ =	shalt  }
0x63: {  	_ =	shalt  }
0x64: {  	_ =	shalt  }
0x65: {  	_ =	shalt  }
0x66: {  	_ =	shalt  }
0x67: {  	_ =	shalt  }
0x68: {  	_ =	shalt  }
0x69: {  	_ =	shalt  }
0x6a: {  	_ =	shalt  }
0x6b: {  	_ =	shalt  }
0x6c: {  	_ =	shalt  }
0x6d: {  	_ =	shalt  }
0x6e: {  	_ =	shalt  }
0x6f: {  	_ =	shalt  }
0x70: {  	_ =	shalt  }
0x71: {  	_ =	shalt  }
0x72: {  	_ =	shalt  }
0x73: {  	_ =	shalt  }
0x74: {  	_ =	shalt  }
0x75: {  	_ =	shalt  }
0x76: {  	_ =	shalt  }
0x77: {  	_ =	shalt  }
0x78: {  	_ =	shalt  }
0x79: {  	_ =	shalt  }
0x7a: {  	_ =	shalt  }
0x7b: {  	_ =	shalt  }
0x7c: {  	_ =	shalt  }
0x7d: {  	_ =	shalt  }
0x7e: {  	_ =	shalt  }
0x7f: {  	_ =	shalt  }
0x80: {  	_ =	shalt  }
0x81: {  	_ =	shalt  }
0x82: {  	_ =	shalt  }
0x83: {  	_ =	shalt  }
0x84: {  	_ =	shalt  }
0x85: {  	_ =	shalt  }
0x86: {  	_ =	shalt  }
0x87: {  	_ =	shalt  }
.Lfunc_end0:
.L_simem_size_0:
called_computation.3_lowered:
.L_overlay_start_0:
0x88: {  	s2 =	sld [smem:$0x3FD9]  }
0x89: {  	s3 =	sld [smem:$0x3FFE];
	_ =	sdelay $0x1  }
0x8a: {  	s1 =	srdreg.scid  }
0x8b: {  	s0 =	sand.u32 $0x1, s1  }
0x8c: {  	s16 =	sshll.u32 s0, $0xA;
	s2 =	sadd.s32 s3, s2  }
0x8d: {  	s2 =	sadd.s32 s2, s16  }
0x8e: {  	[smem:$0x3FC0] =	sst s2  }
0x8f: {  	_ = 	snop  }
0x90: {  	(tm) =	ssettm $0x1  }
0x91: {  	s17 =	sld [smem:$0x3FFB];
	_ =	sdelay $0x3  }
0x92: {  	_ =	strace s17  }
0x93: {  	s2 =	sld [smem:$0x3FFC];
	_ =	sdelay $0x3  }
0x94: {  	_ =	strace s2  }
0x95: {  	s2 =	sld [smem:$0x3FFD];
	_ =	sdelay $0x3  }
0x96: {  	_ =	strace s2  }
0x97: {  	_ =	strace $0x8FFFFFFF  }
0x98: {  	s18 =	sld [smem:$0x3FDB];
	_ =	sdelay $0x1  }
0x99: {  	s19 =	simm.s32 $_scs_section_size  }
0x9a: {  	s4 =	simm.s32 $_size__tile_overlayer_lowered;
	s5 =	simm.s32 $_tile_overlayer_lowered  }
0x9b: {  	s22 =	simm.s32 $0x1BFF;
	s21 =	sshll.u32 s5, $0x1;
	s2 =	sadd.s32 s19, s18  }
0x9c: {  	s6 =	simm.s32 $0x0;
	s20 =	sshll.u32 s4, $0x1;
	s4 =	sadd.s32 s21, s2  }
0x9d: {  	[timem:s6], [sflag:s22] =	dma.local [hbm:s4], s20  }
0x9e: {  	_ =	swait.ge [sflag:s22], s20  }
0x9f: {  	s3 =	ssub.s32 $0x0, s20;
	[sflag:s22] =	ssyncset.done $0x0  }
0xa0: {  	[sflag:s22] =	ssyncadd.s32 s3;
	_ =	sdelay $0x1  }
0xa1: {  	s23 =	simm.s32 $0x1B8B  }
0xa2: {  	_ =	swait.ge [sflag:s23], $0x1  }
0xa3: {  	[sflag:s23] =	ssyncset.done $0x0  }
0xa4: {  	s25 =	simm.s32 $0x1B8E;
	s24 =	sld [smem:$0x3FFE];
	[sflag:s23] =	ssyncadd.s32 $0xFFFFFFFF  }
0xa5: {  	s26 =	simm.s32 $execute0_lowered;
	[smem:$0x3FD2] =	sst s25  }
0xa6: {  	s4 =	sshll.u32 s26, $0x1;
	_ =	strace $0x8000004F;
	[dreg:$0x1] =	wrdreg $0xFFFFFFFF  }
0xa7: {  	s28 =	simm.s32 $_size_execute0_lowered;
	s2 =	sadd.s32 s2, s4;
	[dreg:$0x0] =	wrdreg $0x0  }
0xa8: {  	s4 =	sshll.u32 s28, $0x1;
	[dreg:$0x2] =	wrdreg s2  }
0xa9: {  	[dreg:$0x3] =	wrdreg s4  }
0xaa: {  	[dreg:$0x4] =	wrdreg $0xC0  }
0xab: {  	_ =	task [dreg:s6], $0x5FFFF  }
0xac: {  	[dreg:$0x1] =	wrdreg $0xFFFFFFFF  }
0xad: {  	[dreg:$0x0] =	wrdreg $0x60  }
0xae: {  	[dreg:$0x2] =	wrdreg s24  }
0xaf: {  	[dreg:$0x3] =	wrdreg $0xB1000  }
0xb0: {  	[dreg:$0x4] =	wrdreg $0x9  }
0xb1: {  	_ =	task.clear_ibuf [dreg:s6], $0x5FFFF;
	_ =	strace $0x9000004F  }
0xb2: {  	s29 =	simm.s32 $0x9;
	_ =	strace $0x80000051  }
0xb3: {  	_ =	swait.ge [sflag:s29], $0x1  }
0xb4: {  	[sflag:s29] =	ssyncadd.s32 $0xFFFFFFFF  }
0xb5: {  	_ =	strace $0x90000051  }
0xb6: {  	_ =	sfence  }
0xb7: {  	s30 =	sld [smem:$0x0];
	_ =	sdelay $0x2  }
0xb8: {  	s31 =	sshll.u32 s1, $0xD;
	s1 =	sshrl.u32 s1, $0x2  }
0xb9: {  	s3 =	sand.u32 $0x4000, s31;
	s1 =	sadd.s32 s1, s30  }
0xba: {  	s0 =	sor.u32 s3, s0;
	s1 =	sshll.u32 s1, $0x11  }
0xbb: {  	s0 =	sor.u32 s1, s0  }
0xbc: {  	s0 =	sadd.s32 $0x8F2B, s0  }
0xbd: {  	[sflag:s0] =	ssyncadd.remote.s32 $0x1  }
0xbe: {  	_ =	sfence.sel $0xFFFF  }
0xbf: {  	[dreg:$0x0] =	wrdreg $0xFFFFFFFF;
	(pc) =	sbr.abs _section_cstart, $3  }
0xc0: {  	[dreg:$0x1] =	wrdreg $0xFFFFFFFF  }
0xc1: {  	_ =	task.clear_ibuf [dreg:s6], $0x2FFFF;
	_ =	strace $0x9FFFFFFF  }
0xc2: {  	(tm) =	ssettm $0x7FFFFFFF  }
0xc3: {  	_ =	shalt  }
tec
execute0_lowered:
.L_overlay_start_1:
0x0: {  	(tag) =	ssettag $0x1  }
0x1: {  	s0 =	srdreg.scid;
	s1 =	rddreg [dreg:$0x0]  }
0x2: {  	s19 =	stileid.u32;
	s2 =	rddreg [dreg:$0x1];
	s3 =	simm.s32 $0x0  }
0x3: {  	s15 =	simm.s32 $0x6;
	s16 =	simm.s32 $0x2780;
	s5 =	smul.u32 $0x2710, s19  }
0x4: {  	s17 =	simm.s32 $0x80;
	s29 =	simm.s32 $0x2880;
	s7 =	smul.u32 $0x14000, s19  }
0x5: {  	s30 =	simm.s32 $0x10;
	s0 =	sand.u32 $0x1, s0;
	s12 =	smul.u32 $0x50000, s19  }
0x6: {  	s28 =	simm.s32 $0x0;
	[smem:$0x7FF] =	sst s3;
	s4 =	smul.u32 $0x27100, s0  }
0x7: {  	s31 =	sshll.u32 s19, $0x6;
	_ =	strace $0x80000050;
	s9 =	smul.u32 $0x140000, s0  }
0x8: {  	s0 =	ssub.s32 $0x2, s0;
	s19 =	sor.u32 $0x1C06, s31;
	s11 =	sshrl.u32 s7, $0x3  }
0x9: {  	s18 =	sshrl.u32 s0, $0x1;
	s21 =	sshrl.u32 s12, $0x2;
	s6 =	sadd.s32 s5, s4  }
0xa: {  	s4 =	sadd.s32 $0x69400, s1;
	s5 =	sadd.s32 $0x3E00, s1;
	s7 =	sadd.s32 s7, s9  }
0xb: {  	s11 =	sadd.s32 s11, s1;
	s0 =	ssub.s32 s0, s18;
	s18 =	simm.s32 $0x2900  }
0xc: {  	s8 =	sshrl.u32 s6, $0x3;
	s7 =	sshrl.u32 s7, $0x3;
	s22 =	sadd.s32 $0x90600, s11  }
0xd: {  	s25 =	sadd.s32 $0x80, s6;
	s12 =	smax.u32 s0, $0x1;
	s13 =	sadd.s32 $0x100, s6  }
0xe: {  	s0 =	simm.s32 $0x5;
	s10 =	sadd.s32 s8, s1;
	s1 =	sadd.s32 s7, s1  }
0xf: {  	s7 =	sadd.s32 s5, s8;
	s8 =	sadd.s32 s21, s2;
	[dreg:$0x4] =	wrdreg s22  }
0x10: {  	s26 =	sshrl.u32 s25, $0x3;
	s21 =	simm.s32 $0x2800;
	s20 =	sadd.s32 $0xDC00, s10  }
0x11: {  	s22 =	simm.s32 $0x6900;
	s23 =	sadd.s32 $0x4D0, s7;
	[dreg:$0x3] =	wrdreg s20  }
0x12: {  	s25 =	simm.s32 $0x2;
	s24 =	sadd.s32 $0x4E0, s7;
	[dreg:$0x5] =	wrdreg s23  }
0x13: {  	s1 =	sadd.s32 $0xB8600, s1;
	s14 =	sadd.s32 s26, s5;
	[dreg:$0x6] =	wrdreg s24  }
0x14: {  	s26 =	simm.s32 $0x4;
	[dreg:$0x7] =	wrdreg s1;
	s20 =	sshrl.u32 s8, $0x3  }
0x15: {  	s23 =	simm.s32 $0x1;
	s24 =	simm.s32 $0x3;
	s1 =	simm.s32 $0xA900  }
.LBB2_1:
0x16: {  	s6 =	rddreg [dreg:$0x3]  }
0x17: {  	[tilespmem:s3], [sflag:$0x6] =	stream.linear.gather [hbm4b:s6+s3], $0x2710, $0x38;
	[tilespmem:$0x1F100] =	vst v63  }
0x18: {  	_ =	swait.ge [sflag:s15], $0x2710  }
0x19: {  	[sflag:s15] =	ssyncset.done $0x0  }
0x1a: {  	[sflag:s15] =	ssyncadd.s32 $0xFFFFD8F0  }
0x1b: {  	[tilespmem:s16], [sflag:$0x3] =	stream.linear.gather [hbm4b:s7+s3], $0x80, $0x38;
	[tilespmem:$0x1F100] =	vst v63  }
0x1c: {  	s11 =	rddreg [dreg:$0x4]  }
0x1d: {  	[tilespmem:s18], [sflag:$0x1] =	stream.indirect.gather [hbm4b:s4+s17], $0x80, s3, s17, $0xb8;
	[tilespmem:$0x1F100] =	vst v63  }
0x1e: {  	[spmem:s20], [sflag:s19] =	dma.local [hbm:s11], $0x2800  }
0x1f: {  	_ =	swait.ge [sflag:s15], $0x2800  }
0x20: {  	[sflag:s15] =	ssyncset.done $0x0  }
0x21: {  	[sflag:s15] =	ssyncadd.s32 $0xFFFFD800  }
0x22: {  	s8 =	sadd.s32 $0x0, s14;
	[bflag:$0x0] =	sbarrier.arrive $0xFFFF  }
0x23: {  	[tilespmem:s21], [sflag:$0x4] =	stream.linear.gather [hbm4b:s8+s3], $0x80, $0x38;
	[tilespmem:$0x1F100] =	vst v63  }
0x24: {  	s9 =	simm.s32 $0x80  }
0x25: {  	[tilespmem:s22], [sflag:$0x2] =	stream.indirect.gather [hbm4b:s4+s17], $0x80, s9, s17, $0xb8;
	[tilespmem:$0x1F100] =	vst v63  }
0x26: {  	_ =	swait.ge [sflag:s23], $0x4000  }
0x27: {  	[sflag:s23] =	ssyncset.done $0x0  }
0x28: {  	[sflag:s23] =	ssyncadd.s32 $0xFFFFC000  }
0x29: {  	_ =	swait.ge [sflag:s24], $0x80  }
0x2a: {  	[sflag:s24] =	ssyncset.done $0x0  }
0x2b: {  	[sflag:s24] =	ssyncadd.s32 $0xFFFFFF80  }
0x2c: {  	[spmem:s2] =	stream.indirect.scatter.add.f32 [tilespmem:s18], [sflag:$0x6], $0x80, s16, s17, $0xb8;
	[tilespmem:$0x1F100] =	vst v63  }
0x2d: {  	_ =	swait.ge [sflag:s15], $0x4000  }
0x2e: {  	s10 =	sshrl.u32 s13, $0x3;
	[sflag:s15] =	ssyncset.done $0x0  }
0x2f: {  	s6 =	sadd.s32 s5, s10;
	[sflag:s15] =	ssyncadd.s32 $0xFFFFC000  }
0x30: {  	[tilespmem:s16], [sflag:$0x3] =	stream.linear.gather [hbm4b:s6+s3], $0x80, $0x38;
	[tilespmem:$0x1F100] =	vst v63  }
0x31: {  	s11 =	simm.s32 $0x100  }
0x32: {  	[tilespmem:s18], [sflag:$0x1] =	stream.indirect.gather [hbm4b:s4+s17], $0x80, s11, s17, $0xb8;
	[tilespmem:$0x1F100] =	vst v63  }
0x33: {  	_ =	swait.ge [sflag:s25], $0x4000  }
0x34: {  	[sflag:s25] =	ssyncset.done $0x0  }
0x35: {  	[sflag:s25] =	ssyncadd.s32 $0xFFFFC000  }
0x36: {  	_ =	swait.ge [sflag:s26], $0x80  }
0x37: {  	[sflag:s26] =	ssyncset.done $0x0  }
0x38: {  	[sflag:s26] =	ssyncadd.s32 $0xFFFFFF80  }
0x39: {  	[spmem:s2] =	stream.indirect.scatter.add.f32 [tilespmem:s22], [sflag:$0x6], $0x80, s21, s17, $0xb8;
	[tilespmem:$0x1F100] =	vst v63  }
0x3a: {  	s31 =	simm.s32 $0x200;
	s8 =	simm.s32 $0x20;
	_ =	swait.ge [sflag:s15], $0x4000  }
0x3b: {  	s9 =	simm.s32 $0x40;
	s6 =	sadd.s32 $0x100, s13;
	[sflag:s15] =	ssyncset.done $0x0  }
.LBB2_2:
0x3c: {  	s10 =	sadd.s32 s8, s14  }
0x3d: {  	[sflag:s15] =	ssyncadd.s32 $0xFFFFC000;
	s8 =	smov.u32 s9;
	s11 =	sadd.s32 $0x20, s9  }
0x3e: {  	[tilespmem:s21], [sflag:$0x4] =	stream.linear.gather [hbm4b:s10+s3], $0x80, $0x38;
	[tilespmem:$0x1F100] =	vst v63  }
0x3f: {  	p0 =	sne.s32 s9, $0x4A0;
	s9 =	sadd.s32 $0xFFFFFF80, s31  }
0x40: {  	[tilespmem:s22], [sflag:$0x2] =	stream.indirect.gather [hbm4b:s4+s17], $0x80, s9, s17, $0xb8;
	[tilespmem:$0x1F100] =	vst v63  }
0x41: {  	_ =	swait.ge [sflag:s23], $0x4000  }
0x42: {  	[sflag:s23] =	ssyncset.done $0x0  }
0x43: {  	[sflag:s23] =	ssyncadd.s32 $0xFFFFC000  }
0x44: {  	_ =	swait.ge [sflag:s24], $0x80  }
0x45: {  	[sflag:s24] =	ssyncset.done $0x0  }
0x46: {  	[sflag:s24] =	ssyncadd.s32 $0xFFFFFF80  }
0x47: {  	[spmem:s2] =	stream.indirect.scatter.add.f32 [tilespmem:s18], [sflag:$0x6], $0x80, s16, s17, $0xb8;
	[tilespmem:$0x1F100] =	vst v63  }
0x48: {  	_ =	swait.ge [sflag:s15], $0x4000  }
0x49: {  	s9 =	sshrl.u32 s6, $0x3;
	[sflag:s15] =	ssyncset.done $0x0  }
0x4a: {  	s9 =	sadd.s32 s5, s9;
	[sflag:s15] =	ssyncadd.s32 $0xFFFFC000  }
0x4b: {  	[tilespmem:s16], [sflag:$0x3] =	stream.linear.gather [hbm4b:s9+s3], $0x80, $0x38;
	[tilespmem:$0x1F100] =	vst v63  }
0x4c: {  	_ = 	snop  }
0x4d: {  	[tilespmem:s18], [sflag:$0x1] =	stream.indirect.gather [hbm4b:s4+s17], $0x80, s31, s17, $0xb8;
	[tilespmem:$0x1F100] =	vst v63  }
0x4e: {  	_ =	swait.ge [sflag:s25], $0x4000  }
0x4f: {  	[sflag:s25] =	ssyncset.done $0x0  }
0x50: {  	[sflag:s25] =	ssyncadd.s32 $0xFFFFC000  }
0x51: {  	_ =	swait.ge [sflag:s26], $0x80  }
.Ltmp0:
0x52: {  	[sflag:s26] =	ssyncset.done $0x0;
	(pc) =	sbr.rel @p0 .LBB2_2-.Ltmp0, $4  }
0x53: {  	[sflag:s26] =	ssyncadd.s32 $0xFFFFFF80  }
0x54: {  	[spmem:s2] =	stream.indirect.scatter.add.f32 [tilespmem:s22], [sflag:$0x6], $0x80, s21, s17, $0xb8;
	[tilespmem:$0x1F100] =	vst v63  }
0x55: {  	s6 =	sadd.s32 $0x100, s6;
	_ =	swait.ge [sflag:s15], $0x4000  }
0x56: {  	s9 =	smov.u32 s11;
	s31 =	sadd.s32 $0x100, s31;
	[sflag:s15] =	ssyncset.done $0x0  }
0x57: {  	s8 =	sadd.s32 s8, s14;
	[sflag:s15] =	ssyncadd.s32 $0xFFFFC000  }
0x58: {  	[tilespmem:s21], [sflag:$0x4] =	stream.linear.gather [hbm4b:s8+s3], $0x80, $0x38;
	[tilespmem:$0x1F100] =	vst v63  }
0x59: {  	s11 =	sadd.s32 $0xFFFFFF80, s31  }
0x5a: {  	[tilespmem:s22], [sflag:$0x2] =	stream.indirect.gather [hbm4b:s4+s17], $0x80, s11, s17, $0xb8;
	[tilespmem:$0x1F100] =	vst v63  }
0x5b: {  	_ =	swait.ge [sflag:s23], $0x4000  }
0x5c: {  	[sflag:s23] =	ssyncset.done $0x0  }
0x5d: {  	[sflag:s23] =	ssyncadd.s32 $0xFFFFC000  }
0x5e: {  	_ =	swait.ge [sflag:s24], $0x80  }
0x5f: {  	[sflag:s24] =	ssyncset.done $0x0  }
0x60: {  	[sflag:s24] =	ssyncadd.s32 $0xFFFFFF80  }
0x61: {  	[spmem:s2] =	stream.indirect.scatter.add.f32 [tilespmem:s18], [sflag:$0x6], $0x80, s16, s17, $0xb8;
	[tilespmem:$0x1F100] =	vst v63  }
0x62: {  	_ =	swait.ge [sflag:s15], $0x4000  }
0x63: {  	s6 =	sshrl.u32 s6, $0x3;
	[sflag:s15] =	ssyncset.done $0x0  }
0x64: {  	s6 =	sadd.s32 s5, s6;
	[sflag:s15] =	ssyncadd.s32 $0xFFFFC000  }
0x65: {  	[tilespmem:s16], [sflag:$0x3] =	stream.linear.gather [hbm4b:s6+s3], $0x80, $0x38;
	[tilespmem:$0x1F100] =	vst v63  }
0x66: {  	_ = 	snop  }
0x67: {  	[tilespmem:s18], [sflag:$0x1] =	stream.indirect.gather [hbm4b:s4+s17], $0x80, s31, s17, $0xb8;
	[tilespmem:$0x1F100] =	vst v63  }
0x68: {  	_ =	swait.ge [sflag:s25], $0x4000  }
0x69: {  	[sflag:s25] =	ssyncset.done $0x0  }
0x6a: {  	[sflag:s25] =	ssyncadd.s32 $0xFFFFC000  }
0x6b: {  	_ =	swait.ge [sflag:s26], $0x80  }
0x6c: {  	[sflag:s26] =	ssyncset.done $0x0  }
0x6d: {  	[sflag:s26] =	ssyncadd.s32 $0xFFFFFF80  }
0x6e: {  	[spmem:s2] =	stream.indirect.scatter.add.f32 [tilespmem:s22], [sflag:$0x6], $0x80, s21, s17, $0xb8;
	[tilespmem:$0x1F100] =	vst v63  }
0x6f: {  	_ =	swait.ge [sflag:s15], $0x4000  }
0x70: {  	[sflag:s15] =	ssyncset.done $0x0  }
0x71: {  	s8 =	rddreg [dreg:$0x5];
	[sflag:s15] =	ssyncadd.s32 $0xFFFFC000  }
0x72: {  	[tilespmem:s21], [sflag:$0x4] =	stream.linear.gather [hbm4b:s8+s3], $0x80, $0x38;
	[tilespmem:$0x1F100] =	vst v63  }
0x73: {  	s9 =	simm.s32 $0x2680  }
0x74: {  	[tilespmem:s22], [sflag:$0x2] =	stream.indirect.gather [hbm4b:s4+s17], $0x80, s9, s17, $0xb8;
	[tilespmem:$0x1F100] =	vst v63  }
0x75: {  	_ =	swait.ge [sflag:s23], $0x4000  }
0x76: {  	[sflag:s23] =	ssyncset.done $0x0  }
0x77: {  	[sflag:s23] =	ssyncadd.s32 $0xFFFFC000  }
0x78: {  	_ =	swait.ge [sflag:s24], $0x80  }
0x79: {  	[sflag:s24] =	ssyncset.done $0x0  }
0x7a: {  	[sflag:s24] =	ssyncadd.s32 $0xFFFFFF80  }
0x7b: {  	[spmem:s2] =	stream.indirect.scatter.add.f32 [tilespmem:s18], [sflag:$0x6], $0x80, s16, s17, $0xb8;
	[tilespmem:$0x1F100] =	vst v63  }
0x7c: {  	_ =	swait.ge [sflag:s15], $0x4000  }
0x7d: {  	[sflag:s15] =	ssyncset.done $0x0  }
0x7e: {  	s10 =	rddreg [dreg:$0x6];
	[sflag:s15] =	ssyncadd.s32 $0xFFFFC000  }
0x7f: {  	[tilespmem:s29], [sflag:$0x5] =	stream.linear.gather [hbm4b:s10+s3], $0x10, $0x38;
	[tilespmem:$0x1F100] =	vst v63  }
0x80: {  	s11 =	simm.s32 $0x2700  }
0x81: {  	[tilespmem:s1], [sflag:$0x5] =	stream.indirect.gather [hbm4b:s4+s30], $0x80, s11, s30, $0xb8;
	[tilespmem:$0x1F100] =	vst v63  }
0x82: {  	_ =	swait.ge [sflag:s25], $0x4000  }
0x83: {  	[sflag:s25] =	ssyncset.done $0x0  }
0x84: {  	[sflag:s25] =	ssyncadd.s32 $0xFFFFC000  }
0x85: {  	_ =	swait.ge [sflag:s26], $0x80  }
0x86: {  	[sflag:s26] =	ssyncset.done $0x0  }
0x87: {  	[sflag:s26] =	ssyncadd.s32 $0xFFFFFF80  }
0x88: {  	[spmem:s2] =	stream.indirect.scatter.add.f32 [tilespmem:s22], [sflag:$0x6], $0x80, s21, s17, $0xb8;
	[tilespmem:$0x1F100] =	vst v63  }
0x89: {  	_ =	swait.ge [sflag:s15], $0x4000  }
0x8a: {  	[sflag:s15] =	ssyncset.done $0x0  }
0x8b: {  	[sflag:s15] =	ssyncadd.s32 $0xFFFFC000  }
0x8c: {  	_ =	swait.ge [sflag:s0], $0x10  }
0x8d: {  	[sflag:s0] =	ssyncset.done $0x0  }
0x8e: {  	[sflag:s0] =	ssyncadd.s32 $0xFFFFFFF0  }
0x8f: {  	_ =	swait.ge [sflag:s0], $0x800  }
0x90: {  	[sflag:s0] =	ssyncset.done $0x0  }
0x91: {  	[sflag:s0] =	ssyncadd.s32 $0xFFFFF800  }
0x92: {  	[spmem:s2] =	stream.indirect.scatter.add.f32 [tilespmem:s1], [sflag:$0x6], $0x80, s29, s30, $0xb8;
	[tilespmem:$0x1F100] =	vst v63  }
0x93: {  	_ =	swait.ge [sflag:s15], $0x800  }
0x94: {  	[sflag:s15] =	ssyncset.done $0x0  }
0x95: {  	s28 =	sadd.s32 $0x1, s28;
	[sflag:s15] =	ssyncadd.s32 $0xFFFFF800  }
0x96: {  	p0 =	sne.s32 s28, s12;
	[bflag:$0x0] =	sbarrier.arrive $0xFFFF  }
.Ltmp1:
0x97: {  	s31 =	rddreg [dreg:$0x7];
	(pc) =	sbr.rel @p0 .LBB2_1-.Ltmp1, $4  }
0x98: {  	[hbm:s31], [sflag:s19] =	dma.local [spmem:s20], $0x2800  }
0x99: {  	_ =	swait.ge [sflag:s15], $0x2800  }
0x9a: {  	[sflag:s15] =	ssyncset.done $0x0  }
0x9b: {  	[sflag:s15] =	ssyncadd.s32 $0xFFFFD800  }
0x9c: {  	_ =	sfence.sel $0x180000  }
0x9d: {  	[bflag:$0x0] =	sbarrier.arrive $0xFFFF  }
0x9e: {  	_ =	strace $0x90000050  }
0x9f: {  	s0 =	stileid.u32;
	[bflag:$0x2] =	sbarrier.arrive $0xFFFF  }
0xa0: {  	p0 =	sne.s32 s0, $0x0;
	s0 =	rddreg [dreg:$0x2]  }
0xa1: {  	s0 =	sadd.s32 @!p0 $0x100000, s0  }
0xa2: {  	[sflag:s0] =	ssyncadd.tile.s32 @!p0 $0x1;
	_ =	shalt  }
.Lfunc_end2:
_tile_overlayer_lowered:
.L_overlay_start_2:
0xa3: {  	(tag) =	ssettag $0x2  }
0xa4: {  	s0 =	rddreg [dreg:$0x0];
	s2 =	stileid.u32  }
0xa5: {  	s1 =	rddreg [dreg:$0x1];
	p0 =	sne.s32 s2, $0x0  }
0xa6: {  	s3 =	rddreg [dreg:$0x2];
	[bflag:$0x3] =	sbarrier.arrive $0xFFFF;
	s2 =	simm.s32 @!p0 $0x1C06  }
0xa7: {  	[timem:s3], [sflag:s2] =	dma.local @!p0 [hbm:s0], s1  }
0xa8: {  	s0 =	simm.s32 @!p0 $0x6  }
0xa9: {  	_ =	swait.ge @!p0 [sflag:s0], s1  }
0xaa: {  	s1 =	ssub.s32 @!p0 $0x0, s1;
	[sflag:s0] =	ssyncset.done @!p0 $0x0  }
0xab: {  	[sflag:s0] =	ssyncadd.s32 @!p0 s1  }
0xac: {  	[bflag:$0x3] =	sbarrier.arrive $0xFFFF  }
0xad: {  	_ =	shalt  }

// kernel: kernel.24.cloned.1.call-start
scs
__scs_entry_jumppad:
0x0: {  	(pc) =	sbr.rel $0x88, $3  }
0x1: {  	(tag) =	ssettag $0x0;
	lr =	simm.s32 $0x1  }
0x2: {  	[smem:$0x3F99] =	sst lr;
	_ =	strace $0xD0000000  }
0x3: {  	_ = 	snop  }
0x4: {  	_ = 	snop  }
0x5: {  	_ = 	snop  }
0x6: {  	_ = 	snop  }
0x7: {  	_ = 	snop  }
__scs_overlays_trampoline_lowered:
0x8: {  	[smem:$0x3FA8] =	sst s0  }
0x9: {  	[smem:$0x3FA9] =	sst s1  }
0xa: {  	[smem:$0x3FAA] =	sst s2  }
0xb: {  	[smem:$0x3FAB] =	sst s3  }
0xc: {  	[smem:$0x3FAC] =	sst s4  }
0xd: {  	[smem:$0x3FAD] =	sst s5  }
0xe: {  	[smem:$0x3FAE] =	sst s6  }
0xf: {  	[smem:$0x3FAF] =	sst s7  }
0x10: {  	[smem:$0x3FB0] =	sst s8  }
0x11: {  	[smem:$0x3FB1] =	sst s9;
	s0 =	simm.s32 @!p0 $0x0  }
0x12: {  	s1 =	sld [smem:$0x3F97];
	s0 =	simm.s32 @p0 $0x1  }
0x13: {  	[smem:$0x3FB2] =	sst s0;
	s0 =	simm.s32 @!p1 $0x0  }
0x14: {  	s2 =	sld [smem:$0x3F96];
	s0 =	simm.s32 @p1 $0x1  }
0x15: {  	[smem:$0x3FB3] =	sst s0;
	s0 =	simm.s32 @!p2 $0x0  }
0x16: {  	s3 =	sld [smem:$0x3FDB];
	s0 =	simm.s32 @p2 $0x1  }
0x17: {  	s4 =	simm.s32 $0x1BF5;
	[smem:$0x3FB5] =	sst s0  }
0x18: {  	s0 =	sld [smem:$0x3F98];
	_ =	swait.ge [sflag:s4], $0x0  }
0x19: {  	s7 =	sld [smem:$0x3F99]  }
0x1a: {  	s8 =	sadd.s32 $0xFFFFE003, lr  }
0x1b: {  	s9 =	sadd.s32 $0xFFFFFEF7, lr;
	s5 =	simm.s32 $0xFFFFFFFF;
	p2 =	slt.u32 s8, $0xFFFFF086  }
0x1c: {  	p1 =	slt.u32 s9, $0xF7A;
	s5 =	simm.s32 @!p2 $0x0  }
0x1d: {  	s5 =	simm.s32 @p1 $0x1;
	p0 =	seq.s32 s7, s2  }
0x1e: {  	s7 =	smul.u32 @!p0 $0xF7A, s2;
	p2 =	seq.s32 @!p0 s5, $0x0  }
0x1f: {  	s9 =	smul.u32 $0xF7A, s1;
	s8 =	simm.s32 @!p0 $0x1BF5;
	p2 =	por !p2, p0  }
0x20: {  	[sflag:s8] =	ssyncset.s32 @!p0 $0xFFFFF086;
	s6 =	sadd.s32 @!p0 s3, s7;
	s7 =	simm.s32 @!p0 $0x108  }
0x21: {  	s3 =	sadd.s32 s3, s9;
	s6 =	sadd.s32 @!p0 $0x88, s6;
	s7 =	simm.s32 @p2 $0x1082  }
0x22: {  	[simem:s7], [sflag:s8] =	dma.local @!p0 [hbm:s6], $0xF7A  }
0x23: {  	s9 =	sor.u32 $0xD0000000, s2;
	s6 =	simm.s32 $0x108;
	_ =	swait.ge @!p0 [sflag:s8], $0x0  }
0x24: {  	s3 =	sadd.s32 $0x88, s3;
	s6 =	simm.s32 @!p1 $0x1082;
	[sflag:s4] =	ssyncset.s32 $0xFFFFF086  }
0x25: {  	[simem:s6], [sflag:s4] =	dma.local [hbm:s3], $0xF7A  }
0x26: {  	[smem:$0x3F99] =	sst s1;
	(tag) =	ssettag s2;
	_ =	strace s9  }
0x27: {  	s1 =	sld [smem:$0x3FA9]  }
0x28: {  	s2 =	sld [smem:$0x3FAA]  }
0x29: {  	s4 =	sld [smem:$0x3FAC]  }
0x2a: {  	p0 =	seq.s32 s5, $0x0;
	s5 =	sld [smem:$0x3FAD]  }
0x2b: {  	s6 =	sld [smem:$0x3FAE]  }
0x2c: {  	s7 =	sld [smem:$0x3FAF]  }
0x2d: {  	s3 =	simm.s32 $0x108;
	s8 =	sld [smem:$0x3FB0]  }
0x2e: {  	s3 =	simm.s32 @!p0 $0x1082;
	s9 =	sld [smem:$0x3FB1]  }
0x2f: {  	lr =	sadd.s32 s0, s3;
	s0 =	sld [smem:$0x3FA8]  }
0x30: {  	s3 =	sld [smem:$0x3FAB]  }
0x31: {  	[smem:$0x3FB4] =	sst s10  }
0x32: {  	s10 =	sld [smem:$0x3FB2];
	_ =	sdelay $0x3  }
0x33: {  	p0 =	seq.s32 s10, $0x1;
	s10 =	sld [smem:$0x3FB4];
	_ =	sdelay $0x3  }
0x34: {  	[smem:$0x3FB4] =	sst s10  }
0x35: {  	s10 =	sld [smem:$0x3FB3];
	_ =	sdelay $0x3  }
0x36: {  	p1 =	seq.s32 s10, $0x1;
	s10 =	sld [smem:$0x3FB4];
	_ =	sdelay $0x3  }
0x37: {  	[smem:$0x3FB4] =	sst s10  }
0x38: {  	s10 =	sld [smem:$0x3FB5]  }
0x39: {  	_ = 	snop;
	(pc) =	sbr.ind lr, $3  }
0x3a: {  	_ = 	snop  }
0x3b: {  	_ = 	snop  }
0x3c: {  	p2 =	seq.s32 s10, $0x1;
	s10 =	sld [smem:$0x3FB4]  }
0x3d: {  	_ =	shalt  }
0x3e: {  	_ =	shalt  }
0x3f: {  	_ =	shalt  }
0x40: {  	_ =	shalt  }
0x41: {  	_ =	shalt  }
0x42: {  	_ =	shalt  }
0x43: {  	_ =	shalt  }
0x44: {  	_ =	shalt  }
0x45: {  	_ =	shalt  }
0x46: {  	_ =	shalt  }
0x47: {  	_ =	shalt  }
0x48: {  	_ =	shalt  }
0x49: {  	_ =	shalt  }
0x4a: {  	_ =	shalt  }
0x4b: {  	_ =	shalt  }
0x4c: {  	_ =	shalt  }
0x4d: {  	_ =	shalt  }
0x4e: {  	_ =	shalt  }
0x4f: {  	_ =	shalt  }
0x50: {  	_ =	shalt  }
0x51: {  	_ =	shalt  }
0x52: {  	_ =	shalt  }
0x53: {  	_ =	shalt  }
0x54: {  	_ =	shalt  }
0x55: {  	_ =	shalt  }
0x56: {  	_ =	shalt  }
0x57: {  	_ =	shalt  }
0x58: {  	_ =	shalt  }
0x59: {  	_ =	shalt  }
0x5a: {  	_ =	shalt  }
0x5b: {  	_ =	shalt  }
0x5c: {  	_ =	shalt  }
0x5d: {  	_ =	shalt  }
0x5e: {  	_ =	shalt  }
0x5f: {  	_ =	shalt  }
0x60: {  	_ =	shalt  }
0x61: {  	_ =	shalt  }
0x62: {  	_ =	shalt  }
0x63: {  	_ =	shalt  }
0x64: {  	_ =	shalt  }
0x65: {  	_ =	shalt  }
0x66: {  	_ =	shalt  }
0x67: {  	_ =	shalt  }
0x68: {  	_ =	shalt  }
0x69: {  	_ =	shalt  }
0x6a: {  	_ =	shalt  }
0x6b: {  	_ =	shalt  }
0x6c: {  	_ =	shalt  }
0x6d: {  	_ =	shalt  }
0x6e: {  	_ =	shalt  }
0x6f: {  	_ =	shalt  }
0x70: {  	_ =	shalt  }
0x71: {  	_ =	shalt  }
0x72: {  	_ =	shalt  }
0x73: {  	_ =	shalt  }
0x74: {  	_ =	shalt  }
0x75: {  	_ =	shalt  }
0x76: {  	_ =	shalt  }
0x77: {  	_ =	shalt  }
0x78: {  	_ =	shalt  }
0x79: {  	_ =	shalt  }
0x7a: {  	_ =	shalt  }
0x7b: {  	_ =	shalt  }
0x7c: {  	_ =	shalt  }
0x7d: {  	_ =	shalt  }
0x7e: {  	_ =	shalt  }
0x7f: {  	_ =	shalt  }
0x80: {  	_ =	shalt  }
0x81: {  	_ =	shalt  }
0x82: {  	_ =	shalt  }
0x83: {  	_ =	shalt  }
0x84: {  	_ =	shalt  }
0x85: {  	_ =	shalt  }
0x86: {  	_ =	shalt  }
0x87: {  	_ =	shalt  }
.Lfunc_end0:
.L_simem_size_0:
called_computation.4_lowered:
.L_overlay_start_0:
0x88: {  	s2 =	sld [smem:$0x3FD9]  }
0x89: {  	s3 =	sld [smem:$0x3FFE];
	_ =	sdelay $0x1  }
0x8a: {  	s1 =	srdreg.scid  }
0x8b: {  	s0 =	sand.u32 $0x1, s1  }
0x8c: {  	s16 =	sshll.u32 s0, $0xA;
	s2 =	sadd.s32 s3, s2  }
0x8d: {  	s2 =	sadd.s32 s2, s16  }
0x8e: {  	[smem:$0x3FC0] =	sst s2  }
0x8f: {  	_ = 	snop  }
0x90: {  	(tm) =	ssettm $0x1  }
0x91: {  	s17 =	sld [smem:$0x3FFB];
	_ =	sdelay $0x3  }
0x92: {  	_ =	strace s17  }
0x93: {  	s2 =	sld [smem:$0x3FFC];
	_ =	sdelay $0x3  }
0x94: {  	_ =	strace s2  }
0x95: {  	s2 =	sld [smem:$0x3FFD];
	_ =	sdelay $0x3  }
0x96: {  	_ =	strace s2  }
0x97: {  	_ =	strace $0x8FFFFFFF  }
0x98: {  	s18 =	sld [smem:$0x3FDB];
	_ =	sdelay $0x1  }
0x99: {  	s19 =	simm.s32 $_scs_section_size  }
0x9a: {  	s4 =	simm.s32 $_size__tile_overlayer_lowered;
	s5 =	simm.s32 $_tile_overlayer_lowered  }
0x9b: {  	s22 =	simm.s32 $0x1BFF;
	s21 =	sshll.u32 s5, $0x1;
	s2 =	sadd.s32 s19, s18  }
0x9c: {  	s6 =	simm.s32 $0x0;
	s20 =	sshll.u32 s4, $0x1;
	s4 =	sadd.s32 s21, s2  }
0x9d: {  	[timem:s6], [sflag:s22] =	dma.local [hbm:s4], s20  }
0x9e: {  	_ =	swait.ge [sflag:s22], s20  }
0x9f: {  	s3 =	ssub.s32 $0x0, s20;
	[sflag:s22] =	ssyncset.done $0x0  }
0xa0: {  	[sflag:s22] =	ssyncadd.s32 s3;
	_ =	sdelay $0x1  }
0xa1: {  	s23 =	simm.s32 $0x1B8B  }
0xa2: {  	_ =	swait.ge [sflag:s23], $0x1  }
0xa3: {  	[sflag:s23] =	ssyncset.done $0x0  }
0xa4: {  	s25 =	simm.s32 $0x1B8E;
	s24 =	sld [smem:$0x3FFE];
	[sflag:s23] =	ssyncadd.s32 $0xFFFFFFFF  }
0xa5: {  	s26 =	simm.s32 $execute0_lowered;
	[smem:$0x3FD2] =	sst s25  }
0xa6: {  	s4 =	sshll.u32 s26, $0x1;
	_ =	strace $0x80000052;
	[dreg:$0x1] =	wrdreg $0xFFFFFFFF  }
0xa7: {  	s28 =	simm.s32 $_size_execute0_lowered;
	s2 =	sadd.s32 s2, s4;
	[dreg:$0x0] =	wrdreg $0x0  }
0xa8: {  	s4 =	sshll.u32 s28, $0x1;
	[dreg:$0x2] =	wrdreg s2  }
0xa9: {  	[dreg:$0x3] =	wrdreg s4  }
0xaa: {  	[dreg:$0x4] =	wrdreg $0xC0  }
0xab: {  	_ =	task [dreg:s6], $0x5FFFF  }
0xac: {  	[dreg:$0x1] =	wrdreg $0xFFFFFFFF  }
0xad: {  	[dreg:$0x0] =	wrdreg $0x60  }
0xae: {  	[dreg:$0x2] =	wrdreg s24  }
0xaf: {  	[dreg:$0x3] =	wrdreg $0xB1000  }
0xb0: {  	[dreg:$0x4] =	wrdreg $0x9  }
0xb1: {  	_ =	task.clear_ibuf [dreg:s6], $0x5FFFF;
	_ =	strace $0x90000052  }
0xb2: {  	s29 =	simm.s32 $0x9;
	_ =	strace $0x80000054  }
0xb3: {  	_ =	swait.ge [sflag:s29], $0x1  }
0xb4: {  	[sflag:s29] =	ssyncadd.s32 $0xFFFFFFFF  }
0xb5: {  	_ =	strace $0x90000054  }
0xb6: {  	_ =	sfence  }
0xb7: {  	s30 =	sld [smem:$0x0];
	_ =	sdelay $0x2  }
0xb8: {  	s31 =	sshll.u32 s1, $0xD;
	s1 =	sshrl.u32 s1, $0x2  }
0xb9: {  	s3 =	sand.u32 $0x4000, s31;
	s1 =	sadd.s32 s1, s30  }
0xba: {  	s0 =	sor.u32 s3, s0;
	s1 =	sshll.u32 s1, $0x11  }
0xbb: {  	s0 =	sor.u32 s1, s0  }
0xbc: {  	s0 =	sadd.s32 $0x8F2B, s0  }
0xbd: {  	[sflag:s0] =	ssyncadd.remote.s32 $0x1  }
0xbe: {  	_ =	sfence.sel $0xFFFF  }
0xbf: {  	[dreg:$0x0] =	wrdreg $0xFFFFFFFF;
	(pc) =	sbr.abs _section_cstart, $3  }
0xc0: {  	[dreg:$0x1] =	wrdreg $0xFFFFFFFF  }
0xc1: {  	_ =	task.clear_ibuf [dreg:s6], $0x2FFFF;
	_ =	strace $0x9FFFFFFF  }
0xc2: {  	(tm) =	ssettm $0x7FFFFFFF  }
0xc3: {  	_ =	shalt  }
tec
execute0_lowered:
.L_overlay_start_1:
0x0: {  	(tag) =	ssettag $0x1  }
0x1: {  	s0 =	srdreg.scid;
	s1 =	rddreg [dreg:$0x0]  }
0x2: {  	s19 =	stileid.u32;
	s2 =	rddreg [dreg:$0x1];
	s3 =	simm.s32 $0x0  }
0x3: {  	s15 =	simm.s32 $0x6;
	s16 =	simm.s32 $0x2780;
	s5 =	smul.u32 $0x2710, s19  }
0x4: {  	s17 =	simm.s32 $0x80;
	s29 =	simm.s32 $0x2880;
	s7 =	smul.u32 $0x14000, s19  }
0x5: {  	s30 =	simm.s32 $0x10;
	s0 =	sand.u32 $0x1, s0;
	s12 =	smul.u32 $0x50000, s19  }
0x6: {  	s28 =	simm.s32 $0x0;
	[smem:$0x7FF] =	sst s3;
	s4 =	smul.u32 $0x27100, s0  }
0x7: {  	s31 =	sshll.u32 s19, $0x6;
	_ =	strace $0x80000053;
	s9 =	smul.u32 $0x140000, s0  }
0x8: {  	s0 =	ssub.s32 $0x2, s0;
	s19 =	sor.u32 $0x1C06, s31;
	s11 =	sshrl.u32 s7, $0x3  }
0x9: {  	s18 =	sshrl.u32 s0, $0x1;
	s21 =	sshrl.u32 s12, $0x2;
	s6 =	sadd.s32 s5, s4  }
0xa: {  	s4 =	sadd.s32 $0x69400, s1;
	s5 =	sadd.s32 $0x3E00, s1;
	s7 =	sadd.s32 s7, s9  }
0xb: {  	s11 =	sadd.s32 s11, s1;
	s0 =	ssub.s32 s0, s18;
	s18 =	simm.s32 $0x2900  }
0xc: {  	s8 =	sshrl.u32 s6, $0x3;
	s7 =	sshrl.u32 s7, $0x3;
	s22 =	sadd.s32 $0x90600, s11  }
0xd: {  	s25 =	sadd.s32 $0x80, s6;
	s12 =	smax.u32 s0, $0x1;
	s13 =	sadd.s32 $0x100, s6  }
0xe: {  	s0 =	simm.s32 $0x5;
	s10 =	sadd.s32 s8, s1;
	s1 =	sadd.s32 s7, s1  }
0xf: {  	s7 =	sadd.s32 s5, s8;
	s8 =	sadd.s32 s21, s2;
	[dreg:$0x4] =	wrdreg s22  }
0x10: {  	s26 =	sshrl.u32 s25, $0x3;
	s21 =	simm.s32 $0x2800;
	s20 =	sadd.s32 $0xDC00, s10  }
0x11: {  	s22 =	simm.s32 $0x6900;
	s23 =	sadd.s32 $0x4D0, s7;
	[dreg:$0x3] =	wrdreg s20  }
0x12: {  	s25 =	simm.s32 $0x2;
	s24 =	sadd.s32 $0x4E0, s7;
	[dreg:$0x5] =	wrdreg s23  }
0x13: {  	s1 =	sadd.s32 $0xB8600, s1;
	s14 =	sadd.s32 s26, s5;
	[dreg:$0x6] =	wrdreg s24  }
0x14: {  	s26 =	simm.s32 $0x4;
	[dreg:$0x7] =	wrdreg s1;
	s20 =	sshrl.u32 s8, $0x3  }
0x15: {  	s23 =	simm.s32 $0x1;
	s24 =	simm.s32 $0x3;
	s1 =	simm.s32 $0xA900  }
.LBB2_1:
0x16: {  	s6 =	rddreg [dreg:$0x3]  }
0x17: {  	[tilespmem:s3], [sflag:$0x6] =	stream.linear.gather [hbm4b:s6+s3], $0x2710, $0x38;
	[tilespmem:$0x1F100] =	vst v63  }
0x18: {  	_ =	swait.ge [sflag:s15], $0x2710  }
0x19: {  	[sflag:s15] =	ssyncset.done $0x0  }
0x1a: {  	[sflag:s15] =	ssyncadd.s32 $0xFFFFD8F0  }
0x1b: {  	[tilespmem:s16], [sflag:$0x3] =	stream.linear.gather [hbm4b:s7+s3], $0x80, $0x38;
	[tilespmem:$0x1F100] =	vst v63  }
0x1c: {  	s11 =	rddreg [dreg:$0x4]  }
0x1d: {  	[tilespmem:s18], [sflag:$0x1] =	stream.indirect.gather [hbm4b:s4+s17], $0x80, s3, s17, $0xb8;
	[tilespmem:$0x1F100] =	vst v63  }
0x1e: {  	[spmem:s20], [sflag:s19] =	dma.local [hbm:s11], $0x2800  }
0x1f: {  	_ =	swait.ge [sflag:s15], $0x2800  }
0x20: {  	[sflag:s15] =	ssyncset.done $0x0  }
0x21: {  	[sflag:s15] =	ssyncadd.s32 $0xFFFFD800  }
0x22: {  	s8 =	sadd.s32 $0x0, s14;
	[bflag:$0x0] =	sbarrier.arrive $0xFFFF  }
0x23: {  	[tilespmem:s21], [sflag:$0x4] =	stream.linear.gather [hbm4b:s8+s3], $0x80, $0x38;
	[tilespmem:$0x1F100] =	vst v63  }
0x24: {  	s9 =	simm.s32 $0x80  }
0x25: {  	[tilespmem:s22], [sflag:$0x2] =	stream.indirect.gather [hbm4b:s4+s17], $0x80, s9, s17, $0xb8;
	[tilespmem:$0x1F100] =	vst v63  }
0x26: {  	_ =	swait.ge [sflag:s23], $0x4000  }
0x27: {  	[sflag:s23] =	ssyncset.done $0x0  }
0x28: {  	[sflag:s23] =	ssyncadd.s32 $0xFFFFC000  }
0x29: {  	_ =	swait.ge [sflag:s24], $0x80  }
0x2a: {  	[sflag:s24] =	ssyncset.done $0x0  }
0x2b: {  	[sflag:s24] =	ssyncadd.s32 $0xFFFFFF80  }
0x2c: {  	[spmem:s2] =	stream.indirect.scatter.add.f32 [tilespmem:s18], [sflag:$0x6], $0x80, s16, s17, $0xb8;
	[tilespmem:$0x1F100] =	vst v63  }
0x2d: {  	_ =	swait.ge [sflag:s15], $0x4000  }
0x2e: {  	s10 =	sshrl.u32 s13, $0x3;
	[sflag:s15] =	ssyncset.done $0x0  }
0x2f: {  	s6 =	sadd.s32 s5, s10;
	[sflag:s15] =	ssyncadd.s32 $0xFFFFC000  }
0x30: {  	[tilespmem:s16], [sflag:$0x3] =	stream.linear.gather [hbm4b:s6+s3], $0x80, $0x38;
	[tilespmem:$0x1F100] =	vst v63  }
0x31: {  	s11 =	simm.s32 $0x100  }
0x32: {  	[tilespmem:s18], [sflag:$0x1] =	stream.indirect.gather [hbm4b:s4+s17], $0x80, s11, s17, $0xb8;
	[tilespmem:$0x1F100] =	vst v63  }
0x33: {  	_ =	swait.ge [sflag:s25], $0x4000  }
0x34: {  	[sflag:s25] =	ssyncset.done $0x0  }
0x35: {  	[sflag:s25] =	ssyncadd.s32 $0xFFFFC000  }
0x36: {  	_ =	swait.ge [sflag:s26], $0x80  }
0x37: {  	[sflag:s26] =	ssyncset.done $0x0  }
0x38: {  	[sflag:s26] =	ssyncadd.s32 $0xFFFFFF80  }
0x39: {  	[spmem:s2] =	stream.indirect.scatter.add.f32 [tilespmem:s22], [sflag:$0x6], $0x80, s21, s17, $0xb8;
	[tilespmem:$0x1F100] =	vst v63  }
0x3a: {  	s31 =	simm.s32 $0x200;
	s8 =	simm.s32 $0x20;
	_ =	swait.ge [sflag:s15], $0x4000  }
0x3b: {  	s9 =	simm.s32 $0x40;
	s6 =	sadd.s32 $0x100, s13;
	[sflag:s15] =	ssyncset.done $0x0  }
.LBB2_2:
0x3c: {  	s10 =	sadd.s32 s8, s14  }
0x3d: {  	[sflag:s15] =	ssyncadd.s32 $0xFFFFC000;
	s8 =	smov.u32 s9;
	s11 =	sadd.s32 $0x20, s9  }
0x3e: {  	[tilespmem:s21], [sflag:$0x4] =	stream.linear.gather [hbm4b:s10+s3], $0x80, $0x38;
	[tilespmem:$0x1F100] =	vst v63  }
0x3f: {  	p0 =	sne.s32 s9, $0x4A0;
	s9 =	sadd.s32 $0xFFFFFF80, s31  }
0x40: {  	[tilespmem:s22], [sflag:$0x2] =	stream.indirect.gather [hbm4b:s4+s17], $0x80, s9, s17, $0xb8;
	[tilespmem:$0x1F100] =	vst v63  }
0x41: {  	_ =	swait.ge [sflag:s23], $0x4000  }
0x42: {  	[sflag:s23] =	ssyncset.done $0x0  }
0x43: {  	[sflag:s23] =	ssyncadd.s32 $0xFFFFC000  }
0x44: {  	_ =	swait.ge [sflag:s24], $0x80  }
0x45: {  	[sflag:s24] =	ssyncset.done $0x0  }
0x46: {  	[sflag:s24] =	ssyncadd.s32 $0xFFFFFF80  }
0x47: {  	[spmem:s2] =	stream.indirect.scatter.add.f32 [tilespmem:s18], [sflag:$0x6], $0x80, s16, s17, $0xb8;
	[tilespmem:$0x1F100] =	vst v63  }
0x48: {  	_ =	swait.ge [sflag:s15], $0x4000  }
0x49: {  	s9 =	sshrl.u32 s6, $0x3;
	[sflag:s15] =	ssyncset.done $0x0  }
0x4a: {  	s9 =	sadd.s32 s5, s9;
	[sflag:s15] =	ssyncadd.s32 $0xFFFFC000  }
0x4b: {  	[tilespmem:s16], [sflag:$0x3] =	stream.linear.gather [hbm4b:s9+s3], $0x80, $0x38;
	[tilespmem:$0x1F100] =	vst v63  }
0x4c: {  	_ = 	snop  }
0x4d: {  	[tilespmem:s18], [sflag:$0x1] =	stream.indirect.gather [hbm4b:s4+s17], $0x80, s31, s17, $0xb8;
	[tilespmem:$0x1F100] =	vst v63  }
0x4e: {  	_ =	swait.ge [sflag:s25], $0x4000  }
0x4f: {  	[sflag:s25] =	ssyncset.done $0x0  }
0x50: {  	[sflag:s25] =	ssyncadd.s32 $0xFFFFC000  }
0x51: {  	_ =	swait.ge [sflag:s26], $0x80  }
.Ltmp0:
0x52: {  	[sflag:s26] =	ssyncset.done $0x0;
	(pc) =	sbr.rel @p0 .LBB2_2-.Ltmp0, $4  }
0x53: {  	[sflag:s26] =	ssyncadd.s32 $0xFFFFFF80  }
0x54: {  	[spmem:s2] =	stream.indirect.scatter.add.f32 [tilespmem:s22], [sflag:$0x6], $0x80, s21, s17, $0xb8;
	[tilespmem:$0x1F100] =	vst v63  }
0x55: {  	s6 =	sadd.s32 $0x100, s6;
	_ =	swait.ge [sflag:s15], $0x4000  }
0x56: {  	s9 =	smov.u32 s11;
	s31 =	sadd.s32 $0x100, s31;
	[sflag:s15] =	ssyncset.done $0x0  }
0x57: {  	s8 =	sadd.s32 s8, s14;
	[sflag:s15] =	ssyncadd.s32 $0xFFFFC000  }
0x58: {  	[tilespmem:s21], [sflag:$0x4] =	stream.linear.gather [hbm4b:s8+s3], $0x80, $0x38;
	[tilespmem:$0x1F100] =	vst v63  }
0x59: {  	s11 =	sadd.s32 $0xFFFFFF80, s31  }
0x5a: {  	[tilespmem:s22], [sflag:$0x2] =	stream.indirect.gather [hbm4b:s4+s17], $0x80, s11, s17, $0xb8;
	[tilespmem:$0x1F100] =	vst v63  }
0x5b: {  	_ =	swait.ge [sflag:s23], $0x4000  }
0x5c: {  	[sflag:s23] =	ssyncset.done $0x0  }
0x5d: {  	[sflag:s23] =	ssyncadd.s32 $0xFFFFC000  }
0x5e: {  	_ =	swait.ge [sflag:s24], $0x80  }
0x5f: {  	[sflag:s24] =	ssyncset.done $0x0  }
0x60: {  	[sflag:s24] =	ssyncadd.s32 $0xFFFFFF80  }
0x61: {  	[spmem:s2] =	stream.indirect.scatter.add.f32 [tilespmem:s18], [sflag:$0x6], $0x80, s16, s17, $0xb8;
	[tilespmem:$0x1F100] =	vst v63  }
0x62: {  	_ =	swait.ge [sflag:s15], $0x4000  }
0x63: {  	s6 =	sshrl.u32 s6, $0x3;
	[sflag:s15] =	ssyncset.done $0x0  }
0x64: {  	s6 =	sadd.s32 s5, s6;
	[sflag:s15] =	ssyncadd.s32 $0xFFFFC000  }
0x65: {  	[tilespmem:s16], [sflag:$0x3] =	stream.linear.gather [hbm4b:s6+s3], $0x80, $0x38;
	[tilespmem:$0x1F100] =	vst v63  }
0x66: {  	_ = 	snop  }
0x67: {  	[tilespmem:s18], [sflag:$0x1] =	stream.indirect.gather [hbm4b:s4+s17], $0x80, s31, s17, $0xb8;
	[tilespmem:$0x1F100] =	vst v63  }
0x68: {  	_ =	swait.ge [sflag:s25], $0x4000  }
0x69: {  	[sflag:s25] =	ssyncset.done $0x0  }
0x6a: {  	[sflag:s25] =	ssyncadd.s32 $0xFFFFC000  }
0x6b: {  	_ =	swait.ge [sflag:s26], $0x80  }
0x6c: {  	[sflag:s26] =	ssyncset.done $0x0  }
0x6d: {  	[sflag:s26] =	ssyncadd.s32 $0xFFFFFF80  }
0x6e: {  	[spmem:s2] =	stream.indirect.scatter.add.f32 [tilespmem:s22], [sflag:$0x6], $0x80, s21, s17, $0xb8;
	[tilespmem:$0x1F100] =	vst v63  }
0x6f: {  	_ =	swait.ge [sflag:s15], $0x4000  }
0x70: {  	[sflag:s15] =	ssyncset.done $0x0  }
0x71: {  	s8 =	rddreg [dreg:$0x5];
	[sflag:s15] =	ssyncadd.s32 $0xFFFFC000  }
0x72: {  	[tilespmem:s21], [sflag:$0x4] =	stream.linear.gather [hbm4b:s8+s3], $0x80, $0x38;
	[tilespmem:$0x1F100] =	vst v63  }
0x73: {  	s9 =	simm.s32 $0x2680  }
0x74: {  	[tilespmem:s22], [sflag:$0x2] =	stream.indirect.gather [hbm4b:s4+s17], $0x80, s9, s17, $0xb8;
	[tilespmem:$0x1F100] =	vst v63  }
0x75: {  	_ =	swait.ge [sflag:s23], $0x4000  }
0x76: {  	[sflag:s23] =	ssyncset.done $0x0  }
0x77: {  	[sflag:s23] =	ssyncadd.s32 $0xFFFFC000  }
0x78: {  	_ =	swait.ge [sflag:s24], $0x80  }
0x79: {  	[sflag:s24] =	ssyncset.done $0x0  }
0x7a: {  	[sflag:s24] =	ssyncadd.s32 $0xFFFFFF80  }
0x7b: {  	[spmem:s2] =	stream.indirect.scatter.add.f32 [tilespmem:s18], [sflag:$0x6], $0x80, s16, s17, $0xb8;
	[tilespmem:$0x1F100] =	vst v63  }
0x7c: {  	_ =	swait.ge [sflag:s15], $0x4000  }
0x7d: {  	[sflag:s15] =	ssyncset.done $0x0  }
0x7e: {  	s10 =	rddreg [dreg:$0x6];
	[sflag:s15] =	ssyncadd.s32 $0xFFFFC000  }
0x7f: {  	[tilespmem:s29], [sflag:$0x5] =	stream.linear.gather [hbm4b:s10+s3], $0x10, $0x38;
	[tilespmem:$0x1F100] =	vst v63  }
0x80: {  	s11 =	simm.s32 $0x2700  }
0x81: {  	[tilespmem:s1], [sflag:$0x5] =	stream.indirect.gather [hbm4b:s4+s30], $0x80, s11, s30, $0xb8;
	[tilespmem:$0x1F100] =	vst v63  }
0x82: {  	_ =	swait.ge [sflag:s25], $0x4000  }
0x83: {  	[sflag:s25] =	ssyncset.done $0x0  }
0x84: {  	[sflag:s25] =	ssyncadd.s32 $0xFFFFC000  }
0x85: {  	_ =	swait.ge [sflag:s26], $0x80  }
0x86: {  	[sflag:s26] =	ssyncset.done $0x0  }
0x87: {  	[sflag:s26] =	ssyncadd.s32 $0xFFFFFF80  }
0x88: {  	[spmem:s2] =	stream.indirect.scatter.add.f32 [tilespmem:s22], [sflag:$0x6], $0x80, s21, s17, $0xb8;
	[tilespmem:$0x1F100] =	vst v63  }
0x89: {  	_ =	swait.ge [sflag:s15], $0x4000  }
0x8a: {  	[sflag:s15] =	ssyncset.done $0x0  }
0x8b: {  	[sflag:s15] =	ssyncadd.s32 $0xFFFFC000  }
0x8c: {  	_ =	swait.ge [sflag:s0], $0x10  }
0x8d: {  	[sflag:s0] =	ssyncset.done $0x0  }
0x8e: {  	[sflag:s0] =	ssyncadd.s32 $0xFFFFFFF0  }
0x8f: {  	_ =	swait.ge [sflag:s0], $0x800  }
0x90: {  	[sflag:s0] =	ssyncset.done $0x0  }
0x91: {  	[sflag:s0] =	ssyncadd.s32 $0xFFFFF800  }
0x92: {  	[spmem:s2] =	stream.indirect.scatter.add.f32 [tilespmem:s1], [sflag:$0x6], $0x80, s29, s30, $0xb8;
	[tilespmem:$0x1F100] =	vst v63  }
0x93: {  	_ =	swait.ge [sflag:s15], $0x800  }
0x94: {  	[sflag:s15] =	ssyncset.done $0x0  }
0x95: {  	s28 =	sadd.s32 $0x1, s28;
	[sflag:s15] =	ssyncadd.s32 $0xFFFFF800  }
0x96: {  	p0 =	sne.s32 s28, s12;
	[bflag:$0x0] =	sbarrier.arrive $0xFFFF  }
.Ltmp1:
0x97: {  	s31 =	rddreg [dreg:$0x7];
	(pc) =	sbr.rel @p0 .LBB2_1-.Ltmp1, $4  }
0x98: {  	[hbm:s31], [sflag:s19] =	dma.local [spmem:s20], $0x2800  }
0x99: {  	_ =	swait.ge [sflag:s15], $0x2800  }
0x9a: {  	[sflag:s15] =	ssyncset.done $0x0  }
0x9b: {  	[sflag:s15] =	ssyncadd.s32 $0xFFFFD800  }
0x9c: {  	_ =	sfence.sel $0x180000  }
0x9d: {  	[bflag:$0x0] =	sbarrier.arrive $0xFFFF  }
0x9e: {  	_ =	strace $0x90000053  }
0x9f: {  	s0 =	stileid.u32;
	[bflag:$0x2] =	sbarrier.arrive $0xFFFF  }
0xa0: {  	p0 =	sne.s32 s0, $0x0;
	s0 =	rddreg [dreg:$0x2]  }
0xa1: {  	s0 =	sadd.s32 @!p0 $0x100000, s0  }
0xa2: {  	[sflag:s0] =	ssyncadd.tile.s32 @!p0 $0x1;
	_ =	shalt  }
.Lfunc_end2:
_tile_overlayer_lowered:
.L_overlay_start_2:
0xa3: {  	(tag) =	ssettag $0x2  }
0xa4: {  	s0 =	rddreg [dreg:$0x0];
	s2 =	stileid.u32  }
0xa5: {  	s1 =	rddreg [dreg:$0x1];
	p0 =	sne.s32 s2, $0x0  }
0xa6: {  	s3 =	rddreg [dreg:$0x2];
	[bflag:$0x3] =	sbarrier.arrive $0xFFFF;
	s2 =	simm.s32 @!p0 $0x1C06  }
0xa7: {  	[timem:s3], [sflag:s2] =	dma.local @!p0 [hbm:s0], s1  }
0xa8: {  	s0 =	simm.s32 @!p0 $0x6  }
0xa9: {  	_ =	swait.ge @!p0 [sflag:s0], s1  }
0xaa: {  	s1 =	ssub.s32 @!p0 $0x0, s1;
	[sflag:s0] =	ssyncset.done @!p0 $0x0  }
0xab: {  	[sflag:s0] =	ssyncadd.s32 @!p0 s1  }
0xac: {  	[bflag:$0x3] =	sbarrier.arrive $0xFFFF  }
0xad: {  	_ =	shalt  }

</sc_bundles>
